<compile_context>
chip_gen: v7x
topology: tpu7x:2x2x1
jax: 0.10.2.dev20260603
libtpu: 0.0.44.dev20260713+nightly
codegen_flags: <defaults>
</compile_context>

<pallas_src>
import jax
import jax.numpy as jnp
from jax import lax
from jax.experimental import pallas as pl
from jax.experimental.pallas import tpu as pltpu
from jax.experimental.pallas import tpu_sc as plsc

BATCH = 16384
HIST = 50
DIM = 64
NB = 128
NBLK = HIST * (BATCH // NB)
NC = 2
NS = 16
NW = NC * NS
BLK_PER_W = NBLK // NW
L = 16
TSTRIDE = NB + 1
NSETS = 4


def _body(xt_hbm, tab_hbm, out_hbm, idx_v, rows_v, t_v, gsem, wsem):
    wid = lax.axis_index("s") * NC + lax.axis_index("c")
    g0 = wid * BLK_PER_W

    pltpu.sync_copy(xt_hbm.at[pl.ds(g0, BLK_PER_W)], idx_v)

    iota = lax.iota(jnp.int32, L)
    jtr = [(iota + k * L) // 8 for k in range(DIM // L)]
    jr = [(iota + k * L) % 8 for k in range(DIM // L)]

    def fire(g, s):
        pltpu.async_copy(tab_hbm.at[idx_v.at[g]], rows_v.at[s], gsem.at[s])

    def drain_writes(s):
        pltpu.make_async_copy(
            tab_hbm.at[pl.ds(0, NB)], rows_v.at[s], wsem.at[s]
        ).wait()

    for s in range(NSETS - 1):
        fire(s, s)

    @pl.loop(0, BLK_PER_W, step=NSETS)
    def _blk(gl):
        for s in range(NSETS):
            g = gl + s

            @pl.when(g + NSETS - 1 < BLK_PER_W)
            def _():
                fire(g + NSETS - 1, (s + NSETS - 1) % NSETS)

            pltpu.make_async_copy(
                tab_hbm.at[pl.ds(0, NB)], rows_v.at[s], gsem.at[s]
            ).wait()

            @pl.when(g >= NSETS)
            def _():
                drain_writes(s)

            @pl.loop(0, NB, unroll=4)
            def _c(c):
                cidx = jnp.full((L,), c, jnp.int32)
                for k in range(DIM // L):
                    vals = rows_v[s, c, pl.ds(k * L, L)]
                    plsc.store_scatter(t_v.at[s], [jtr[k], jr[k], cidx], vals)

            gg = g0 + g
            h = gg // 128
            bc = gg % 128
            pltpu.async_copy(
                t_v.at[s].at[:, :, pl.ds(0, NB)],
                out_hbm.at[h, :, bc],
                wsem.at[s],
            )

    for s in range(NSETS):
        drain_writes(s)


def kernel(x, table):
    xt = x.T.reshape(NBLK, NB).astype(jnp.int32)
    mesh = plsc.VectorSubcoreMesh(core_axis_name="c", subcore_axis_name="s")
    grab = pl.kernel(
        _body,
        out_type=jax.ShapeDtypeStruct((HIST, 8, 128, 8, NB), jnp.float32),
        mesh=mesh,
        scratch_types=[
            pltpu.VMEM((BLK_PER_W, NB), jnp.int32),
            pltpu.VMEM((NSETS, NB, DIM), jnp.float32),
            pltpu.VMEM((NSETS, 8, 8, TSTRIDE), jnp.float32),
            pltpu.SemaphoreType.DMA((NSETS,)),
            pltpu.SemaphoreType.DMA((NSETS,)),
        ],
        compiler_params=pltpu.CompilerParams(
            use_tc_tiling_on_sc=False, needs_layout_passes=False
        ),
    )
    out5 = grab(xt, table)
    return jnp.transpose(out5, (2, 4, 0, 1, 3)).reshape(BATCH, HIST, DIM)

# --- scband reference (transcript-rebuilt; emitter-appended) ---
"""Pipeline reference for scband-position-encoder-3891240370530 (READ-ONLY COPY).

The authoritative reference and input builder live on the scoring server;
editing this copy changes nothing except your own understanding.
"""

import jax, jax.numpy as jnp
import numpy as np

NUM_CLASSES = 1000000
OUTPUT_DIM = 64
BATCH = 16384
HIST = 50

def setup_inputs(seed: int = 0) -> dict:
    key = jax.random.key(seed)
    k1, k2 = jax.random.split(key)
    x = jax.random.randint(k1, (BATCH, HIST), 0, NUM_CLASSES, dtype=jnp.int64 if jax.config.jax_enable_x64 else jnp.int32)
    table = jax.random.normal(k2, (NUM_CLASSES, OUTPUT_DIM), dtype=jnp.float32)
    return {"x": x, "table": table}

def reference(x, table):
    # nn.Embedding lookup: gather rows of the table by index
    return jnp.take(table, x, axis=0)

if __name__ == "__main__":
    import jax
    _d = setup_inputs()
    print(jax.jit(kernel)(*tuple(_d.values())))

</pallas_src>

<mosaic_0001>
#map = affine_map<(d0, d1) -> (0, 0)>
#map1 = affine_map<(d0, d1) -> (0, 0, 0, 0, 0)>
module attributes {stable_mosaic.version = 14 : i64} {
  func.func @_body(%arg0: i32, %arg1: i32, %arg2: memref<6400x128xi32, #tpu.memory_space<hbm>>, %arg3: memref<1000000x64xf32, #tpu.memory_space<hbm>>, %arg4: memref<50x8x128x8x128xf32, #tpu.memory_space<hbm>>, %arg5: memref<200x128xi32, #tpu.memory_space<vmem>>, %arg6: memref<4x128x64xf32, #tpu.memory_space<vmem>>, %arg7: memref<4x8x8x129xf32, #tpu.memory_space<vmem>>, %arg8: memref<4x!tpu.dma_semaphore, #tpu.memory_space<semaphore_mem>>, %arg9: memref<4x!tpu.dma_semaphore, #tpu.memory_space<semaphore_mem>>) attributes {dimension_semantics = [#tpu.dimension_semantics<core_parallel>, #tpu.dimension_semantics<subcore_parallel>], iteration_bounds = array<i64: 2, 16>, scalar_prefetch = 0 : i64, scratch_operands = 5 : i64, tpu.core_type = #tpu.core_type<sc_vector_subcore>, window_params = [{transform_indices = #map}, {transform_indices = #map}, {transform_indices = #map1}]} {
    %mul3A = arith.constant 2 : i32
    %mul3A_0 = arith.muli %arg1, %mul3A : i32
    %add3A = arith.addi %mul3A_0, %arg0 : i32
    %mul3A_1 = arith.constant 200 : i32
    %mul3A_2 = arith.muli %add3A, %mul3A_1 : i32
    "tpu.region"() ({
      %run_scoped3A = tpu.sem_alloc : memref<!tpu.dma_semaphore, #tpu.memory_space<semaphore_mem>>
      %dma_start3A_348 = arith.constant 0 : i32
      %dma_start3A_349 = tpu.memref_slice %arg2[%mul3A_2, %dma_start3A_348] : memref<6400x128xi32, #tpu.memory_space<hbm>> -> memref<200x128xi32, #tpu.memory_space<hbm>>
      %dma_start3A_350 = arith.constant 0 : i32
      %dma_start3A_351 = tpu.memref_slice %arg2[%mul3A_2, %dma_start3A_350] : memref<6400x128xi32, #tpu.memory_space<hbm>> -> memref<200x128xi32, #tpu.memory_space<hbm>>
      tpu.enqueue_dma source(%dma_start3A_351 : memref<200x128xi32, #tpu.memory_space<hbm>>) target(%arg5 : memref<200x128xi32, #tpu.memory_space<vmem>>) target_semaphore(%run_scoped3A : memref<!tpu.dma_semaphore, #tpu.memory_space<semaphore_mem>>)
      %dma_wait3A_352 = arith.constant 0 : i32
      %dma_wait3A_353 = tpu.memref_slice %arg2[%mul3A_2, %dma_wait3A_352] : memref<6400x128xi32, #tpu.memory_space<hbm>> -> memref<200x128xi32, #tpu.memory_space<hbm>>
      %dma_wait3A_354 = arith.constant 0 : i32
      %dma_wait3A_355 = tpu.memref_slice %arg2[%mul3A_2, %dma_wait3A_354] : memref<6400x128xi32, #tpu.memory_space<hbm>> -> memref<200x128xi32, #tpu.memory_space<hbm>>
      tpu.wait_dma2 semaphore(%run_scoped3A : memref<!tpu.dma_semaphore, #tpu.memory_space<semaphore_mem>>) src(%dma_wait3A_355 : memref<200x128xi32, #tpu.memory_space<hbm>>) dst(%arg5 : memref<200x128xi32, #tpu.memory_space<vmem>>)
      tpu.yield
    }) : () -> ()
    %iota3A = tpu.iota {dimensions = array<i32: 0>} : vector<16xi32>
    %add3A_3 = arith.constant 0 : i32
    %add3A_4 = vector.broadcast %add3A_3 : i32 to vector<16xi32>
    %add3A_5 = arith.addi %iota3A, %add3A_4 : vector<16xi32>
    %jit3A = arith.constant 8 : i32
    %div3A = vector.broadcast %jit3A : i32 to vector<16xi32>
    %div3A_6 = arith.divsi %add3A_5, %div3A : vector<16xi32>
    %sign3A = arith.constant 0 : i32
    %sign3A_7 = vector.broadcast %sign3A : i32 to vector<16xi32>
    %sign3A_8 = arith.cmpi sgt, %add3A_5, %sign3A_7 : vector<16xi32>
    %sign3A_9 = arith.extui %sign3A_8 : vector<16xi1> to vector<16xi32>
    %sign3A_10 = arith.constant 0 : i32
    %sign3A_11 = vector.broadcast %sign3A_10 : i32 to vector<16xi32>
    %sign3A_12 = arith.cmpi slt, %add3A_5, %sign3A_11 : vector<16xi32>
    %sign3A_13 = arith.extui %sign3A_12 : vector<16xi1> to vector<16xi32>
    %sign3A_14 = arith.subi %sign3A_9, %sign3A_13 : vector<16xi32>
    %sign3A_15 = arith.constant 0 : i32
    %sign3A_16 = arith.cmpi sgt, %jit3A, %sign3A_15 : i32
    %sign3A_17 = arith.extui %sign3A_16 : i1 to i32
    %sign3A_18 = arith.constant 0 : i32
    %sign3A_19 = arith.cmpi slt, %jit3A, %sign3A_18 : i32
    %sign3A_20 = arith.extui %sign3A_19 : i1 to i32
    %sign3A_21 = arith.subi %sign3A_17, %sign3A_20 : i32
    %ne3A = vector.broadcast %sign3A_21 : i32 to vector<16xi32>
    %ne3A_22 = arith.cmpi ne, %sign3A_14, %ne3A : vector<16xi32>
    %rem3A = vector.broadcast %jit3A : i32 to vector<16xi32>
    %rem3A_23 = arith.remsi %add3A_5, %rem3A : vector<16xi32>
    %ne3A_24 = arith.constant 0 : i32
    %ne3A_25 = vector.broadcast %ne3A_24 : i32 to vector<16xi32>
    %ne3A_26 = arith.cmpi ne, %rem3A_23, %ne3A_25 : vector<16xi32>
    %and3A = arith.andi %ne3A_22, %ne3A_26 : vector<16xi1>
    %sub3A = arith.constant 1 : i32
    %sub3A_27 = vector.broadcast %sub3A : i32 to vector<16xi32>
    %sub3A_28 = arith.subi %div3A_6, %sub3A_27 : vector<16xi32>
    %select_n3A = arith.select %and3A, %sub3A_28, %div3A_6 : vector<16xi1>, vector<16xi32>
    %add3A_29 = arith.constant 16 : i32
    %add3A_30 = vector.broadcast %add3A_29 : i32 to vector<16xi32>
    %add3A_31 = arith.addi %iota3A, %add3A_30 : vector<16xi32>
    %jit3A_32 = arith.constant 8 : i32
    %div3A_33 = vector.broadcast %jit3A_32 : i32 to vector<16xi32>
    %div3A_34 = arith.divsi %add3A_31, %div3A_33 : vector<16xi32>
    %sign3A_35 = arith.constant 0 : i32
    %sign3A_36 = vector.broadcast %sign3A_35 : i32 to vector<16xi32>
    %sign3A_37 = arith.cmpi sgt, %add3A_31, %sign3A_36 : vector<16xi32>
    %sign3A_38 = arith.extui %sign3A_37 : vector<16xi1> to vector<16xi32>
    %sign3A_39 = arith.constant 0 : i32
    %sign3A_40 = vector.broadcast %sign3A_39 : i32 to vector<16xi32>
    %sign3A_41 = arith.cmpi slt, %add3A_31, %sign3A_40 : vector<16xi32>
    %sign3A_42 = arith.extui %sign3A_41 : vector<16xi1> to vector<16xi32>
    %sign3A_43 = arith.subi %sign3A_38, %sign3A_42 : vector<16xi32>
    %sign3A_44 = arith.constant 0 : i32
    %sign3A_45 = arith.cmpi sgt, %jit3A_32, %sign3A_44 : i32
    %sign3A_46 = arith.extui %sign3A_45 : i1 to i32
    %sign3A_47 = arith.constant 0 : i32
    %sign3A_48 = arith.cmpi slt, %jit3A_32, %sign3A_47 : i32
    %sign3A_49 = arith.extui %sign3A_48 : i1 to i32
    %sign3A_50 = arith.subi %sign3A_46, %sign3A_49 : i32
    %ne3A_51 = vector.broadcast %sign3A_50 : i32 to vector<16xi32>
    %ne3A_52 = arith.cmpi ne, %sign3A_43, %ne3A_51 : vector<16xi32>
    %rem3A_53 = vector.broadcast %jit3A_32 : i32 to vector<16xi32>
    %rem3A_54 = arith.remsi %add3A_31, %rem3A_53 : vector<16xi32>
    %ne3A_55 = arith.constant 0 : i32
    %ne3A_56 = vector.broadcast %ne3A_55 : i32 to vector<16xi32>
    %ne3A_57 = arith.cmpi ne, %rem3A_54, %ne3A_56 : vector<16xi32>
    %and3A_58 = arith.andi %ne3A_52, %ne3A_57 : vector<16xi1>
    %sub3A_59 = arith.constant 1 : i32
    %sub3A_60 = vector.broadcast %sub3A_59 : i32 to vector<16xi32>
    %sub3A_61 = arith.subi %div3A_34, %sub3A_60 : vector<16xi32>
    %select_n3A_62 = arith.select %and3A_58, %sub3A_61, %div3A_34 : vector<16xi1>, vector<16xi32>
    %add3A_63 = arith.constant 32 : i32
    %add3A_64 = vector.broadcast %add3A_63 : i32 to vector<16xi32>
    %add3A_65 = arith.addi %iota3A, %add3A_64 : vector<16xi32>
    %jit3A_66 = arith.constant 8 : i32
    %div3A_67 = vector.broadcast %jit3A_66 : i32 to vector<16xi32>
    %div3A_68 = arith.divsi %add3A_65, %div3A_67 : vector<16xi32>
    %sign3A_69 = arith.constant 0 : i32
    %sign3A_70 = vector.broadcast %sign3A_69 : i32 to vector<16xi32>
    %sign3A_71 = arith.cmpi sgt, %add3A_65, %sign3A_70 : vector<16xi32>
    %sign3A_72 = arith.extui %sign3A_71 : vector<16xi1> to vector<16xi32>
    %sign3A_73 = arith.constant 0 : i32
    %sign3A_74 = vector.broadcast %sign3A_73 : i32 to vector<16xi32>
    %sign3A_75 = arith.cmpi slt, %add3A_65, %sign3A_74 : vector<16xi32>
    %sign3A_76 = arith.extui %sign3A_75 : vector<16xi1> to vector<16xi32>
    %sign3A_77 = arith.subi %sign3A_72, %sign3A_76 : vector<16xi32>
    %sign3A_78 = arith.constant 0 : i32
    %sign3A_79 = arith.cmpi sgt, %jit3A_66, %sign3A_78 : i32
    %sign3A_80 = arith.extui %sign3A_79 : i1 to i32
    %sign3A_81 = arith.constant 0 : i32
    %sign3A_82 = arith.cmpi slt, %jit3A_66, %sign3A_81 : i32
    %sign3A_83 = arith.extui %sign3A_82 : i1 to i32
    %sign3A_84 = arith.subi %sign3A_80, %sign3A_83 : i32
    %ne3A_85 = vector.broadcast %sign3A_84 : i32 to vector<16xi32>
    %ne3A_86 = arith.cmpi ne, %sign3A_77, %ne3A_85 : vector<16xi32>
    %rem3A_87 = vector.broadcast %jit3A_66 : i32 to vector<16xi32>
    %rem3A_88 = arith.remsi %add3A_65, %rem3A_87 : vector<16xi32>
    %ne3A_89 = arith.constant 0 : i32
    %ne3A_90 = vector.broadcast %ne3A_89 : i32 to vector<16xi32>
    %ne3A_91 = arith.cmpi ne, %rem3A_88, %ne3A_90 : vector<16xi32>
    %and3A_92 = arith.andi %ne3A_86, %ne3A_91 : vector<16xi1>
    %sub3A_93 = arith.constant 1 : i32
    %sub3A_94 = vector.broadcast %sub3A_93 : i32 to vector<16xi32>
    %sub3A_95 = arith.subi %div3A_68, %sub3A_94 : vector<16xi32>
    %select_n3A_96 = arith.select %and3A_92, %sub3A_95, %div3A_68 : vector<16xi1>, vector<16xi32>
    %add3A_97 = arith.constant 48 : i32
    %add3A_98 = vector.broadcast %add3A_97 : i32 to vector<16xi32>
    %add3A_99 = arith.addi %iota3A, %add3A_98 : vector<16xi32>
    %jit3A_100 = arith.constant 8 : i32
    %div3A_101 = vector.broadcast %jit3A_100 : i32 to vector<16xi32>
    %div3A_102 = arith.divsi %add3A_99, %div3A_101 : vector<16xi32>
    %sign3A_103 = arith.constant 0 : i32
    %sign3A_104 = vector.broadcast %sign3A_103 : i32 to vector<16xi32>
    %sign3A_105 = arith.cmpi sgt, %add3A_99, %sign3A_104 : vector<16xi32>
    %sign3A_106 = arith.extui %sign3A_105 : vector<16xi1> to vector<16xi32>
    %sign3A_107 = arith.constant 0 : i32
    %sign3A_108 = vector.broadcast %sign3A_107 : i32 to vector<16xi32>
    %sign3A_109 = arith.cmpi slt, %add3A_99, %sign3A_108 : vector<16xi32>
    %sign3A_110 = arith.extui %sign3A_109 : vector<16xi1> to vector<16xi32>
    %sign3A_111 = arith.subi %sign3A_106, %sign3A_110 : vector<16xi32>
    %sign3A_112 = arith.constant 0 : i32
    %sign3A_113 = arith.cmpi sgt, %jit3A_100, %sign3A_112 : i32
    %sign3A_114 = arith.extui %sign3A_113 : i1 to i32
    %sign3A_115 = arith.constant 0 : i32
    %sign3A_116 = arith.cmpi slt, %jit3A_100, %sign3A_115 : i32
    %sign3A_117 = arith.extui %sign3A_116 : i1 to i32
    %sign3A_118 = arith.subi %sign3A_114, %sign3A_117 : i32
    %ne3A_119 = vector.broadcast %sign3A_118 : i32 to vector<16xi32>
    %ne3A_120 = arith.cmpi ne, %sign3A_111, %ne3A_119 : vector<16xi32>
    %rem3A_121 = vector.broadcast %jit3A_100 : i32 to vector<16xi32>
    %rem3A_122 = arith.remsi %add3A_99, %rem3A_121 : vector<16xi32>
    %ne3A_123 = arith.constant 0 : i32
    %ne3A_124 = vector.broadcast %ne3A_123 : i32 to vector<16xi32>
    %ne3A_125 = arith.cmpi ne, %rem3A_122, %ne3A_124 : vector<16xi32>
    %and3A_126 = arith.andi %ne3A_120, %ne3A_125 : vector<16xi1>
    %sub3A_127 = arith.constant 1 : i32
    %sub3A_128 = vector.broadcast %sub3A_127 : i32 to vector<16xi32>
    %sub3A_129 = arith.subi %div3A_102, %sub3A_128 : vector<16xi32>
    %select_n3A_130 = arith.select %and3A_126, %sub3A_129, %div3A_102 : vector<16xi1>, vector<16xi32>
    %add3A_131 = arith.constant 0 : i32
    %add3A_132 = vector.broadcast %add3A_131 : i32 to vector<16xi32>
    %add3A_133 = arith.addi %iota3A, %add3A_132 : vector<16xi32>
    %jit3A_134 = arith.constant 8 : i32
    %eq3A = arith.constant 0 : i32
    %eq3A_135 = arith.cmpi eq, %jit3A_134, %eq3A : i32
    %jit3A_136 = arith.constant 1 : i32
    %select_n3A_137 = arith.select %eq3A_135, %jit3A_136, %jit3A_134 : i32
    %rem3A_138 = vector.broadcast %select_n3A_137 : i32 to vector<16xi32>
    %rem3A_139 = arith.remsi %add3A_133, %rem3A_138 : vector<16xi32>
    %ne3A_140 = arith.constant 0 : i32
    %ne3A_141 = vector.broadcast %ne3A_140 : i32 to vector<16xi32>
    %ne3A_142 = arith.cmpi ne, %rem3A_139, %ne3A_141 : vector<16xi32>
    %lt3A = arith.constant 0 : i32
    %lt3A_143 = vector.broadcast %lt3A : i32 to vector<16xi32>
    %lt3A_144 = arith.cmpi slt, %rem3A_139, %lt3A_143 : vector<16xi32>
    %lt3A_145 = arith.constant 0 : i32
    %lt3A_146 = arith.cmpi slt, %select_n3A_137, %lt3A_145 : i32
    %ne3A_147 = vector.broadcast %lt3A_146 : i1 to vector<16xi1>
    %ne3A_148 = vector.broadcast %ne3A_147 : vector<16xi1> to vector<16xi1>
    %ne3A_149 = arith.xori %lt3A_144, %ne3A_148 : vector<16xi1>
    %and3A_150 = arith.andi %ne3A_149, %ne3A_142 : vector<16xi1>
    %add3A_151 = vector.broadcast %select_n3A_137 : i32 to vector<16xi32>
    %add3A_152 = arith.addi %rem3A_139, %add3A_151 : vector<16xi32>
    %select_n3A_153 = arith.select %and3A_150, %add3A_152, %rem3A_139 : vector<16xi1>, vector<16xi32>
    %add3A_154 = arith.constant 16 : i32
    %add3A_155 = vector.broadcast %add3A_154 : i32 to vector<16xi32>
    %add3A_156 = arith.addi %iota3A, %add3A_155 : vector<16xi32>
    %jit3A_157 = arith.constant 8 : i32
    %eq3A_158 = arith.constant 0 : i32
    %eq3A_159 = arith.cmpi eq, %jit3A_157, %eq3A_158 : i32
    %jit3A_160 = arith.constant 1 : i32
    %select_n3A_161 = arith.select %eq3A_159, %jit3A_160, %jit3A_157 : i32
    %rem3A_162 = vector.broadcast %select_n3A_161 : i32 to vector<16xi32>
    %rem3A_163 = arith.remsi %add3A_156, %rem3A_162 : vector<16xi32>
    %ne3A_164 = arith.constant 0 : i32
    %ne3A_165 = vector.broadcast %ne3A_164 : i32 to vector<16xi32>
    %ne3A_166 = arith.cmpi ne, %rem3A_163, %ne3A_165 : vector<16xi32>
    %lt3A_167 = arith.constant 0 : i32
    %lt3A_168 = vector.broadcast %lt3A_167 : i32 to vector<16xi32>
    %lt3A_169 = arith.cmpi slt, %rem3A_163, %lt3A_168 : vector<16xi32>
    %lt3A_170 = arith.constant 0 : i32
    %lt3A_171 = arith.cmpi slt, %select_n3A_161, %lt3A_170 : i32
    %ne3A_172 = vector.broadcast %lt3A_171 : i1 to vector<16xi1>
    %ne3A_173 = vector.broadcast %ne3A_172 : vector<16xi1> to vector<16xi1>
    %ne3A_174 = arith.xori %lt3A_169, %ne3A_173 : vector<16xi1>
    %and3A_175 = arith.andi %ne3A_174, %ne3A_166 : vector<16xi1>
    %add3A_176 = vector.broadcast %select_n3A_161 : i32 to vector<16xi32>
    %add3A_177 = arith.addi %rem3A_163, %add3A_176 : vector<16xi32>
    %select_n3A_178 = arith.select %and3A_175, %add3A_177, %rem3A_163 : vector<16xi1>, vector<16xi32>
    %add3A_179 = arith.constant 32 : i32
    %add3A_180 = vector.broadcast %add3A_179 : i32 to vector<16xi32>
    %add3A_181 = arith.addi %iota3A, %add3A_180 : vector<16xi32>
    %jit3A_182 = arith.constant 8 : i32
    %eq3A_183 = arith.constant 0 : i32
    %eq3A_184 = arith.cmpi eq, %jit3A_182, %eq3A_183 : i32
    %jit3A_185 = arith.constant 1 : i32
    %select_n3A_186 = arith.select %eq3A_184, %jit3A_185, %jit3A_182 : i32
    %rem3A_187 = vector.broadcast %select_n3A_186 : i32 to vector<16xi32>
    %rem3A_188 = arith.remsi %add3A_181, %rem3A_187 : vector<16xi32>
    %ne3A_189 = arith.constant 0 : i32
    %ne3A_190 = vector.broadcast %ne3A_189 : i32 to vector<16xi32>
    %ne3A_191 = arith.cmpi ne, %rem3A_188, %ne3A_190 : vector<16xi32>
    %lt3A_192 = arith.constant 0 : i32
    %lt3A_193 = vector.broadcast %lt3A_192 : i32 to vector<16xi32>
    %lt3A_194 = arith.cmpi slt, %rem3A_188, %lt3A_193 : vector<16xi32>
    %lt3A_195 = arith.constant 0 : i32
    %lt3A_196 = arith.cmpi slt, %select_n3A_186, %lt3A_195 : i32
    %ne3A_197 = vector.broadcast %lt3A_196 : i1 to vector<16xi1>
    %ne3A_198 = vector.broadcast %ne3A_197 : vector<16xi1> to vector<16xi1>
    %ne3A_199 = arith.xori %lt3A_194, %ne3A_198 : vector<16xi1>
    %and3A_200 = arith.andi %ne3A_199, %ne3A_191 : vector<16xi1>
    %add3A_201 = vector.broadcast %select_n3A_186 : i32 to vector<16xi32>
    %add3A_202 = arith.addi %rem3A_188, %add3A_201 : vector<16xi32>
    %select_n3A_203 = arith.select %and3A_200, %add3A_202, %rem3A_188 : vector<16xi1>, vector<16xi32>
    %add3A_204 = arith.constant 48 : i32
    %add3A_205 = vector.broadcast %add3A_204 : i32 to vector<16xi32>
    %add3A_206 = arith.addi %iota3A, %add3A_205 : vector<16xi32>
    %jit3A_207 = arith.constant 8 : i32
    %eq3A_208 = arith.constant 0 : i32
    %eq3A_209 = arith.cmpi eq, %jit3A_207, %eq3A_208 : i32
    %jit3A_210 = arith.constant 1 : i32
    %select_n3A_211 = arith.select %eq3A_209, %jit3A_210, %jit3A_207 : i32
    %rem3A_212 = vector.broadcast %select_n3A_211 : i32 to vector<16xi32>
    %rem3A_213 = arith.remsi %add3A_206, %rem3A_212 : vector<16xi32>
    %ne3A_214 = arith.constant 0 : i32
    %ne3A_215 = vector.broadcast %ne3A_214 : i32 to vector<16xi32>
    %ne3A_216 = arith.cmpi ne, %rem3A_213, %ne3A_215 : vector<16xi32>
    %lt3A_217 = arith.constant 0 : i32
    %lt3A_218 = vector.broadcast %lt3A_217 : i32 to vector<16xi32>
    %lt3A_219 = arith.cmpi slt, %rem3A_213, %lt3A_218 : vector<16xi32>
    %lt3A_220 = arith.constant 0 : i32
    %lt3A_221 = arith.cmpi slt, %select_n3A_211, %lt3A_220 : i32
    %ne3A_222 = vector.broadcast %lt3A_221 : i1 to vector<16xi1>
    %ne3A_223 = vector.broadcast %ne3A_222 : vector<16xi1> to vector<16xi1>
    %ne3A_224 = arith.xori %lt3A_219, %ne3A_223 : vector<16xi1>
    %and3A_225 = arith.andi %ne3A_224, %ne3A_216 : vector<16xi1>
    %add3A_226 = vector.broadcast %select_n3A_211 : i32 to vector<16xi32>
    %add3A_227 = arith.addi %rem3A_213, %add3A_226 : vector<16xi32>
    %select_n3A_228 = arith.select %and3A_225, %add3A_227, %rem3A_213 : vector<16xi1>, vector<16xi32>
    %dma_start3A = arith.constant 0 : i32
    %dma_start3A_229 = arith.constant 0 : i32
    %dma_start3A_230 = arith.constant 0 : i32
    %dma_start3A_231 = arith.constant 0 : i32
    %dma_start3A_232 = arith.constant 0 : i32
    %dma_start3A_233 = tpu.memref_slice %arg6[%dma_start3A_229, %dma_start3A_231, %dma_start3A_232] : memref<4x128x64xf32, #tpu.memory_space<vmem>> -> memref<1x128x64xf32, #tpu.memory_space<vmem>>
    %dma_start3A_234 = tpu.memref_squeeze %dma_start3A_233 : memref<1x128x64xf32, #tpu.memory_space<vmem>> -> memref<128x64xf32, #tpu.memory_space<vmem>>
    %dma_start3A_235 = arith.constant 0 : i32
    %dma_start3A_236 = tpu.memref_slice %arg5[%dma_start3A, %dma_start3A_235] : memref<200x128xi32, #tpu.memory_space<vmem>> -> memref<1x128xi32, #tpu.memory_space<vmem>>
    %dma_start3A_237 = tpu.memref_squeeze %dma_start3A_236 : memref<1x128xi32, #tpu.memory_space<vmem>> -> memref<128xi32, #tpu.memory_space<vmem>>
    %dma_start3A_238 = arith.constant 0 : i32
    %dma_start3A_239 = arith.constant 0 : i32
    %dma_start3A_240 = tpu.memref_slice %arg3[%dma_start3A_238, %dma_start3A_239] : memref<1000000x64xf32, #tpu.memory_space<hbm>> -> memref<1000000x64xf32, #tpu.memory_space<hbm>>
    %dma_start3A_241 = tpu.memref_slice %arg8[%dma_start3A_230] : memref<4x!tpu.dma_semaphore, #tpu.memory_space<semaphore_mem>> -> memref<1x!tpu.dma_semaphore, #tpu.memory_space<semaphore_mem>>
    %dma_start3A_242 = tpu.memref_squeeze %dma_start3A_241 : memref<1x!tpu.dma_semaphore, #tpu.memory_space<semaphore_mem>> -> memref<!tpu.dma_semaphore, #tpu.memory_space<semaphore_mem>>
    tpu.enqueue_indirect_dma source(%dma_start3A_240 : memref<1000000x64xf32, #tpu.memory_space<hbm>>) target(%dma_start3A_234 : memref<128x64xf32, #tpu.memory_space<vmem>>) offsets(%dma_start3A_237 : memref<128xi32, #tpu.memory_space<vmem>>) semaphore(%dma_start3A_242 : memref<!tpu.dma_semaphore, #tpu.memory_space<semaphore_mem>>)
    %dma_start3A_243 = arith.constant 1 : i32
    %dma_start3A_244 = arith.constant 1 : i32
    %dma_start3A_245 = arith.constant 1 : i32
    %dma_start3A_246 = arith.constant 0 : i32
    %dma_start3A_247 = arith.constant 0 : i32
    %dma_start3A_248 = tpu.memref_slice %arg6[%dma_start3A_244, %dma_start3A_246, %dma_start3A_247] : memref<4x128x64xf32, #tpu.memory_space<vmem>> -> memref<1x128x64xf32, #tpu.memory_space<vmem>>
    %dma_start3A_249 = tpu.memref_squeeze %dma_start3A_248 : memref<1x128x64xf32, #tpu.memory_space<vmem>> -> memref<128x64xf32, #tpu.memory_space<vmem>>
    %dma_start3A_250 = arith.constant 0 : i32
    %dma_start3A_251 = tpu.memref_slice %arg5[%dma_start3A_243, %dma_start3A_250] : memref<200x128xi32, #tpu.memory_space<vmem>> -> memref<1x128xi32, #tpu.memory_space<vmem>>
    %dma_start3A_252 = tpu.memref_squeeze %dma_start3A_251 : memref<1x128xi32, #tpu.memory_space<vmem>> -> memref<128xi32, #tpu.memory_space<vmem>>
    %dma_start3A_253 = arith.constant 0 : i32
    %dma_start3A_254 = arith.constant 0 : i32
    %dma_start3A_255 = tpu.memref_slice %arg3[%dma_start3A_253, %dma_start3A_254] : memref<1000000x64xf32, #tpu.memory_space<hbm>> -> memref<1000000x64xf32, #tpu.memory_space<hbm>>
    %dma_start3A_256 = tpu.memref_slice %arg8[%dma_start3A_245] : memref<4x!tpu.dma_semaphore, #tpu.memory_space<semaphore_mem>> -> memref<1x!tpu.dma_semaphore, #tpu.memory_space<semaphore_mem>>
    %dma_start3A_257 = tpu.memref_squeeze %dma_start3A_256 : memref<1x!tpu.dma_semaphore, #tpu.memory_space<semaphore_mem>> -> memref<!tpu.dma_semaphore, #tpu.memory_space<semaphore_mem>>
    tpu.enqueue_indirect_dma source(%dma_start3A_255 : memref<1000000x64xf32, #tpu.memory_space<hbm>>) target(%dma_start3A_249 : memref<128x64xf32, #tpu.memory_space<vmem>>) offsets(%dma_start3A_252 : memref<128xi32, #tpu.memory_space<vmem>>) semaphore(%dma_start3A_257 : memref<!tpu.dma_semaphore, #tpu.memory_space<semaphore_mem>>)
    %dma_start3A_258 = arith.constant 2 : i32
    %dma_start3A_259 = arith.constant 2 : i32
    %dma_start3A_260 = arith.constant 2 : i32
    %dma_start3A_261 = arith.constant 0 : i32
    %dma_start3A_262 = arith.constant 0 : i32
    %dma_start3A_263 = tpu.memref_slice %arg6[%dma_start3A_259, %dma_start3A_261, %dma_start3A_262] : memref<4x128x64xf32, #tpu.memory_space<vmem>> -> memref<1x128x64xf32, #tpu.memory_space<vmem>>
    %dma_start3A_264 = tpu.memref_squeeze %dma_start3A_263 : memref<1x128x64xf32, #tpu.memory_space<vmem>> -> memref<128x64xf32, #tpu.memory_space<vmem>>
    %dma_start3A_265 = arith.constant 0 : i32
    %dma_start3A_266 = tpu.memref_slice %arg5[%dma_start3A_258, %dma_start3A_265] : memref<200x128xi32, #tpu.memory_space<vmem>> -> memref<1x128xi32, #tpu.memory_space<vmem>>
    %dma_start3A_267 = tpu.memref_squeeze %dma_start3A_266 : memref<1x128xi32, #tpu.memory_space<vmem>> -> memref<128xi32, #tpu.memory_space<vmem>>
    %dma_start3A_268 = arith.constant 0 : i32
    %dma_start3A_269 = arith.constant 0 : i32
    %dma_start3A_270 = tpu.memref_slice %arg3[%dma_start3A_268, %dma_start3A_269] : memref<1000000x64xf32, #tpu.memory_space<hbm>> -> memref<1000000x64xf32, #tpu.memory_space<hbm>>
    %dma_start3A_271 = tpu.memref_slice %arg8[%dma_start3A_260] : memref<4x!tpu.dma_semaphore, #tpu.memory_space<semaphore_mem>> -> memref<1x!tpu.dma_semaphore, #tpu.memory_space<semaphore_mem>>
    %dma_start3A_272 = tpu.memref_squeeze %dma_start3A_271 : memref<1x!tpu.dma_semaphore, #tpu.memory_space<semaphore_mem>> -> memref<!tpu.dma_semaphore, #tpu.memory_space<semaphore_mem>>
    tpu.enqueue_indirect_dma source(%dma_start3A_270 : memref<1000000x64xf32, #tpu.memory_space<hbm>>) target(%dma_start3A_264 : memref<128x64xf32, #tpu.memory_space<vmem>>) offsets(%dma_start3A_267 : memref<128xi32, #tpu.memory_space<vmem>>) semaphore(%dma_start3A_272 : memref<!tpu.dma_semaphore, #tpu.memory_space<semaphore_mem>>)
    %scan3A = arith.constant 0 : i32
    %scan3A_273 = arith.constant 50 : i32
    %scan3A_274 = arith.addi %scan3A, %scan3A_273 : i32
    %scan3A_275 = arith.constant 1 : i32
    scf.for %scan3A_348 = %scan3A to %scan3A_274 step %scan3A_275  : i32 {
      %mul3A_349 = arith.constant 4 : i32
      %mul3A_350 = arith.muli %scan3A_348, %mul3A_349 : i32
      %add3A_351 = arith.constant 0 : i32
      %add3A_352 = arith.addi %add3A_351, %mul3A_350 : i32
      %add3A_353 = arith.constant 0 : i32
      %add3A_354 = arith.addi %add3A_352, %add3A_353 : i32
      %add3A_355 = arith.constant 4 : i32
      %add3A_356 = arith.addi %add3A_354, %add3A_355 : i32
      %sub3A_357 = arith.constant 1 : i32
      %sub3A_358 = arith.subi %add3A_356, %sub3A_357 : i32
      %lt3A_359 = arith.constant 200 : i32
      %lt3A_360 = arith.cmpi slt, %sub3A_358, %lt3A_359 : i32
      %convert_element_type3A = arith.extui %lt3A_360 : i1 to i32
      %cond3A = arith.constant 0 : i32
      %cond3A_361 = arith.cmpi ne, %convert_element_type3A, %cond3A : i32
      scf.if %cond3A_361 {
        %add3A_798 = arith.constant 4 : i32
        %add3A_799 = arith.addi %add3A_354, %add3A_798 : i32
        %sub3A_800 = arith.constant 1 : i32
        %sub3A_801 = arith.subi %add3A_799, %sub3A_800 : i32
        %dma_start3A_802 = arith.constant 3 : i32
        %dma_start3A_803 = arith.constant 3 : i32
        %dma_start3A_804 = arith.constant 0 : i32
        %dma_start3A_805 = arith.constant 0 : i32
        %dma_start3A_806 = tpu.memref_slice %arg6[%dma_start3A_802, %dma_start3A_804, %dma_start3A_805] : memref<4x128x64xf32, #tpu.memory_space<vmem>> -> memref<1x128x64xf32, #tpu.memory_space<vmem>>
        %dma_start3A_807 = tpu.memref_squeeze %dma_start3A_806 : memref<1x128x64xf32, #tpu.memory_space<vmem>> -> memref<128x64xf32, #tpu.memory_space<vmem>>
        %dma_start3A_808 = arith.constant 0 : i32
        %dma_start3A_809 = tpu.memref_slice %arg5[%sub3A_801, %dma_start3A_808] : memref<200x128xi32, #tpu.memory_space<vmem>> -> memref<1x128xi32, #tpu.memory_space<vmem>>
        %dma_start3A_810 = tpu.memref_squeeze %dma_start3A_809 : memref<1x128xi32, #tpu.memory_space<vmem>> -> memref<128xi32, #tpu.memory_space<vmem>>
        %dma_start3A_811 = arith.constant 0 : i32
        %dma_start3A_812 = arith.constant 0 : i32
        %dma_start3A_813 = tpu.memref_slice %arg3[%dma_start3A_811, %dma_start3A_812] : memref<1000000x64xf32, #tpu.memory_space<hbm>> -> memref<1000000x64xf32, #tpu.memory_space<hbm>>
        %dma_start3A_814 = tpu.memref_slice %arg8[%dma_start3A_803] : memref<4x!tpu.dma_semaphore, #tpu.memory_space<semaphore_mem>> -> memref<1x!tpu.dma_semaphore, #tpu.memory_space<semaphore_mem>>
        %dma_start3A_815 = tpu.memref_squeeze %dma_start3A_814 : memref<1x!tpu.dma_semaphore, #tpu.memory_space<semaphore_mem>> -> memref<!tpu.dma_semaphore, #tpu.memory_space<semaphore_mem>>
        tpu.enqueue_indirect_dma source(%dma_start3A_813 : memref<1000000x64xf32, #tpu.memory_space<hbm>>) target(%dma_start3A_807 : memref<128x64xf32, #tpu.memory_space<vmem>>) offsets(%dma_start3A_810 : memref<128xi32, #tpu.memory_space<vmem>>) semaphore(%dma_start3A_815 : memref<!tpu.dma_semaphore, #tpu.memory_space<semaphore_mem>>)
      } else {
      }
      %dma_wait3A_362 = arith.constant 0 : i32
      %dma_wait3A_363 = arith.constant 0 : i32
      %dma_wait3A_364 = arith.constant 0 : i32
      %dma_wait3A_365 = arith.constant 0 : i32
      %dma_wait3A_366 = tpu.memref_slice %arg6[%dma_wait3A_362, %dma_wait3A_364, %dma_wait3A_365] : memref<4x128x64xf32, #tpu.memory_space<vmem>> -> memref<1x128x64xf32, #tpu.memory_space<vmem>>
      %dma_wait3A_367 = tpu.memref_squeeze %dma_wait3A_366 : memref<1x128x64xf32, #tpu.memory_space<vmem>> -> memref<128x64xf32, #tpu.memory_space<vmem>>
      %dma_wait3A_368 = arith.constant 0 : i32
      %dma_wait3A_369 = arith.constant 0 : i32
      %dma_wait3A_370 = tpu.memref_slice %arg3[%dma_wait3A_368, %dma_wait3A_369] : memref<1000000x64xf32, #tpu.memory_space<hbm>> -> memref<128x64xf32, #tpu.memory_space<hbm>>
      %dma_wait3A_371 = tpu.memref_slice %arg8[%dma_wait3A_363] : memref<4x!tpu.dma_semaphore, #tpu.memory_space<semaphore_mem>> -> memref<1x!tpu.dma_semaphore, #tpu.memory_space<semaphore_mem>>
      %dma_wait3A_372 = tpu.memref_squeeze %dma_wait3A_371 : memref<1x!tpu.dma_semaphore, #tpu.memory_space<semaphore_mem>> -> memref<!tpu.dma_semaphore, #tpu.memory_space<semaphore_mem>>
      %dma_wait3A_373 = arith.constant 0 : i32
      %dma_wait3A_374 = arith.constant 0 : i32
      %dma_wait3A_375 = tpu.memref_slice %arg6[%dma_wait3A_362, %dma_wait3A_373, %dma_wait3A_374] : memref<4x128x64xf32, #tpu.memory_space<vmem>> -> memref<1x128x64xf32, #tpu.memory_space<vmem>>
      %dma_wait3A_376 = tpu.memref_squeeze %dma_wait3A_375 : memref<1x128x64xf32, #tpu.memory_space<vmem>> -> memref<128x64xf32, #tpu.memory_space<vmem>>
      %dma_wait3A_377 = arith.constant 0 : i32
      %dma_wait3A_378 = arith.constant 0 : i32
      %dma_wait3A_379 = tpu.memref_slice %arg3[%dma_wait3A_377, %dma_wait3A_378] : memref<1000000x64xf32, #tpu.memory_space<hbm>> -> memref<128x64xf32, #tpu.memory_space<hbm>>
      tpu.wait_dma2 semaphore(%dma_wait3A_372 : memref<!tpu.dma_semaphore, #tpu.memory_space<semaphore_mem>>) src(%dma_wait3A_379 : memref<128x64xf32, #tpu.memory_space<hbm>>) dst(%dma_wait3A_376 : memref<128x64xf32, #tpu.memory_space<vmem>>)
      %ge3A = arith.constant 4 : i32
      %ge3A_380 = arith.cmpi sge, %add3A_354, %ge3A : i32
      %convert_element_type3A_381 = arith.extui %ge3A_380 : i1 to i32
      %cond3A_382 = arith.constant 0 : i32
      %cond3A_383 = arith.cmpi ne, %convert_element_type3A_381, %cond3A_382 : i32
      scf.if %cond3A_383 {
        %dma_wait3A_798 = arith.constant 0 : i32
        %dma_wait3A_799 = arith.constant 0 : i32
        %dma_wait3A_800 = arith.constant 0 : i32
        %dma_wait3A_801 = arith.constant 0 : i32
        %dma_wait3A_802 = tpu.memref_slice %arg6[%dma_wait3A_798, %dma_wait3A_800, %dma_wait3A_801] : memref<4x128x64xf32, #tpu.memory_space<vmem>> -> memref<1x128x64xf32, #tpu.memory_space<vmem>>
        %dma_wait3A_803 = tpu.memref_squeeze %dma_wait3A_802 : memref<1x128x64xf32, #tpu.memory_space<vmem>> -> memref<128x64xf32, #tpu.memory_space<vmem>>
        %dma_wait3A_804 = arith.constant 0 : i32
        %dma_wait3A_805 = arith.constant 0 : i32
        %dma_wait3A_806 = tpu.memref_slice %arg3[%dma_wait3A_804, %dma_wait3A_805] : memref<1000000x64xf32, #tpu.memory_space<hbm>> -> memref<128x64xf32, #tpu.memory_space<hbm>>
        %dma_wait3A_807 = tpu.memref_slice %arg9[%dma_wait3A_799] : memref<4x!tpu.dma_semaphore, #tpu.memory_space<semaphore_mem>> -> memref<1x!tpu.dma_semaphore, #tpu.memory_space<semaphore_mem>>
        %dma_wait3A_808 = tpu.memref_squeeze %dma_wait3A_807 : memref<1x!tpu.dma_semaphore, #tpu.memory_space<semaphore_mem>> -> memref<!tpu.dma_semaphore, #tpu.memory_space<semaphore_mem>>
        %dma_wait3A_809 = arith.constant 0 : i32
        %dma_wait3A_810 = arith.constant 0 : i32
        %dma_wait3A_811 = tpu.memref_slice %arg6[%dma_wait3A_798, %dma_wait3A_809, %dma_wait3A_810] : memref<4x128x64xf32, #tpu.memory_space<vmem>> -> memref<1x128x64xf32, #tpu.memory_space<vmem>>
        %dma_wait3A_812 = tpu.memref_squeeze %dma_wait3A_811 : memref<1x128x64xf32, #tpu.memory_space<vmem>> -> memref<128x64xf32, #tpu.memory_space<vmem>>
        %dma_wait3A_813 = arith.constant 0 : i32
        %dma_wait3A_814 = arith.constant 0 : i32
        %dma_wait3A_815 = tpu.memref_slice %arg3[%dma_wait3A_813, %dma_wait3A_814] : memref<1000000x64xf32, #tpu.memory_space<hbm>> -> memref<128x64xf32, #tpu.memory_space<hbm>>
        tpu.wait_dma2 semaphore(%dma_wait3A_808 : memref<!tpu.dma_semaphore, #tpu.memory_space<semaphore_mem>>) src(%dma_wait3A_815 : memref<128x64xf32, #tpu.memory_space<hbm>>) dst(%dma_wait3A_812 : memref<128x64xf32, #tpu.memory_space<vmem>>)
      } else {
      }
      %scan3A_384 = arith.constant 0 : i32
      %scan3A_385 = arith.constant 128 : i32
      %scan3A_386 = arith.addi %scan3A_384, %scan3A_385 : i32
      %scan3A_387 = arith.constant 4 : i32
      scf.for %scan3A_798 = %scan3A_384 to %scan3A_386 step %scan3A_387  : i32 {
        %mul3A_799 = arith.constant 1 : i32
        %mul3A_800 = arith.muli %scan3A_798, %mul3A_799 : i32
        %add3A_801 = arith.constant 0 : i32
        %add3A_802 = arith.addi %add3A_801, %mul3A_800 : i32
        %broadcast_in_dim3A = vector.broadcast %add3A_802 : i32 to vector<16xi32>
        %get3A = arith.constant 0 : i32
        %get3A_803 = arith.index_cast %get3A : i32 to index
        %get3A_804 = arith.index_cast %add3A_802 : i32 to index
        %get3A_805 = arith.constant 0 : index
        %get3A_806 = tpu.vector_load %arg6[%get3A_803, %get3A_804, %get3A_805] {strides = array<i32>} : memref<4x128x64xf32, #tpu.memory_space<vmem>>, vector<16xf32>,
        %scatter3A = arith.constant 0 : i32
        %scatter3A_807 = arith.constant 0 : i32
        %scatter3A_808 = arith.constant 0 : i32
        %scatter3A_809 = arith.constant 0 : i32
        %scatter3A_810 = tpu.memref_slice %arg7[%scatter3A, %scatter3A_807, %scatter3A_808, %scatter3A_809] : memref<4x8x8x129xf32, #tpu.memory_space<vmem>> -> memref<1x8x8x129xf32, #tpu.memory_space<vmem>>
        %scatter3A_811 = tpu.memref_squeeze %scatter3A_810 : memref<1x8x8x129xf32, #tpu.memory_space<vmem>> -> memref<8x8x129xf32, #tpu.memory_space<vmem>>
        tpu.vector_store_idx %scatter3A_811[%select_n3A, %select_n3A_153, %broadcast_in_dim3A], %get3A_806 : memref<8x8x129xf32, #tpu.memory_space<vmem>>[vector<16xi32>, vector<16xi32>, vector<16xi32>], vector<16xf32>,
        %get3A_812 = arith.constant 0 : i32
        %get3A_813 = arith.index_cast %get3A_812 : i32 to index
        %get3A_814 = arith.index_cast %add3A_802 : i32 to index
        %get3A_815 = arith.constant 16 : index
        %get3A_816 = tpu.vector_load %arg6[%get3A_813, %get3A_814, %get3A_815] {strides = array<i32>} : memref<4x128x64xf32, #tpu.memory_space<vmem>>, vector<16xf32>,
        %scatter3A_817 = arith.constant 0 : i32
        %scatter3A_818 = arith.constant 0 : i32
        %scatter3A_819 = arith.constant 0 : i32
        %scatter3A_820 = arith.constant 0 : i32
        %scatter3A_821 = tpu.memref_slice %arg7[%scatter3A_817, %scatter3A_818, %scatter3A_819, %scatter3A_820] : memref<4x8x8x129xf32, #tpu.memory_space<vmem>> -> memref<1x8x8x129xf32, #tpu.memory_space<vmem>>
        %scatter3A_822 = tpu.memref_squeeze %scatter3A_821 : memref<1x8x8x129xf32, #tpu.memory_space<vmem>> -> memref<8x8x129xf32, #tpu.memory_space<vmem>>
        tpu.vector_store_idx %scatter3A_822[%select_n3A_62, %select_n3A_178, %broadcast_in_dim3A], %get3A_816 : memref<8x8x129xf32, #tpu.memory_space<vmem>>[vector<16xi32>, vector<16xi32>, vector<16xi32>], vector<16xf32>,
        %get3A_823 = arith.constant 0 : i32
        %get3A_824 = arith.index_cast %get3A_823 : i32 to index
        %get3A_825 = arith.index_cast %add3A_802 : i32 to index
        %get3A_826 = arith.constant 32 : index
        %get3A_827 = tpu.vector_load %arg6[%get3A_824, %get3A_825, %get3A_826] {strides = array<i32>} : memref<4x128x64xf32, #tpu.memory_space<vmem>>, vector<16xf32>,
        %scatter3A_828 = arith.constant 0 : i32
        %scatter3A_829 = arith.constant 0 : i32
        %scatter3A_830 = arith.constant 0 : i32
        %scatter3A_831 = arith.constant 0 : i32
        %scatter3A_832 = tpu.memref_slice %arg7[%scatter3A_828, %scatter3A_829, %scatter3A_830, %scatter3A_831] : memref<4x8x8x129xf32, #tpu.memory_space<vmem>> -> memref<1x8x8x129xf32, #tpu.memory_space<vmem>>
        %scatter3A_833 = tpu.memref_squeeze %scatter3A_832 : memref<1x8x8x129xf32, #tpu.memory_space<vmem>> -> memref<8x8x129xf32, #tpu.memory_space<vmem>>
        tpu.vector_store_idx %scatter3A_833[%select_n3A_96, %select_n3A_203, %broadcast_in_dim3A], %get3A_827 : memref<8x8x129xf32, #tpu.memory_space<vmem>>[vector<16xi32>, vector<16xi32>, vector<16xi32>], vector<16xf32>,
        %get3A_834 = arith.constant 0 : i32
        %get3A_835 = arith.index_cast %get3A_834 : i32 to index
        %get3A_836 = arith.index_cast %add3A_802 : i32 to index
        %get3A_837 = arith.constant 48 : index
        %get3A_838 = tpu.vector_load %arg6[%get3A_835, %get3A_836, %get3A_837] {strides = array<i32>} : memref<4x128x64xf32, #tpu.memory_space<vmem>>, vector<16xf32>,
        %scatter3A_839 = arith.constant 0 : i32
        %scatter3A_840 = arith.constant 0 : i32
        %scatter3A_841 = arith.constant 0 : i32
        %scatter3A_842 = arith.constant 0 : i32
        %scatter3A_843 = tpu.memref_slice %arg7[%scatter3A_839, %scatter3A_840, %scatter3A_841, %scatter3A_842] : memref<4x8x8x129xf32, #tpu.memory_space<vmem>> -> memref<1x8x8x129xf32, #tpu.memory_space<vmem>>
        %scatter3A_844 = tpu.memref_squeeze %scatter3A_843 : memref<1x8x8x129xf32, #tpu.memory_space<vmem>> -> memref<8x8x129xf32, #tpu.memory_space<vmem>>
        tpu.vector_store_idx %scatter3A_844[%select_n3A_130, %select_n3A_228, %broadcast_in_dim3A], %get3A_838 : memref<8x8x129xf32, #tpu.memory_space<vmem>>[vector<16xi32>, vector<16xi32>, vector<16xi32>], vector<16xf32>,
        %scan3A_845 = arith.constant 1 : i32
        %scan3A_846 = arith.addi %scan3A_798, %scan3A_845 : i32
        %mul3A_847 = arith.constant 1 : i32
        %mul3A_848 = arith.muli %scan3A_846, %mul3A_847 : i32
        %add3A_849 = arith.constant 0 : i32
        %add3A_850 = arith.addi %add3A_849, %mul3A_848 : i32
        %broadcast_in_dim3A_851 = vector.broadcast %add3A_850 : i32 to vector<16xi32>
        %get3A_852 = arith.constant 0 : i32
        %get3A_853 = arith.index_cast %get3A_852 : i32 to index
        %get3A_854 = arith.index_cast %add3A_850 : i32 to index
        %get3A_855 = arith.constant 0 : index
        %get3A_856 = tpu.vector_load %arg6[%get3A_853, %get3A_854, %get3A_855] {strides = array<i32>} : memref<4x128x64xf32, #tpu.memory_space<vmem>>, vector<16xf32>,
        %scatter3A_857 = arith.constant 0 : i32
        %scatter3A_858 = arith.constant 0 : i32
        %scatter3A_859 = arith.constant 0 : i32
        %scatter3A_860 = arith.constant 0 : i32
        %scatter3A_861 = tpu.memref_slice %arg7[%scatter3A_857, %scatter3A_858, %scatter3A_859, %scatter3A_860] : memref<4x8x8x129xf32, #tpu.memory_space<vmem>> -> memref<1x8x8x129xf32, #tpu.memory_space<vmem>>
        %scatter3A_862 = tpu.memref_squeeze %scatter3A_861 : memref<1x8x8x129xf32, #tpu.memory_space<vmem>> -> memref<8x8x129xf32, #tpu.memory_space<vmem>>
        tpu.vector_store_idx %scatter3A_862[%select_n3A, %select_n3A_153, %broadcast_in_dim3A_851], %get3A_856 : memref<8x8x129xf32, #tpu.memory_space<vmem>>[vector<16xi32>, vector<16xi32>, vector<16xi32>], vector<16xf32>,
        %get3A_863 = arith.constant 0 : i32
        %get3A_864 = arith.index_cast %get3A_863 : i32 to index
        %get3A_865 = arith.index_cast %add3A_850 : i32 to index
        %get3A_866 = arith.constant 16 : index
        %get3A_867 = tpu.vector_load %arg6[%get3A_864, %get3A_865, %get3A_866] {strides = array<i32>} : memref<4x128x64xf32, #tpu.memory_space<vmem>>, vector<16xf32>,
        %scatter3A_868 = arith.constant 0 : i32
        %scatter3A_869 = arith.constant 0 : i32
        %scatter3A_870 = arith.constant 0 : i32
        %scatter3A_871 = arith.constant 0 : i32
        %scatter3A_872 = tpu.memref_slice %arg7[%scatter3A_868, %scatter3A_869, %scatter3A_870, %scatter3A_871] : memref<4x8x8x129xf32, #tpu.memory_space<vmem>> -> memref<1x8x8x129xf32, #tpu.memory_space<vmem>>
        %scatter3A_873 = tpu.memref_squeeze %scatter3A_872 : memref<1x8x8x129xf32, #tpu.memory_space<vmem>> -> memref<8x8x129xf32, #tpu.memory_space<vmem>>
        tpu.vector_store_idx %scatter3A_873[%select_n3A_62, %select_n3A_178, %broadcast_in_dim3A_851], %get3A_867 : memref<8x8x129xf32, #tpu.memory_space<vmem>>[vector<16xi32>, vector<16xi32>, vector<16xi32>], vector<16xf32>,
        %get3A_874 = arith.constant 0 : i32
        %get3A_875 = arith.index_cast %get3A_874 : i32 to index
        %get3A_876 = arith.index_cast %add3A_850 : i32 to index
        %get3A_877 = arith.constant 32 : index
        %get3A_878 = tpu.vector_load %arg6[%get3A_875, %get3A_876, %get3A_877] {strides = array<i32>} : memref<4x128x64xf32, #tpu.memory_space<vmem>>, vector<16xf32>,
        %scatter3A_879 = arith.constant 0 : i32
        %scatter3A_880 = arith.constant 0 : i32
        %scatter3A_881 = arith.constant 0 : i32
        %scatter3A_882 = arith.constant 0 : i32
        %scatter3A_883 = tpu.memref_slice %arg7[%scatter3A_879, %scatter3A_880, %scatter3A_881, %scatter3A_882] : memref<4x8x8x129xf32, #tpu.memory_space<vmem>> -> memref<1x8x8x129xf32, #tpu.memory_space<vmem>>
        %scatter3A_884 = tpu.memref_squeeze %scatter3A_883 : memref<1x8x8x129xf32, #tpu.memory_space<vmem>> -> memref<8x8x129xf32, #tpu.memory_space<vmem>>
        tpu.vector_store_idx %scatter3A_884[%select_n3A_96, %select_n3A_203, %broadcast_in_dim3A_851], %get3A_878 : memref<8x8x129xf32, #tpu.memory_space<vmem>>[vector<16xi32>, vector<16xi32>, vector<16xi32>], vector<16xf32>,
        %get3A_885 = arith.constant 0 : i32
        %get3A_886 = arith.index_cast %get3A_885 : i32 to index
        %get3A_887 = arith.index_cast %add3A_850 : i32 to index
        %get3A_888 = arith.constant 48 : index
        %get3A_889 = tpu.vector_load %arg6[%get3A_886, %get3A_887, %get3A_888] {strides = array<i32>} : memref<4x128x64xf32, #tpu.memory_space<vmem>>, vector<16xf32>,
        %scatter3A_890 = arith.constant 0 : i32
        %scatter3A_891 = arith.constant 0 : i32
        %scatter3A_892 = arith.constant 0 : i32
        %scatter3A_893 = arith.constant 0 : i32
        %scatter3A_894 = tpu.memref_slice %arg7[%scatter3A_890, %scatter3A_891, %scatter3A_892, %scatter3A_893] : memref<4x8x8x129xf32, #tpu.memory_space<vmem>> -> memref<1x8x8x129xf32, #tpu.memory_space<vmem>>
        %scatter3A_895 = tpu.memref_squeeze %scatter3A_894 : memref<1x8x8x129xf32, #tpu.memory_space<vmem>> -> memref<8x8x129xf32, #tpu.memory_space<vmem>>
        tpu.vector_store_idx %scatter3A_895[%select_n3A_130, %select_n3A_228, %broadcast_in_dim3A_851], %get3A_889 : memref<8x8x129xf32, #tpu.memory_space<vmem>>[vector<16xi32>, vector<16xi32>, vector<16xi32>], vector<16xf32>,
        %scan3A_896 = arith.constant 2 : i32
        %scan3A_897 = arith.addi %scan3A_798, %scan3A_896 : i32
        %mul3A_898 = arith.constant 1 : i32
        %mul3A_899 = arith.muli %scan3A_897, %mul3A_898 : i32
        %add3A_900 = arith.constant 0 : i32
        %add3A_901 = arith.addi %add3A_900, %mul3A_899 : i32
        %broadcast_in_dim3A_902 = vector.broadcast %add3A_901 : i32 to vector<16xi32>
        %get3A_903 = arith.constant 0 : i32
        %get3A_904 = arith.index_cast %get3A_903 : i32 to index
        %get3A_905 = arith.index_cast %add3A_901 : i32 to index
        %get3A_906 = arith.constant 0 : index
        %get3A_907 = tpu.vector_load %arg6[%get3A_904, %get3A_905, %get3A_906] {strides = array<i32>} : memref<4x128x64xf32, #tpu.memory_space<vmem>>, vector<16xf32>,
        %scatter3A_908 = arith.constant 0 : i32
        %scatter3A_909 = arith.constant 0 : i32
        %scatter3A_910 = arith.constant 0 : i32
        %scatter3A_911 = arith.constant 0 : i32
        %scatter3A_912 = tpu.memref_slice %arg7[%scatter3A_908, %scatter3A_909, %scatter3A_910, %scatter3A_911] : memref<4x8x8x129xf32, #tpu.memory_space<vmem>> -> memref<1x8x8x129xf32, #tpu.memory_space<vmem>>
        %scatter3A_913 = tpu.memref_squeeze %scatter3A_912 : memref<1x8x8x129xf32, #tpu.memory_space<vmem>> -> memref<8x8x129xf32, #tpu.memory_space<vmem>>
        tpu.vector_store_idx %scatter3A_913[%select_n3A, %select_n3A_153, %broadcast_in_dim3A_902], %get3A_907 : memref<8x8x129xf32, #tpu.memory_space<vmem>>[vector<16xi32>, vector<16xi32>, vector<16xi32>], vector<16xf32>,
        %get3A_914 = arith.constant 0 : i32
        %get3A_915 = arith.index_cast %get3A_914 : i32 to index
        %get3A_916 = arith.index_cast %add3A_901 : i32 to index
        %get3A_917 = arith.constant 16 : index
        %get3A_918 = tpu.vector_load %arg6[%get3A_915, %get3A_916, %get3A_917] {strides = array<i32>} : memref<4x128x64xf32, #tpu.memory_space<vmem>>, vector<16xf32>,
        %scatter3A_919 = arith.constant 0 : i32
        %scatter3A_920 = arith.constant 0 : i32
        %scatter3A_921 = arith.constant 0 : i32
        %scatter3A_922 = arith.constant 0 : i32
        %scatter3A_923 = tpu.memref_slice %arg7[%scatter3A_919, %scatter3A_920, %scatter3A_921, %scatter3A_922] : memref<4x8x8x129xf32, #tpu.memory_space<vmem>> -> memref<1x8x8x129xf32, #tpu.memory_space<vmem>>
        %scatter3A_924 = tpu.memref_squeeze %scatter3A_923 : memref<1x8x8x129xf32, #tpu.memory_space<vmem>> -> memref<8x8x129xf32, #tpu.memory_space<vmem>>
        tpu.vector_store_idx %scatter3A_924[%select_n3A_62, %select_n3A_178, %broadcast_in_dim3A_902], %get3A_918 : memref<8x8x129xf32, #tpu.memory_space<vmem>>[vector<16xi32>, vector<16xi32>, vector<16xi32>], vector<16xf32>,
        %get3A_925 = arith.constant 0 : i32
        %get3A_926 = arith.index_cast %get3A_925 : i32 to index
        %get3A_927 = arith.index_cast %add3A_901 : i32 to index
        %get3A_928 = arith.constant 32 : index
        %get3A_929 = tpu.vector_load %arg6[%get3A_926, %get3A_927, %get3A_928] {strides = array<i32>} : memref<4x128x64xf32, #tpu.memory_space<vmem>>, vector<16xf32>,
        %scatter3A_930 = arith.constant 0 : i32
        %scatter3A_931 = arith.constant 0 : i32
        %scatter3A_932 = arith.constant 0 : i32
        %scatter3A_933 = arith.constant 0 : i32
        %scatter3A_934 = tpu.memref_slice %arg7[%scatter3A_930, %scatter3A_931, %scatter3A_932, %scatter3A_933] : memref<4x8x8x129xf32, #tpu.memory_space<vmem>> -> memref<1x8x8x129xf32, #tpu.memory_space<vmem>>
        %scatter3A_935 = tpu.memref_squeeze %scatter3A_934 : memref<1x8x8x129xf32, #tpu.memory_space<vmem>> -> memref<8x8x129xf32, #tpu.memory_space<vmem>>
        tpu.vector_store_idx %scatter3A_935[%select_n3A_96, %select_n3A_203, %broadcast_in_dim3A_902], %get3A_929 : memref<8x8x129xf32, #tpu.memory_space<vmem>>[vector<16xi32>, vector<16xi32>, vector<16xi32>], vector<16xf32>,
        %get3A_936 = arith.constant 0 : i32
        %get3A_937 = arith.index_cast %get3A_936 : i32 to index
        %get3A_938 = arith.index_cast %add3A_901 : i32 to index
        %get3A_939 = arith.constant 48 : index
        %get3A_940 = tpu.vector_load %arg6[%get3A_937, %get3A_938, %get3A_939] {strides = array<i32>} : memref<4x128x64xf32, #tpu.memory_space<vmem>>, vector<16xf32>,
        %scatter3A_941 = arith.constant 0 : i32
        %scatter3A_942 = arith.constant 0 : i32
        %scatter3A_943 = arith.constant 0 : i32
        %scatter3A_944 = arith.constant 0 : i32
        %scatter3A_945 = tpu.memref_slice %arg7[%scatter3A_941, %scatter3A_942, %scatter3A_943, %scatter3A_944] : memref<4x8x8x129xf32, #tpu.memory_space<vmem>> -> memref<1x8x8x129xf32, #tpu.memory_space<vmem>>
        %scatter3A_946 = tpu.memref_squeeze %scatter3A_945 : memref<1x8x8x129xf32, #tpu.memory_space<vmem>> -> memref<8x8x129xf32, #tpu.memory_space<vmem>>
        tpu.vector_store_idx %scatter3A_946[%select_n3A_130, %select_n3A_228, %broadcast_in_dim3A_902], %get3A_940 : memref<8x8x129xf32, #tpu.memory_space<vmem>>[vector<16xi32>, vector<16xi32>, vector<16xi32>], vector<16xf32>,
        %scan3A_947 = arith.constant 3 : i32
        %scan3A_948 = arith.addi %scan3A_798, %scan3A_947 : i32
        %mul3A_949 = arith.constant 1 : i32
        %mul3A_950 = arith.muli %scan3A_948, %mul3A_949 : i32
        %add3A_951 = arith.constant 0 : i32
        %add3A_952 = arith.addi %add3A_951, %mul3A_950 : i32
        %broadcast_in_dim3A_953 = vector.broadcast %add3A_952 : i32 to vector<16xi32>
        %get3A_954 = arith.constant 0 : i32
        %get3A_955 = arith.index_cast %get3A_954 : i32 to index
        %get3A_956 = arith.index_cast %add3A_952 : i32 to index
        %get3A_957 = arith.constant 0 : index
        %get3A_958 = tpu.vector_load %arg6[%get3A_955, %get3A_956, %get3A_957] {strides = array<i32>} : memref<4x128x64xf32, #tpu.memory_space<vmem>>, vector<16xf32>,
        %scatter3A_959 = arith.constant 0 : i32
        %scatter3A_960 = arith.constant 0 : i32
        %scatter3A_961 = arith.constant 0 : i32
        %scatter3A_962 = arith.constant 0 : i32
        %scatter3A_963 = tpu.memref_slice %arg7[%scatter3A_959, %scatter3A_960, %scatter3A_961, %scatter3A_962] : memref<4x8x8x129xf32, #tpu.memory_space<vmem>> -> memref<1x8x8x129xf32, #tpu.memory_space<vmem>>
        %scatter3A_964 = tpu.memref_squeeze %scatter3A_963 : memref<1x8x8x129xf32, #tpu.memory_space<vmem>> -> memref<8x8x129xf32, #tpu.memory_space<vmem>>
        tpu.vector_store_idx %scatter3A_964[%select_n3A, %select_n3A_153, %broadcast_in_dim3A_953], %get3A_958 : memref<8x8x129xf32, #tpu.memory_space<vmem>>[vector<16xi32>, vector<16xi32>, vector<16xi32>], vector<16xf32>,
        %get3A_965 = arith.constant 0 : i32
        %get3A_966 = arith.index_cast %get3A_965 : i32 to index
        %get3A_967 = arith.index_cast %add3A_952 : i32 to index
        %get3A_968 = arith.constant 16 : index
        %get3A_969 = tpu.vector_load %arg6[%get3A_966, %get3A_967, %get3A_968] {strides = array<i32>} : memref<4x128x64xf32, #tpu.memory_space<vmem>>, vector<16xf32>,
        %scatter3A_970 = arith.constant 0 : i32
        %scatter3A_971 = arith.constant 0 : i32
        %scatter3A_972 = arith.constant 0 : i32
        %scatter3A_973 = arith.constant 0 : i32
        %scatter3A_974 = tpu.memref_slice %arg7[%scatter3A_970, %scatter3A_971, %scatter3A_972, %scatter3A_973] : memref<4x8x8x129xf32, #tpu.memory_space<vmem>> -> memref<1x8x8x129xf32, #tpu.memory_space<vmem>>
        %scatter3A_975 = tpu.memref_squeeze %scatter3A_974 : memref<1x8x8x129xf32, #tpu.memory_space<vmem>> -> memref<8x8x129xf32, #tpu.memory_space<vmem>>
        tpu.vector_store_idx %scatter3A_975[%select_n3A_62, %select_n3A_178, %broadcast_in_dim3A_953], %get3A_969 : memref<8x8x129xf32, #tpu.memory_space<vmem>>[vector<16xi32>, vector<16xi32>, vector<16xi32>], vector<16xf32>,
        %get3A_976 = arith.constant 0 : i32
        %get3A_977 = arith.index_cast %get3A_976 : i32 to index
        %get3A_978 = arith.index_cast %add3A_952 : i32 to index
        %get3A_979 = arith.constant 32 : index
        %get3A_980 = tpu.vector_load %arg6[%get3A_977, %get3A_978, %get3A_979] {strides = array<i32>} : memref<4x128x64xf32, #tpu.memory_space<vmem>>, vector<16xf32>,
        %scatter3A_981 = arith.constant 0 : i32
        %scatter3A_982 = arith.constant 0 : i32
        %scatter3A_983 = arith.constant 0 : i32
        %scatter3A_984 = arith.constant 0 : i32
        %scatter3A_985 = tpu.memref_slice %arg7[%scatter3A_981, %scatter3A_982, %scatter3A_983, %scatter3A_984] : memref<4x8x8x129xf32, #tpu.memory_space<vmem>> -> memref<1x8x8x129xf32, #tpu.memory_space<vmem>>
        %scatter3A_986 = tpu.memref_squeeze %scatter3A_985 : memref<1x8x8x129xf32, #tpu.memory_space<vmem>> -> memref<8x8x129xf32, #tpu.memory_space<vmem>>
        tpu.vector_store_idx %scatter3A_986[%select_n3A_96, %select_n3A_203, %broadcast_in_dim3A_953], %get3A_980 : memref<8x8x129xf32, #tpu.memory_space<vmem>>[vector<16xi32>, vector<16xi32>, vector<16xi32>], vector<16xf32>,
        %get3A_987 = arith.constant 0 : i32
        %get3A_988 = arith.index_cast %get3A_987 : i32 to index
        %get3A_989 = arith.index_cast %add3A_952 : i32 to index
        %get3A_990 = arith.constant 48 : index
        %get3A_991 = tpu.vector_load %arg6[%get3A_988, %get3A_989, %get3A_990] {strides = array<i32>} : memref<4x128x64xf32, #tpu.memory_space<vmem>>, vector<16xf32>,
        %scatter3A_992 = arith.constant 0 : i32
        %scatter3A_993 = arith.constant 0 : i32
        %scatter3A_994 = arith.constant 0 : i32
        %scatter3A_995 = arith.constant 0 : i32
        %scatter3A_996 = tpu.memref_slice %arg7[%scatter3A_992, %scatter3A_993, %scatter3A_994, %scatter3A_995] : memref<4x8x8x129xf32, #tpu.memory_space<vmem>> -> memref<1x8x8x129xf32, #tpu.memory_space<vmem>>
        %scatter3A_997 = tpu.memref_squeeze %scatter3A_996 : memref<1x8x8x129xf32, #tpu.memory_space<vmem>> -> memref<8x8x129xf32, #tpu.memory_space<vmem>>
        tpu.vector_store_idx %scatter3A_997[%select_n3A_130, %select_n3A_228, %broadcast_in_dim3A_953], %get3A_991 : memref<8x8x129xf32, #tpu.memory_space<vmem>>[vector<16xi32>, vector<16xi32>, vector<16xi32>], vector<16xf32>,
      }
      %scan3A_388 = arith.constant 128 : i32
      %add3A_389 = arith.addi %mul3A_2, %add3A_354 : i32
      %jit3A_390 = arith.constant 128 : i32
      %div3A_391 = arith.divsi %add3A_389, %jit3A_390 : i32
      %sign3A_392 = arith.constant 0 : i32
      %sign3A_393 = arith.cmpi sgt, %add3A_389, %sign3A_392 : i32
      %sign3A_394 = arith.extui %sign3A_393 : i1 to i32
      %sign3A_395 = arith.constant 0 : i32
      %sign3A_396 = arith.cmpi slt, %add3A_389, %sign3A_395 : i32
      %sign3A_397 = arith.extui %sign3A_396 : i1 to i32
      %sign3A_398 = arith.subi %sign3A_394, %sign3A_397 : i32
      %sign3A_399 = arith.constant 0 : i32
      %sign3A_400 = arith.cmpi sgt, %jit3A_390, %sign3A_399 : i32
      %sign3A_401 = arith.extui %sign3A_400 : i1 to i32
      %sign3A_402 = arith.constant 0 : i32
      %sign3A_403 = arith.cmpi slt, %jit3A_390, %sign3A_402 : i32
      %sign3A_404 = arith.extui %sign3A_403 : i1 to i32
      %sign3A_405 = arith.subi %sign3A_401, %sign3A_404 : i32
      %ne3A_406 = arith.cmpi ne, %sign3A_398, %sign3A_405 : i32
      %rem3A_407 = arith.remsi %add3A_389, %jit3A_390 : i32
      %ne3A_408 = arith.constant 0 : i32
      %ne3A_409 = arith.cmpi ne, %rem3A_407, %ne3A_408 : i32
      %and3A_410 = arith.andi %ne3A_406, %ne3A_409 : i1
      %sub3A_411 = arith.constant 1 : i32
      %sub3A_412 = arith.subi %div3A_391, %sub3A_411 : i32
      %select_n3A_413 = arith.select %and3A_410, %sub3A_412, %div3A_391 : i32
      %jit3A_414 = arith.constant 128 : i32
      %eq3A_415 = arith.constant 0 : i32
      %eq3A_416 = arith.cmpi eq, %jit3A_414, %eq3A_415 : i32
      %jit3A_417 = arith.constant 1 : i32
      %select_n3A_418 = arith.select %eq3A_416, %jit3A_417, %jit3A_414 : i32
      %rem3A_419 = arith.remsi %add3A_389, %select_n3A_418 : i32
      %ne3A_420 = arith.constant 0 : i32
      %ne3A_421 = arith.cmpi ne, %rem3A_419, %ne3A_420 : i32
      %lt3A_422 = arith.constant 0 : i32
      %lt3A_423 = arith.cmpi slt, %rem3A_419, %lt3A_422 : i32
      %lt3A_424 = arith.constant 0 : i32
      %lt3A_425 = arith.cmpi slt, %select_n3A_418, %lt3A_424 : i32
      %ne3A_426 = arith.xori %lt3A_423, %lt3A_425 : i1
      %and3A_427 = arith.andi %ne3A_426, %ne3A_421 : i1
      %add3A_428 = arith.addi %rem3A_419, %select_n3A_418 : i32
      %select_n3A_429 = arith.select %and3A_427, %add3A_428, %rem3A_419 : i32
      %dma_start3A_430 = arith.constant 0 : i32
      %dma_start3A_431 = arith.constant 0 : i32
      %dma_start3A_432 = arith.constant 0 : i32
      %dma_start3A_433 = arith.constant 0 : i32
      %dma_start3A_434 = arith.constant 0 : i32
      %dma_start3A_435 = tpu.memref_slice %arg7[%dma_start3A_430, %dma_start3A_432, %dma_start3A_433, %dma_start3A_434] : memref<4x8x8x129xf32, #tpu.memory_space<vmem>> -> memref<1x8x8x129xf32, #tpu.memory_space<vmem>>
      %dma_start3A_436 = tpu.memref_squeeze %dma_start3A_435 : memref<1x8x8x129xf32, #tpu.memory_space<vmem>> -> memref<8x8x129xf32, #tpu.memory_space<vmem>>
      %dma_start3A_437 = arith.constant 0 : i32
      %dma_start3A_438 = arith.constant 0 : i32
      %dma_start3A_439 = arith.constant 0 : i32
      %dma_start3A_440 = tpu.memref_slice %dma_start3A_436[%dma_start3A_437, %dma_start3A_438, %dma_start3A_439] : memref<8x8x129xf32, #tpu.memory_space<vmem>> -> memref<8x8x128xf32, #tpu.memory_space<vmem>>
      %dma_start3A_441 = arith.constant 0 : i32
      %dma_start3A_442 = arith.constant 0 : i32
      %dma_start3A_443 = arith.constant 0 : i32
      %dma_start3A_444 = tpu.memref_slice %arg4[%select_n3A_413, %dma_start3A_441, %select_n3A_429, %dma_start3A_442, %dma_start3A_443] : memref<50x8x128x8x128xf32, #tpu.memory_space<hbm>> -> memref<1x8x1x8x128xf32, #tpu.memory_space<hbm>>
      %dma_start3A_445 = tpu.memref_squeeze %dma_start3A_444 : memref<1x8x1x8x128xf32, #tpu.memory_space<hbm>> -> memref<8x8x128xf32, #tpu.memory_space<hbm>>
      %dma_start3A_446 = tpu.memref_slice %arg9[%dma_start3A_431] : memref<4x!tpu.dma_semaphore, #tpu.memory_space<semaphore_mem>> -> memref<1x!tpu.dma_semaphore, #tpu.memory_space<semaphore_mem>>
      %dma_start3A_447 = tpu.memref_squeeze %dma_start3A_446 : memref<1x!tpu.dma_semaphore, #tpu.memory_space<semaphore_mem>> -> memref<!tpu.dma_semaphore, #tpu.memory_space<semaphore_mem>>
      %dma_start3A_448 = arith.constant 0 : i32
      %dma_start3A_449 = arith.constant 0 : i32
      %dma_start3A_450 = arith.constant 0 : i32
      %dma_start3A_451 = tpu.memref_slice %arg4[%select_n3A_413, %dma_start3A_448, %select_n3A_429, %dma_start3A_449, %dma_start3A_450] : memref<50x8x128x8x128xf32, #tpu.memory_space<hbm>> -> memref<1x8x1x8x128xf32, #tpu.memory_space<hbm>>
      %dma_start3A_452 = tpu.memref_squeeze %dma_start3A_451 : memref<1x8x1x8x128xf32, #tpu.memory_space<hbm>> -> memref<8x8x128xf32, #tpu.memory_space<hbm>>
      %dma_start3A_453 = arith.constant 0 : i32
      %dma_start3A_454 = arith.constant 0 : i32
      %dma_start3A_455 = arith.constant 0 : i32
      %dma_start3A_456 = tpu.memref_slice %arg7[%dma_start3A_430, %dma_start3A_453, %dma_start3A_454, %dma_start3A_455] : memref<4x8x8x129xf32, #tpu.memory_space<vmem>> -> memref<1x8x8x129xf32, #tpu.memory_space<vmem>>
      %dma_start3A_457 = tpu.memref_squeeze %dma_start3A_456 : memref<1x8x8x129xf32, #tpu.memory_space<vmem>> -> memref<8x8x129xf32, #tpu.memory_space<vmem>>
      %dma_start3A_458 = arith.constant 0 : i32
      %dma_start3A_459 = arith.constant 0 : i32
      %dma_start3A_460 = arith.constant 0 : i32
      %dma_start3A_461 = tpu.memref_slice %dma_start3A_457[%dma_start3A_458, %dma_start3A_459, %dma_start3A_460] : memref<8x8x129xf32, #tpu.memory_space<vmem>> -> memref<8x8x128xf32, #tpu.memory_space<vmem>>
      tpu.enqueue_dma source(%dma_start3A_461 : memref<8x8x128xf32, #tpu.memory_space<vmem>>) target(%dma_start3A_452 : memref<8x8x128xf32, #tpu.memory_space<hbm>>) target_semaphore(%dma_start3A_447 : memref<!tpu.dma_semaphore, #tpu.memory_space<semaphore_mem>>)
      %add3A_462 = arith.constant 1 : i32
      %add3A_463 = arith.addi %add3A_352, %add3A_462 : i32
      %add3A_464 = arith.constant 4 : i32
      %add3A_465 = arith.addi %add3A_463, %add3A_464 : i32
      %sub3A_466 = arith.constant 1 : i32
      %sub3A_467 = arith.subi %add3A_465, %sub3A_466 : i32
      %lt3A_468 = arith.constant 200 : i32
      %lt3A_469 = arith.cmpi slt, %sub3A_467, %lt3A_468 : i32
      %convert_element_type3A_470 = arith.extui %lt3A_469 : i1 to i32
      %cond3A_471 = arith.constant 0 : i32
      %cond3A_472 = arith.cmpi ne, %convert_element_type3A_470, %cond3A_471 : i32
      scf.if %cond3A_472 {
        %add3A_798 = arith.constant 4 : i32
        %add3A_799 = arith.addi %add3A_463, %add3A_798 : i32
        %sub3A_800 = arith.constant 1 : i32
        %sub3A_801 = arith.subi %add3A_799, %sub3A_800 : i32
        %dma_start3A_802 = arith.constant 0 : i32
        %dma_start3A_803 = arith.constant 0 : i32
        %dma_start3A_804 = arith.constant 0 : i32
        %dma_start3A_805 = arith.constant 0 : i32
        %dma_start3A_806 = tpu.memref_slice %arg6[%dma_start3A_802, %dma_start3A_804, %dma_start3A_805] : memref<4x128x64xf32, #tpu.memory_space<vmem>> -> memref<1x128x64xf32, #tpu.memory_space<vmem>>
        %dma_start3A_807 = tpu.memref_squeeze %dma_start3A_806 : memref<1x128x64xf32, #tpu.memory_space<vmem>> -> memref<128x64xf32, #tpu.memory_space<vmem>>
        %dma_start3A_808 = arith.constant 0 : i32
        %dma_start3A_809 = tpu.memref_slice %arg5[%sub3A_801, %dma_start3A_808] : memref<200x128xi32, #tpu.memory_space<vmem>> -> memref<1x128xi32, #tpu.memory_space<vmem>>
        %dma_start3A_810 = tpu.memref_squeeze %dma_start3A_809 : memref<1x128xi32, #tpu.memory_space<vmem>> -> memref<128xi32, #tpu.memory_space<vmem>>
        %dma_start3A_811 = arith.constant 0 : i32
        %dma_start3A_812 = arith.constant 0 : i32
        %dma_start3A_813 = tpu.memref_slice %arg3[%dma_start3A_811, %dma_start3A_812] : memref<1000000x64xf32, #tpu.memory_space<hbm>> -> memref<1000000x64xf32, #tpu.memory_space<hbm>>
        %dma_start3A_814 = tpu.memref_slice %arg8[%dma_start3A_803] : memref<4x!tpu.dma_semaphore, #tpu.memory_space<semaphore_mem>> -> memref<1x!tpu.dma_semaphore, #tpu.memory_space<semaphore_mem>>
        %dma_start3A_815 = tpu.memref_squeeze %dma_start3A_814 : memref<1x!tpu.dma_semaphore, #tpu.memory_space<semaphore_mem>> -> memref<!tpu.dma_semaphore, #tpu.memory_space<semaphore_mem>>
        tpu.enqueue_indirect_dma source(%dma_start3A_813 : memref<1000000x64xf32, #tpu.memory_space<hbm>>) target(%dma_start3A_807 : memref<128x64xf32, #tpu.memory_space<vmem>>) offsets(%dma_start3A_810 : memref<128xi32, #tpu.memory_space<vmem>>) semaphore(%dma_start3A_815 : memref<!tpu.dma_semaphore, #tpu.memory_space<semaphore_mem>>)
      } else {
      }
      %dma_wait3A_473 = arith.constant 1 : i32
      %dma_wait3A_474 = arith.constant 1 : i32
      %dma_wait3A_475 = arith.constant 0 : i32
      %dma_wait3A_476 = arith.constant 0 : i32
      %dma_wait3A_477 = tpu.memref_slice %arg6[%dma_wait3A_473, %dma_wait3A_475, %dma_wait3A_476] : memref<4x128x64xf32, #tpu.memory_space<vmem>> -> memref<1x128x64xf32, #tpu.memory_space<vmem>>
      %dma_wait3A_478 = tpu.memref_squeeze %dma_wait3A_477 : memref<1x128x64xf32, #tpu.memory_space<vmem>> -> memref<128x64xf32, #tpu.memory_space<vmem>>
      %dma_wait3A_479 = arith.constant 0 : i32
      %dma_wait3A_480 = arith.constant 0 : i32
      %dma_wait3A_481 = tpu.memref_slice %arg3[%dma_wait3A_479, %dma_wait3A_480] : memref<1000000x64xf32, #tpu.memory_space<hbm>> -> memref<128x64xf32, #tpu.memory_space<hbm>>
      %dma_wait3A_482 = tpu.memref_slice %arg8[%dma_wait3A_474] : memref<4x!tpu.dma_semaphore, #tpu.memory_space<semaphore_mem>> -> memref<1x!tpu.dma_semaphore, #tpu.memory_space<semaphore_mem>>
      %dma_wait3A_483 = tpu.memref_squeeze %dma_wait3A_482 : memref<1x!tpu.dma_semaphore, #tpu.memory_space<semaphore_mem>> -> memref<!tpu.dma_semaphore, #tpu.memory_space<semaphore_mem>>
      %dma_wait3A_484 = arith.constant 0 : i32
      %dma_wait3A_485 = arith.constant 0 : i32
      %dma_wait3A_486 = tpu.memref_slice %arg6[%dma_wait3A_473, %dma_wait3A_484, %dma_wait3A_485] : memref<4x128x64xf32, #tpu.memory_space<vmem>> -> memref<1x128x64xf32, #tpu.memory_space<vmem>>
      %dma_wait3A_487 = tpu.memref_squeeze %dma_wait3A_486 : memref<1x128x64xf32, #tpu.memory_space<vmem>> -> memref<128x64xf32, #tpu.memory_space<vmem>>
      %dma_wait3A_488 = arith.constant 0 : i32
      %dma_wait3A_489 = arith.constant 0 : i32
      %dma_wait3A_490 = tpu.memref_slice %arg3[%dma_wait3A_488, %dma_wait3A_489] : memref<1000000x64xf32, #tpu.memory_space<hbm>> -> memref<128x64xf32, #tpu.memory_space<hbm>>
      tpu.wait_dma2 semaphore(%dma_wait3A_483 : memref<!tpu.dma_semaphore, #tpu.memory_space<semaphore_mem>>) src(%dma_wait3A_490 : memref<128x64xf32, #tpu.memory_space<hbm>>) dst(%dma_wait3A_487 : memref<128x64xf32, #tpu.memory_space<vmem>>)
      %ge3A_491 = arith.constant 4 : i32
      %ge3A_492 = arith.cmpi sge, %add3A_463, %ge3A_491 : i32
      %convert_element_type3A_493 = arith.extui %ge3A_492 : i1 to i32
      %cond3A_494 = arith.constant 0 : i32
      %cond3A_495 = arith.cmpi ne, %convert_element_type3A_493, %cond3A_494 : i32
      scf.if %cond3A_495 {
        %dma_wait3A_798 = arith.constant 1 : i32
        %dma_wait3A_799 = arith.constant 1 : i32
        %dma_wait3A_800 = arith.constant 0 : i32
        %dma_wait3A_801 = arith.constant 0 : i32
        %dma_wait3A_802 = tpu.memref_slice %arg6[%dma_wait3A_798, %dma_wait3A_800, %dma_wait3A_801] : memref<4x128x64xf32, #tpu.memory_space<vmem>> -> memref<1x128x64xf32, #tpu.memory_space<vmem>>
        %dma_wait3A_803 = tpu.memref_squeeze %dma_wait3A_802 : memref<1x128x64xf32, #tpu.memory_space<vmem>> -> memref<128x64xf32, #tpu.memory_space<vmem>>
        %dma_wait3A_804 = arith.constant 0 : i32
        %dma_wait3A_805 = arith.constant 0 : i32
        %dma_wait3A_806 = tpu.memref_slice %arg3[%dma_wait3A_804, %dma_wait3A_805] : memref<1000000x64xf32, #tpu.memory_space<hbm>> -> memref<128x64xf32, #tpu.memory_space<hbm>>
        %dma_wait3A_807 = tpu.memref_slice %arg9[%dma_wait3A_799] : memref<4x!tpu.dma_semaphore, #tpu.memory_space<semaphore_mem>> -> memref<1x!tpu.dma_semaphore, #tpu.memory_space<semaphore_mem>>
        %dma_wait3A_808 = tpu.memref_squeeze %dma_wait3A_807 : memref<1x!tpu.dma_semaphore, #tpu.memory_space<semaphore_mem>> -> memref<!tpu.dma_semaphore, #tpu.memory_space<semaphore_mem>>
        %dma_wait3A_809 = arith.constant 0 : i32
        %dma_wait3A_810 = arith.constant 0 : i32
        %dma_wait3A_811 = tpu.memref_slice %arg6[%dma_wait3A_798, %dma_wait3A_809, %dma_wait3A_810] : memref<4x128x64xf32, #tpu.memory_space<vmem>> -> memref<1x128x64xf32, #tpu.memory_space<vmem>>
        %dma_wait3A_812 = tpu.memref_squeeze %dma_wait3A_811 : memref<1x128x64xf32, #tpu.memory_space<vmem>> -> memref<128x64xf32, #tpu.memory_space<vmem>>
        %dma_wait3A_813 = arith.constant 0 : i32
        %dma_wait3A_814 = arith.constant 0 : i32
        %dma_wait3A_815 = tpu.memref_slice %arg3[%dma_wait3A_813, %dma_wait3A_814] : memref<1000000x64xf32, #tpu.memory_space<hbm>> -> memref<128x64xf32, #tpu.memory_space<hbm>>
        tpu.wait_dma2 semaphore(%dma_wait3A_808 : memref<!tpu.dma_semaphore, #tpu.memory_space<semaphore_mem>>) src(%dma_wait3A_815 : memref<128x64xf32, #tpu.memory_space<hbm>>) dst(%dma_wait3A_812 : memref<128x64xf32, #tpu.memory_space<vmem>>)
      } else {
      }
      %scan3A_496 = arith.constant 0 : i32
      %scan3A_497 = arith.constant 128 : i32
      %scan3A_498 = arith.addi %scan3A_496, %scan3A_497 : i32
      %scan3A_499 = arith.constant 4 : i32
      scf.for %scan3A_798 = %scan3A_496 to %scan3A_498 step %scan3A_499  : i32 {
        %mul3A_799 = arith.constant 1 : i32
        %mul3A_800 = arith.muli %scan3A_798, %mul3A_799 : i32
        %add3A_801 = arith.constant 0 : i32
        %add3A_802 = arith.addi %add3A_801, %mul3A_800 : i32
        %broadcast_in_dim3A = vector.broadcast %add3A_802 : i32 to vector<16xi32>
        %get3A = arith.constant 1 : i32
        %get3A_803 = arith.index_cast %get3A : i32 to index
        %get3A_804 = arith.index_cast %add3A_802 : i32 to index
        %get3A_805 = arith.constant 0 : index
        %get3A_806 = tpu.vector_load %arg6[%get3A_803, %get3A_804, %get3A_805] {strides = array<i32>} : memref<4x128x64xf32, #tpu.memory_space<vmem>>, vector<16xf32>,
        %scatter3A = arith.constant 1 : i32
        %scatter3A_807 = arith.constant 0 : i32
        %scatter3A_808 = arith.constant 0 : i32
        %scatter3A_809 = arith.constant 0 : i32
        %scatter3A_810 = tpu.memref_slice %arg7[%scatter3A, %scatter3A_807, %scatter3A_808, %scatter3A_809] : memref<4x8x8x129xf32, #tpu.memory_space<vmem>> -> memref<1x8x8x129xf32, #tpu.memory_space<vmem>>
        %scatter3A_811 = tpu.memref_squeeze %scatter3A_810 : memref<1x8x8x129xf32, #tpu.memory_space<vmem>> -> memref<8x8x129xf32, #tpu.memory_space<vmem>>
        tpu.vector_store_idx %scatter3A_811[%select_n3A, %select_n3A_153, %broadcast_in_dim3A], %get3A_806 : memref<8x8x129xf32, #tpu.memory_space<vmem>>[vector<16xi32>, vector<16xi32>, vector<16xi32>], vector<16xf32>,
        %get3A_812 = arith.constant 1 : i32
        %get3A_813 = arith.index_cast %get3A_812 : i32 to index
        %get3A_814 = arith.index_cast %add3A_802 : i32 to index
        %get3A_815 = arith.constant 16 : index
        %get3A_816 = tpu.vector_load %arg6[%get3A_813, %get3A_814, %get3A_815] {strides = array<i32>} : memref<4x128x64xf32, #tpu.memory_space<vmem>>, vector<16xf32>,
        %scatter3A_817 = arith.constant 1 : i32
        %scatter3A_818 = arith.constant 0 : i32
        %scatter3A_819 = arith.constant 0 : i32
        %scatter3A_820 = arith.constant 0 : i32
        %scatter3A_821 = tpu.memref_slice %arg7[%scatter3A_817, %scatter3A_818, %scatter3A_819, %scatter3A_820] : memref<4x8x8x129xf32, #tpu.memory_space<vmem>> -> memref<1x8x8x129xf32, #tpu.memory_space<vmem>>
        %scatter3A_822 = tpu.memref_squeeze %scatter3A_821 : memref<1x8x8x129xf32, #tpu.memory_space<vmem>> -> memref<8x8x129xf32, #tpu.memory_space<vmem>>
        tpu.vector_store_idx %scatter3A_822[%select_n3A_62, %select_n3A_178, %broadcast_in_dim3A], %get3A_816 : memref<8x8x129xf32, #tpu.memory_space<vmem>>[vector<16xi32>, vector<16xi32>, vector<16xi32>], vector<16xf32>,
        %get3A_823 = arith.constant 1 : i32
        %get3A_824 = arith.index_cast %get3A_823 : i32 to index
        %get3A_825 = arith.index_cast %add3A_802 : i32 to index
        %get3A_826 = arith.constant 32 : index
        %get3A_827 = tpu.vector_load %arg6[%get3A_824, %get3A_825, %get3A_826] {strides = array<i32>} : memref<4x128x64xf32, #tpu.memory_space<vmem>>, vector<16xf32>,
        %scatter3A_828 = arith.constant 1 : i32
        %scatter3A_829 = arith.constant 0 : i32
        %scatter3A_830 = arith.constant 0 : i32
        %scatter3A_831 = arith.constant 0 : i32
        %scatter3A_832 = tpu.memref_slice %arg7[%scatter3A_828, %scatter3A_829, %scatter3A_830, %scatter3A_831] : memref<4x8x8x129xf32, #tpu.memory_space<vmem>> -> memref<1x8x8x129xf32, #tpu.memory_space<vmem>>
        %scatter3A_833 = tpu.memref_squeeze %scatter3A_832 : memref<1x8x8x129xf32, #tpu.memory_space<vmem>> -> memref<8x8x129xf32, #tpu.memory_space<vmem>>
        tpu.vector_store_idx %scatter3A_833[%select_n3A_96, %select_n3A_203, %broadcast_in_dim3A], %get3A_827 : memref<8x8x129xf32, #tpu.memory_space<vmem>>[vector<16xi32>, vector<16xi32>, vector<16xi32>], vector<16xf32>,
        %get3A_834 = arith.constant 1 : i32
        %get3A_835 = arith.index_cast %get3A_834 : i32 to index
        %get3A_836 = arith.index_cast %add3A_802 : i32 to index
        %get3A_837 = arith.constant 48 : index
        %get3A_838 = tpu.vector_load %arg6[%get3A_835, %get3A_836, %get3A_837] {strides = array<i32>} : memref<4x128x64xf32, #tpu.memory_space<vmem>>, vector<16xf32>,
        %scatter3A_839 = arith.constant 1 : i32
        %scatter3A_840 = arith.constant 0 : i32
        %scatter3A_841 = arith.constant 0 : i32
        %scatter3A_842 = arith.constant 0 : i32
        %scatter3A_843 = tpu.memref_slice %arg7[%scatter3A_839, %scatter3A_840, %scatter3A_841, %scatter3A_842] : memref<4x8x8x129xf32, #tpu.memory_space<vmem>> -> memref<1x8x8x129xf32, #tpu.memory_space<vmem>>
        %scatter3A_844 = tpu.memref_squeeze %scatter3A_843 : memref<1x8x8x129xf32, #tpu.memory_space<vmem>> -> memref<8x8x129xf32, #tpu.memory_space<vmem>>
        tpu.vector_store_idx %scatter3A_844[%select_n3A_130, %select_n3A_228, %broadcast_in_dim3A], %get3A_838 : memref<8x8x129xf32, #tpu.memory_space<vmem>>[vector<16xi32>, vector<16xi32>, vector<16xi32>], vector<16xf32>,
        %scan3A_845 = arith.constant 1 : i32
        %scan3A_846 = arith.addi %scan3A_798, %scan3A_845 : i32
        %mul3A_847 = arith.constant 1 : i32
        %mul3A_848 = arith.muli %scan3A_846, %mul3A_847 : i32
        %add3A_849 = arith.constant 0 : i32
        %add3A_850 = arith.addi %add3A_849, %mul3A_848 : i32
        %broadcast_in_dim3A_851 = vector.broadcast %add3A_850 : i32 to vector<16xi32>
        %get3A_852 = arith.constant 1 : i32
        %get3A_853 = arith.index_cast %get3A_852 : i32 to index
        %get3A_854 = arith.index_cast %add3A_850 : i32 to index
        %get3A_855 = arith.constant 0 : index
        %get3A_856 = tpu.vector_load %arg6[%get3A_853, %get3A_854, %get3A_855] {strides = array<i32>} : memref<4x128x64xf32, #tpu.memory_space<vmem>>, vector<16xf32>,
        %scatter3A_857 = arith.constant 1 : i32
        %scatter3A_858 = arith.constant 0 : i32
        %scatter3A_859 = arith.constant 0 : i32
        %scatter3A_860 = arith.constant 0 : i32
        %scatter3A_861 = tpu.memref_slice %arg7[%scatter3A_857, %scatter3A_858, %scatter3A_859, %scatter3A_860] : memref<4x8x8x129xf32, #tpu.memory_space<vmem>> -> memref<1x8x8x129xf32, #tpu.memory_space<vmem>>
        %scatter3A_862 = tpu.memref_squeeze %scatter3A_861 : memref<1x8x8x129xf32, #tpu.memory_space<vmem>> -> memref<8x8x129xf32, #tpu.memory_space<vmem>>
        tpu.vector_store_idx %scatter3A_862[%select_n3A, %select_n3A_153, %broadcast_in_dim3A_851], %get3A_856 : memref<8x8x129xf32, #tpu.memory_space<vmem>>[vector<16xi32>, vector<16xi32>, vector<16xi32>], vector<16xf32>,
        %get3A_863 = arith.constant 1 : i32
        %get3A_864 = arith.index_cast %get3A_863 : i32 to index
        %get3A_865 = arith.index_cast %add3A_850 : i32 to index
        %get3A_866 = arith.constant 16 : index
        %get3A_867 = tpu.vector_load %arg6[%get3A_864, %get3A_865, %get3A_866] {strides = array<i32>} : memref<4x128x64xf32, #tpu.memory_space<vmem>>, vector<16xf32>,
        %scatter3A_868 = arith.constant 1 : i32
        %scatter3A_869 = arith.constant 0 : i32
        %scatter3A_870 = arith.constant 0 : i32
        %scatter3A_871 = arith.constant 0 : i32
        %scatter3A_872 = tpu.memref_slice %arg7[%scatter3A_868, %scatter3A_869, %scatter3A_870, %scatter3A_871] : memref<4x8x8x129xf32, #tpu.memory_space<vmem>> -> memref<1x8x8x129xf32, #tpu.memory_space<vmem>>
        %scatter3A_873 = tpu.memref_squeeze %scatter3A_872 : memref<1x8x8x129xf32, #tpu.memory_space<vmem>> -> memref<8x8x129xf32, #tpu.memory_space<vmem>>
        tpu.vector_store_idx %scatter3A_873[%select_n3A_62, %select_n3A_178, %broadcast_in_dim3A_851], %get3A_867 : memref<8x8x129xf32, #tpu.memory_space<vmem>>[vector<16xi32>, vector<16xi32>, vector<16xi32>], vector<16xf32>,
        %get3A_874 = arith.constant 1 : i32
        %get3A_875 = arith.index_cast %get3A_874 : i32 to index
        %get3A_876 = arith.index_cast %add3A_850 : i32 to index
        %get3A_877 = arith.constant 32 : index
        %get3A_878 = tpu.vector_load %arg6[%get3A_875, %get3A_876, %get3A_877] {strides = array<i32>} : memref<4x128x64xf32, #tpu.memory_space<vmem>>, vector<16xf32>,
        %scatter3A_879 = arith.constant 1 : i32
        %scatter3A_880 = arith.constant 0 : i32
        %scatter3A_881 = arith.constant 0 : i32
        %scatter3A_882 = arith.constant 0 : i32
        %scatter3A_883 = tpu.memref_slice %arg7[%scatter3A_879, %scatter3A_880, %scatter3A_881, %scatter3A_882] : memref<4x8x8x129xf32, #tpu.memory_space<vmem>> -> memref<1x8x8x129xf32, #tpu.memory_space<vmem>>
        %scatter3A_884 = tpu.memref_squeeze %scatter3A_883 : memref<1x8x8x129xf32, #tpu.memory_space<vmem>> -> memref<8x8x129xf32, #tpu.memory_space<vmem>>
        tpu.vector_store_idx %scatter3A_884[%select_n3A_96, %select_n3A_203, %broadcast_in_dim3A_851], %get3A_878 : memref<8x8x129xf32, #tpu.memory_space<vmem>>[vector<16xi32>, vector<16xi32>, vector<16xi32>], vector<16xf32>,
        %get3A_885 = arith.constant 1 : i32
        %get3A_886 = arith.index_cast %get3A_885 : i32 to index
        %get3A_887 = arith.index_cast %add3A_850 : i32 to index
        %get3A_888 = arith.constant 48 : index
        %get3A_889 = tpu.vector_load %arg6[%get3A_886, %get3A_887, %get3A_888] {strides = array<i32>} : memref<4x128x64xf32, #tpu.memory_space<vmem>>, vector<16xf32>,
        %scatter3A_890 = arith.constant 1 : i32
        %scatter3A_891 = arith.constant 0 : i32
        %scatter3A_892 = arith.constant 0 : i32
        %scatter3A_893 = arith.constant 0 : i32
        %scatter3A_894 = tpu.memref_slice %arg7[%scatter3A_890, %scatter3A_891, %scatter3A_892, %scatter3A_893] : memref<4x8x8x129xf32, #tpu.memory_space<vmem>> -> memref<1x8x8x129xf32, #tpu.memory_space<vmem>>
        %scatter3A_895 = tpu.memref_squeeze %scatter3A_894 : memref<1x8x8x129xf32, #tpu.memory_space<vmem>> -> memref<8x8x129xf32, #tpu.memory_space<vmem>>
        tpu.vector_store_idx %scatter3A_895[%select_n3A_130, %select_n3A_228, %broadcast_in_dim3A_851], %get3A_889 : memref<8x8x129xf32, #tpu.memory_space<vmem>>[vector<16xi32>, vector<16xi32>, vector<16xi32>], vector<16xf32>,
        %scan3A_896 = arith.constant 2 : i32
        %scan3A_897 = arith.addi %scan3A_798, %scan3A_896 : i32
        %mul3A_898 = arith.constant 1 : i32
        %mul3A_899 = arith.muli %scan3A_897, %mul3A_898 : i32
        %add3A_900 = arith.constant 0 : i32
        %add3A_901 = arith.addi %add3A_900, %mul3A_899 : i32
        %broadcast_in_dim3A_902 = vector.broadcast %add3A_901 : i32 to vector<16xi32>
        %get3A_903 = arith.constant 1 : i32
        %get3A_904 = arith.index_cast %get3A_903 : i32 to index
        %get3A_905 = arith.index_cast %add3A_901 : i32 to index
        %get3A_906 = arith.constant 0 : index
        %get3A_907 = tpu.vector_load %arg6[%get3A_904, %get3A_905, %get3A_906] {strides = array<i32>} : memref<4x128x64xf32, #tpu.memory_space<vmem>>, vector<16xf32>,
        %scatter3A_908 = arith.constant 1 : i32
        %scatter3A_909 = arith.constant 0 : i32
        %scatter3A_910 = arith.constant 0 : i32
        %scatter3A_911 = arith.constant 0 : i32
        %scatter3A_912 = tpu.memref_slice %arg7[%scatter3A_908, %scatter3A_909, %scatter3A_910, %scatter3A_911] : memref<4x8x8x129xf32, #tpu.memory_space<vmem>> -> memref<1x8x8x129xf32, #tpu.memory_space<vmem>>
        %scatter3A_913 = tpu.memref_squeeze %scatter3A_912 : memref<1x8x8x129xf32, #tpu.memory_space<vmem>> -> memref<8x8x129xf32, #tpu.memory_space<vmem>>
        tpu.vector_store_idx %scatter3A_913[%select_n3A, %select_n3A_153, %broadcast_in_dim3A_902], %get3A_907 : memref<8x8x129xf32, #tpu.memory_space<vmem>>[vector<16xi32>, vector<16xi32>, vector<16xi32>], vector<16xf32>,
        %get3A_914 = arith.constant 1 : i32
        %get3A_915 = arith.index_cast %get3A_914 : i32 to index
        %get3A_916 = arith.index_cast %add3A_901 : i32 to index
        %get3A_917 = arith.constant 16 : index
        %get3A_918 = tpu.vector_load %arg6[%get3A_915, %get3A_916, %get3A_917] {strides = array<i32>} : memref<4x128x64xf32, #tpu.memory_space<vmem>>, vector<16xf32>,
        %scatter3A_919 = arith.constant 1 : i32
        %scatter3A_920 = arith.constant 0 : i32
        %scatter3A_921 = arith.constant 0 : i32
        %scatter3A_922 = arith.constant 0 : i32
        %scatter3A_923 = tpu.memref_slice %arg7[%scatter3A_919, %scatter3A_920, %scatter3A_921, %scatter3A_922] : memref<4x8x8x129xf32, #tpu.memory_space<vmem>> -> memref<1x8x8x129xf32, #tpu.memory_space<vmem>>
        %scatter3A_924 = tpu.memref_squeeze %scatter3A_923 : memref<1x8x8x129xf32, #tpu.memory_space<vmem>> -> memref<8x8x129xf32, #tpu.memory_space<vmem>>
        tpu.vector_store_idx %scatter3A_924[%select_n3A_62, %select_n3A_178, %broadcast_in_dim3A_902], %get3A_918 : memref<8x8x129xf32, #tpu.memory_space<vmem>>[vector<16xi32>, vector<16xi32>, vector<16xi32>], vector<16xf32>,
        %get3A_925 = arith.constant 1 : i32
        %get3A_926 = arith.index_cast %get3A_925 : i32 to index
        %get3A_927 = arith.index_cast %add3A_901 : i32 to index
        %get3A_928 = arith.constant 32 : index
        %get3A_929 = tpu.vector_load %arg6[%get3A_926, %get3A_927, %get3A_928] {strides = array<i32>} : memref<4x128x64xf32, #tpu.memory_space<vmem>>, vector<16xf32>,
        %scatter3A_930 = arith.constant 1 : i32
        %scatter3A_931 = arith.constant 0 : i32
        %scatter3A_932 = arith.constant 0 : i32
        %scatter3A_933 = arith.constant 0 : i32
        %scatter3A_934 = tpu.memref_slice %arg7[%scatter3A_930, %scatter3A_931, %scatter3A_932, %scatter3A_933] : memref<4x8x8x129xf32, #tpu.memory_space<vmem>> -> memref<1x8x8x129xf32, #tpu.memory_space<vmem>>
        %scatter3A_935 = tpu.memref_squeeze %scatter3A_934 : memref<1x8x8x129xf32, #tpu.memory_space<vmem>> -> memref<8x8x129xf32, #tpu.memory_space<vmem>>
        tpu.vector_store_idx %scatter3A_935[%select_n3A_96, %select_n3A_203, %broadcast_in_dim3A_902], %get3A_929 : memref<8x8x129xf32, #tpu.memory_space<vmem>>[vector<16xi32>, vector<16xi32>, vector<16xi32>], vector<16xf32>,
        %get3A_936 = arith.constant 1 : i32
        %get3A_937 = arith.index_cast %get3A_936 : i32 to index
        %get3A_938 = arith.index_cast %add3A_901 : i32 to index
        %get3A_939 = arith.constant 48 : index
        %get3A_940 = tpu.vector_load %arg6[%get3A_937, %get3A_938, %get3A_939] {strides = array<i32>} : memref<4x128x64xf32, #tpu.memory_space<vmem>>, vector<16xf32>,
        %scatter3A_941 = arith.constant 1 : i32
        %scatter3A_942 = arith.constant 0 : i32
        %scatter3A_943 = arith.constant 0 : i32
        %scatter3A_944 = arith.constant 0 : i32
        %scatter3A_945 = tpu.memref_slice %arg7[%scatter3A_941, %scatter3A_942, %scatter3A_943, %scatter3A_944] : memref<4x8x8x129xf32, #tpu.memory_space<vmem>> -> memref<1x8x8x129xf32, #tpu.memory_space<vmem>>
        %scatter3A_946 = tpu.memref_squeeze %scatter3A_945 : memref<1x8x8x129xf32, #tpu.memory_space<vmem>> -> memref<8x8x129xf32, #tpu.memory_space<vmem>>
        tpu.vector_store_idx %scatter3A_946[%select_n3A_130, %select_n3A_228, %broadcast_in_dim3A_902], %get3A_940 : memref<8x8x129xf32, #tpu.memory_space<vmem>>[vector<16xi32>, vector<16xi32>, vector<16xi32>], vector<16xf32>,
        %scan3A_947 = arith.constant 3 : i32
        %scan3A_948 = arith.addi %scan3A_798, %scan3A_947 : i32
        %mul3A_949 = arith.constant 1 : i32
        %mul3A_950 = arith.muli %scan3A_948, %mul3A_949 : i32
        %add3A_951 = arith.constant 0 : i32
        %add3A_952 = arith.addi %add3A_951, %mul3A_950 : i32
        %broadcast_in_dim3A_953 = vector.broadcast %add3A_952 : i32 to vector<16xi32>
        %get3A_954 = arith.constant 1 : i32
        %get3A_955 = arith.index_cast %get3A_954 : i32 to index
        %get3A_956 = arith.index_cast %add3A_952 : i32 to index
        %get3A_957 = arith.constant 0 : index
        %get3A_958 = tpu.vector_load %arg6[%get3A_955, %get3A_956, %get3A_957] {strides = array<i32>} : memref<4x128x64xf32, #tpu.memory_space<vmem>>, vector<16xf32>,
        %scatter3A_959 = arith.constant 1 : i32
        %scatter3A_960 = arith.constant 0 : i32
        %scatter3A_961 = arith.constant 0 : i32
        %scatter3A_962 = arith.constant 0 : i32
        %scatter3A_963 = tpu.memref_slice %arg7[%scatter3A_959, %scatter3A_960, %scatter3A_961, %scatter3A_962] : memref<4x8x8x129xf32, #tpu.memory_space<vmem>> -> memref<1x8x8x129xf32, #tpu.memory_space<vmem>>
        %scatter3A_964 = tpu.memref_squeeze %scatter3A_963 : memref<1x8x8x129xf32, #tpu.memory_space<vmem>> -> memref<8x8x129xf32, #tpu.memory_space<vmem>>
        tpu.vector_store_idx %scatter3A_964[%select_n3A, %select_n3A_153, %broadcast_in_dim3A_953], %get3A_958 : memref<8x8x129xf32, #tpu.memory_space<vmem>>[vector<16xi32>, vector<16xi32>, vector<16xi32>], vector<16xf32>,
        %get3A_965 = arith.constant 1 : i32
        %get3A_966 = arith.index_cast %get3A_965 : i32 to index
        %get3A_967 = arith.index_cast %add3A_952 : i32 to index
        %get3A_968 = arith.constant 16 : index
        %get3A_969 = tpu.vector_load %arg6[%get3A_966, %get3A_967, %get3A_968] {strides = array<i32>} : memref<4x128x64xf32, #tpu.memory_space<vmem>>, vector<16xf32>,
        %scatter3A_970 = arith.constant 1 : i32
        %scatter3A_971 = arith.constant 0 : i32
        %scatter3A_972 = arith.constant 0 : i32
        %scatter3A_973 = arith.constant 0 : i32
        %scatter3A_974 = tpu.memref_slice %arg7[%scatter3A_970, %scatter3A_971, %scatter3A_972, %scatter3A_973] : memref<4x8x8x129xf32, #tpu.memory_space<vmem>> -> memref<1x8x8x129xf32, #tpu.memory_space<vmem>>
        %scatter3A_975 = tpu.memref_squeeze %scatter3A_974 : memref<1x8x8x129xf32, #tpu.memory_space<vmem>> -> memref<8x8x129xf32, #tpu.memory_space<vmem>>
        tpu.vector_store_idx %scatter3A_975[%select_n3A_62, %select_n3A_178, %broadcast_in_dim3A_953], %get3A_969 : memref<8x8x129xf32, #tpu.memory_space<vmem>>[vector<16xi32>, vector<16xi32>, vector<16xi32>], vector<16xf32>,
        %get3A_976 = arith.constant 1 : i32
        %get3A_977 = arith.index_cast %get3A_976 : i32 to index
        %get3A_978 = arith.index_cast %add3A_952 : i32 to index
        %get3A_979 = arith.constant 32 : index
        %get3A_980 = tpu.vector_load %arg6[%get3A_977, %get3A_978, %get3A_979] {strides = array<i32>} : memref<4x128x64xf32, #tpu.memory_space<vmem>>, vector<16xf32>,
        %scatter3A_981 = arith.constant 1 : i32
        %scatter3A_982 = arith.constant 0 : i32
        %scatter3A_983 = arith.constant 0 : i32
        %scatter3A_984 = arith.constant 0 : i32
        %scatter3A_985 = tpu.memref_slice %arg7[%scatter3A_981, %scatter3A_982, %scatter3A_983, %scatter3A_984] : memref<4x8x8x129xf32, #tpu.memory_space<vmem>> -> memref<1x8x8x129xf32, #tpu.memory_space<vmem>>
        %scatter3A_986 = tpu.memref_squeeze %scatter3A_985 : memref<1x8x8x129xf32, #tpu.memory_space<vmem>> -> memref<8x8x129xf32, #tpu.memory_space<vmem>>
        tpu.vector_store_idx %scatter3A_986[%select_n3A_96, %select_n3A_203, %broadcast_in_dim3A_953], %get3A_980 : memref<8x8x129xf32, #tpu.memory_space<vmem>>[vector<16xi32>, vector<16xi32>, vector<16xi32>], vector<16xf32>,
        %get3A_987 = arith.constant 1 : i32
        %get3A_988 = arith.index_cast %get3A_987 : i32 to index
        %get3A_989 = arith.index_cast %add3A_952 : i32 to index
        %get3A_990 = arith.constant 48 : index
        %get3A_991 = tpu.vector_load %arg6[%get3A_988, %get3A_989, %get3A_990] {strides = array<i32>} : memref<4x128x64xf32, #tpu.memory_space<vmem>>, vector<16xf32>,
        %scatter3A_992 = arith.constant 1 : i32
        %scatter3A_993 = arith.constant 0 : i32
        %scatter3A_994 = arith.constant 0 : i32
        %scatter3A_995 = arith.constant 0 : i32
        %scatter3A_996 = tpu.memref_slice %arg7[%scatter3A_992, %scatter3A_993, %scatter3A_994, %scatter3A_995] : memref<4x8x8x129xf32, #tpu.memory_space<vmem>> -> memref<1x8x8x129xf32, #tpu.memory_space<vmem>>
        %scatter3A_997 = tpu.memref_squeeze %scatter3A_996 : memref<1x8x8x129xf32, #tpu.memory_space<vmem>> -> memref<8x8x129xf32, #tpu.memory_space<vmem>>
        tpu.vector_store_idx %scatter3A_997[%select_n3A_130, %select_n3A_228, %broadcast_in_dim3A_953], %get3A_991 : memref<8x8x129xf32, #tpu.memory_space<vmem>>[vector<16xi32>, vector<16xi32>, vector<16xi32>], vector<16xf32>,
      }
      %scan3A_500 = arith.constant 128 : i32
      %add3A_501 = arith.addi %mul3A_2, %add3A_463 : i32
      %jit3A_502 = arith.constant 128 : i32
      %div3A_503 = arith.divsi %add3A_501, %jit3A_502 : i32
      %sign3A_504 = arith.constant 0 : i32
      %sign3A_505 = arith.cmpi sgt, %add3A_501, %sign3A_504 : i32
      %sign3A_506 = arith.extui %sign3A_505 : i1 to i32
      %sign3A_507 = arith.constant 0 : i32
      %sign3A_508 = arith.cmpi slt, %add3A_501, %sign3A_507 : i32
      %sign3A_509 = arith.extui %sign3A_508 : i1 to i32
      %sign3A_510 = arith.subi %sign3A_506, %sign3A_509 : i32
      %sign3A_511 = arith.constant 0 : i32
      %sign3A_512 = arith.cmpi sgt, %jit3A_502, %sign3A_511 : i32
      %sign3A_513 = arith.extui %sign3A_512 : i1 to i32
      %sign3A_514 = arith.constant 0 : i32
      %sign3A_515 = arith.cmpi slt, %jit3A_502, %sign3A_514 : i32
      %sign3A_516 = arith.extui %sign3A_515 : i1 to i32
      %sign3A_517 = arith.subi %sign3A_513, %sign3A_516 : i32
      %ne3A_518 = arith.cmpi ne, %sign3A_510, %sign3A_517 : i32
      %rem3A_519 = arith.remsi %add3A_501, %jit3A_502 : i32
      %ne3A_520 = arith.constant 0 : i32
      %ne3A_521 = arith.cmpi ne, %rem3A_519, %ne3A_520 : i32
      %and3A_522 = arith.andi %ne3A_518, %ne3A_521 : i1
      %sub3A_523 = arith.constant 1 : i32
      %sub3A_524 = arith.subi %div3A_503, %sub3A_523 : i32
      %select_n3A_525 = arith.select %and3A_522, %sub3A_524, %div3A_503 : i32
      %jit3A_526 = arith.constant 128 : i32
      %eq3A_527 = arith.constant 0 : i32
      %eq3A_528 = arith.cmpi eq, %jit3A_526, %eq3A_527 : i32
      %jit3A_529 = arith.constant 1 : i32
      %select_n3A_530 = arith.select %eq3A_528, %jit3A_529, %jit3A_526 : i32
      %rem3A_531 = arith.remsi %add3A_501, %select_n3A_530 : i32
      %ne3A_532 = arith.constant 0 : i32
      %ne3A_533 = arith.cmpi ne, %rem3A_531, %ne3A_532 : i32
      %lt3A_534 = arith.constant 0 : i32
      %lt3A_535 = arith.cmpi slt, %rem3A_531, %lt3A_534 : i32
      %lt3A_536 = arith.constant 0 : i32
      %lt3A_537 = arith.cmpi slt, %select_n3A_530, %lt3A_536 : i32
      %ne3A_538 = arith.xori %lt3A_535, %lt3A_537 : i1
      %and3A_539 = arith.andi %ne3A_538, %ne3A_533 : i1
      %add3A_540 = arith.addi %rem3A_531, %select_n3A_530 : i32
      %select_n3A_541 = arith.select %and3A_539, %add3A_540, %rem3A_531 : i32
      %dma_start3A_542 = arith.constant 1 : i32
      %dma_start3A_543 = arith.constant 1 : i32
      %dma_start3A_544 = arith.constant 0 : i32
      %dma_start3A_545 = arith.constant 0 : i32
      %dma_start3A_546 = arith.constant 0 : i32
      %dma_start3A_547 = tpu.memref_slice %arg7[%dma_start3A_542, %dma_start3A_544, %dma_start3A_545, %dma_start3A_546] : memref<4x8x8x129xf32, #tpu.memory_space<vmem>> -> memref<1x8x8x129xf32, #tpu.memory_space<vmem>>
      %dma_start3A_548 = tpu.memref_squeeze %dma_start3A_547 : memref<1x8x8x129xf32, #tpu.memory_space<vmem>> -> memref<8x8x129xf32, #tpu.memory_space<vmem>>
      %dma_start3A_549 = arith.constant 0 : i32
      %dma_start3A_550 = arith.constant 0 : i32
      %dma_start3A_551 = arith.constant 0 : i32
      %dma_start3A_552 = tpu.memref_slice %dma_start3A_548[%dma_start3A_549, %dma_start3A_550, %dma_start3A_551] : memref<8x8x129xf32, #tpu.memory_space<vmem>> -> memref<8x8x128xf32, #tpu.memory_space<vmem>>
      %dma_start3A_553 = arith.constant 0 : i32
      %dma_start3A_554 = arith.constant 0 : i32
      %dma_start3A_555 = arith.constant 0 : i32
      %dma_start3A_556 = tpu.memref_slice %arg4[%select_n3A_525, %dma_start3A_553, %select_n3A_541, %dma_start3A_554, %dma_start3A_555] : memref<50x8x128x8x128xf32, #tpu.memory_space<hbm>> -> memref<1x8x1x8x128xf32, #tpu.memory_space<hbm>>
      %dma_start3A_557 = tpu.memref_squeeze %dma_start3A_556 : memref<1x8x1x8x128xf32, #tpu.memory_space<hbm>> -> memref<8x8x128xf32, #tpu.memory_space<hbm>>
      %dma_start3A_558 = tpu.memref_slice %arg9[%dma_start3A_543] : memref<4x!tpu.dma_semaphore, #tpu.memory_space<semaphore_mem>> -> memref<1x!tpu.dma_semaphore, #tpu.memory_space<semaphore_mem>>
      %dma_start3A_559 = tpu.memref_squeeze %dma_start3A_558 : memref<1x!tpu.dma_semaphore, #tpu.memory_space<semaphore_mem>> -> memref<!tpu.dma_semaphore, #tpu.memory_space<semaphore_mem>>
      %dma_start3A_560 = arith.constant 0 : i32
      %dma_start3A_561 = arith.constant 0 : i32
      %dma_start3A_562 = arith.constant 0 : i32
      %dma_start3A_563 = tpu.memref_slice %arg4[%select_n3A_525, %dma_start3A_560, %select_n3A_541, %dma_start3A_561, %dma_start3A_562] : memref<50x8x128x8x128xf32, #tpu.memory_space<hbm>> -> memref<1x8x1x8x128xf32, #tpu.memory_space<hbm>>
      %dma_start3A_564 = tpu.memref_squeeze %dma_start3A_563 : memref<1x8x1x8x128xf32, #tpu.memory_space<hbm>> -> memref<8x8x128xf32, #tpu.memory_space<hbm>>
      %dma_start3A_565 = arith.constant 0 : i32
      %dma_start3A_566 = arith.constant 0 : i32
      %dma_start3A_567 = arith.constant 0 : i32
      %dma_start3A_568 = tpu.memref_slice %arg7[%dma_start3A_542, %dma_start3A_565, %dma_start3A_566, %dma_start3A_567] : memref<4x8x8x129xf32, #tpu.memory_space<vmem>> -> memref<1x8x8x129xf32, #tpu.memory_space<vmem>>
      %dma_start3A_569 = tpu.memref_squeeze %dma_start3A_568 : memref<1x8x8x129xf32, #tpu.memory_space<vmem>> -> memref<8x8x129xf32, #tpu.memory_space<vmem>>
      %dma_start3A_570 = arith.constant 0 : i32
      %dma_start3A_571 = arith.constant 0 : i32
      %dma_start3A_572 = arith.constant 0 : i32
      %dma_start3A_573 = tpu.memref_slice %dma_start3A_569[%dma_start3A_570, %dma_start3A_571, %dma_start3A_572] : memref<8x8x129xf32, #tpu.memory_space<vmem>> -> memref<8x8x128xf32, #tpu.memory_space<vmem>>
      tpu.enqueue_dma source(%dma_start3A_573 : memref<8x8x128xf32, #tpu.memory_space<vmem>>) target(%dma_start3A_564 : memref<8x8x128xf32, #tpu.memory_space<hbm>>) target_semaphore(%dma_start3A_559 : memref<!tpu.dma_semaphore, #tpu.memory_space<semaphore_mem>>)
      %add3A_574 = arith.constant 2 : i32
      %add3A_575 = arith.addi %add3A_352, %add3A_574 : i32
      %add3A_576 = arith.constant 4 : i32
      %add3A_577 = arith.addi %add3A_575, %add3A_576 : i32
      %sub3A_578 = arith.constant 1 : i32
      %sub3A_579 = arith.subi %add3A_577, %sub3A_578 : i32
      %lt3A_580 = arith.constant 200 : i32
      %lt3A_581 = arith.cmpi slt, %sub3A_579, %lt3A_580 : i32
      %convert_element_type3A_582 = arith.extui %lt3A_581 : i1 to i32
      %cond3A_583 = arith.constant 0 : i32
      %cond3A_584 = arith.cmpi ne, %convert_element_type3A_582, %cond3A_583 : i32
      scf.if %cond3A_584 {
        %add3A_798 = arith.constant 4 : i32
        %add3A_799 = arith.addi %add3A_575, %add3A_798 : i32
        %sub3A_800 = arith.constant 1 : i32
        %sub3A_801 = arith.subi %add3A_799, %sub3A_800 : i32
        %dma_start3A_802 = arith.constant 1 : i32
        %dma_start3A_803 = arith.constant 1 : i32
        %dma_start3A_804 = arith.constant 0 : i32
        %dma_start3A_805 = arith.constant 0 : i32
        %dma_start3A_806 = tpu.memref_slice %arg6[%dma_start3A_802, %dma_start3A_804, %dma_start3A_805] : memref<4x128x64xf32, #tpu.memory_space<vmem>> -> memref<1x128x64xf32, #tpu.memory_space<vmem>>
        %dma_start3A_807 = tpu.memref_squeeze %dma_start3A_806 : memref<1x128x64xf32, #tpu.memory_space<vmem>> -> memref<128x64xf32, #tpu.memory_space<vmem>>
        %dma_start3A_808 = arith.constant 0 : i32
        %dma_start3A_809 = tpu.memref_slice %arg5[%sub3A_801, %dma_start3A_808] : memref<200x128xi32, #tpu.memory_space<vmem>> -> memref<1x128xi32, #tpu.memory_space<vmem>>
        %dma_start3A_810 = tpu.memref_squeeze %dma_start3A_809 : memref<1x128xi32, #tpu.memory_space<vmem>> -> memref<128xi32, #tpu.memory_space<vmem>>
        %dma_start3A_811 = arith.constant 0 : i32
        %dma_start3A_812 = arith.constant 0 : i32
        %dma_start3A_813 = tpu.memref_slice %arg3[%dma_start3A_811, %dma_start3A_812] : memref<1000000x64xf32, #tpu.memory_space<hbm>> -> memref<1000000x64xf32, #tpu.memory_space<hbm>>
        %dma_start3A_814 = tpu.memref_slice %arg8[%dma_start3A_803] : memref<4x!tpu.dma_semaphore, #tpu.memory_space<semaphore_mem>> -> memref<1x!tpu.dma_semaphore, #tpu.memory_space<semaphore_mem>>
        %dma_start3A_815 = tpu.memref_squeeze %dma_start3A_814 : memref<1x!tpu.dma_semaphore, #tpu.memory_space<semaphore_mem>> -> memref<!tpu.dma_semaphore, #tpu.memory_space<semaphore_mem>>
        tpu.enqueue_indirect_dma source(%dma_start3A_813 : memref<1000000x64xf32, #tpu.memory_space<hbm>>) target(%dma_start3A_807 : memref<128x64xf32, #tpu.memory_space<vmem>>) offsets(%dma_start3A_810 : memref<128xi32, #tpu.memory_space<vmem>>) semaphore(%dma_start3A_815 : memref<!tpu.dma_semaphore, #tpu.memory_space<semaphore_mem>>)
      } else {
      }
      %dma_wait3A_585 = arith.constant 2 : i32
      %dma_wait3A_586 = arith.constant 2 : i32
      %dma_wait3A_587 = arith.constant 0 : i32
      %dma_wait3A_588 = arith.constant 0 : i32
      %dma_wait3A_589 = tpu.memref_slice %arg6[%dma_wait3A_585, %dma_wait3A_587, %dma_wait3A_588] : memref<4x128x64xf32, #tpu.memory_space<vmem>> -> memref<1x128x64xf32, #tpu.memory_space<vmem>>
      %dma_wait3A_590 = tpu.memref_squeeze %dma_wait3A_589 : memref<1x128x64xf32, #tpu.memory_space<vmem>> -> memref<128x64xf32, #tpu.memory_space<vmem>>
      %dma_wait3A_591 = arith.constant 0 : i32
      %dma_wait3A_592 = arith.constant 0 : i32
      %dma_wait3A_593 = tpu.memref_slice %arg3[%dma_wait3A_591, %dma_wait3A_592] : memref<1000000x64xf32, #tpu.memory_space<hbm>> -> memref<128x64xf32, #tpu.memory_space<hbm>>
      %dma_wait3A_594 = tpu.memref_slice %arg8[%dma_wait3A_586] : memref<4x!tpu.dma_semaphore, #tpu.memory_space<semaphore_mem>> -> memref<1x!tpu.dma_semaphore, #tpu.memory_space<semaphore_mem>>
      %dma_wait3A_595 = tpu.memref_squeeze %dma_wait3A_594 : memref<1x!tpu.dma_semaphore, #tpu.memory_space<semaphore_mem>> -> memref<!tpu.dma_semaphore, #tpu.memory_space<semaphore_mem>>
      %dma_wait3A_596 = arith.constant 0 : i32
      %dma_wait3A_597 = arith.constant 0 : i32
      %dma_wait3A_598 = tpu.memref_slice %arg6[%dma_wait3A_585, %dma_wait3A_596, %dma_wait3A_597] : memref<4x128x64xf32, #tpu.memory_space<vmem>> -> memref<1x128x64xf32, #tpu.memory_space<vmem>>
      %dma_wait3A_599 = tpu.memref_squeeze %dma_wait3A_598 : memref<1x128x64xf32, #tpu.memory_space<vmem>> -> memref<128x64xf32, #tpu.memory_space<vmem>>
      %dma_wait3A_600 = arith.constant 0 : i32
      %dma_wait3A_601 = arith.constant 0 : i32
      %dma_wait3A_602 = tpu.memref_slice %arg3[%dma_wait3A_600, %dma_wait3A_601] : memref<1000000x64xf32, #tpu.memory_space<hbm>> -> memref<128x64xf32, #tpu.memory_space<hbm>>
      tpu.wait_dma2 semaphore(%dma_wait3A_595 : memref<!tpu.dma_semaphore, #tpu.memory_space<semaphore_mem>>) src(%dma_wait3A_602 : memref<128x64xf32, #tpu.memory_space<hbm>>) dst(%dma_wait3A_599 : memref<128x64xf32, #tpu.memory_space<vmem>>)
      %ge3A_603 = arith.constant 4 : i32
      %ge3A_604 = arith.cmpi sge, %add3A_575, %ge3A_603 : i32
      %convert_element_type3A_605 = arith.extui %ge3A_604 : i1 to i32
      %cond3A_606 = arith.constant 0 : i32
      %cond3A_607 = arith.cmpi ne, %convert_element_type3A_605, %cond3A_606 : i32
      scf.if %cond3A_607 {
        %dma_wait3A_798 = arith.constant 2 : i32
        %dma_wait3A_799 = arith.constant 2 : i32
        %dma_wait3A_800 = arith.constant 0 : i32
        %dma_wait3A_801 = arith.constant 0 : i32
        %dma_wait3A_802 = tpu.memref_slice %arg6[%dma_wait3A_798, %dma_wait3A_800, %dma_wait3A_801] : memref<4x128x64xf32, #tpu.memory_space<vmem>> -> memref<1x128x64xf32, #tpu.memory_space<vmem>>
        %dma_wait3A_803 = tpu.memref_squeeze %dma_wait3A_802 : memref<1x128x64xf32, #tpu.memory_space<vmem>> -> memref<128x64xf32, #tpu.memory_space<vmem>>
        %dma_wait3A_804 = arith.constant 0 : i32
        %dma_wait3A_805 = arith.constant 0 : i32
        %dma_wait3A_806 = tpu.memref_slice %arg3[%dma_wait3A_804, %dma_wait3A_805] : memref<1000000x64xf32, #tpu.memory_space<hbm>> -> memref<128x64xf32, #tpu.memory_space<hbm>>
        %dma_wait3A_807 = tpu.memref_slice %arg9[%dma_wait3A_799] : memref<4x!tpu.dma_semaphore, #tpu.memory_space<semaphore_mem>> -> memref<1x!tpu.dma_semaphore, #tpu.memory_space<semaphore_mem>>
        %dma_wait3A_808 = tpu.memref_squeeze %dma_wait3A_807 : memref<1x!tpu.dma_semaphore, #tpu.memory_space<semaphore_mem>> -> memref<!tpu.dma_semaphore, #tpu.memory_space<semaphore_mem>>
        %dma_wait3A_809 = arith.constant 0 : i32
        %dma_wait3A_810 = arith.constant 0 : i32
        %dma_wait3A_811 = tpu.memref_slice %arg6[%dma_wait3A_798, %dma_wait3A_809, %dma_wait3A_810] : memref<4x128x64xf32, #tpu.memory_space<vmem>> -> memref<1x128x64xf32, #tpu.memory_space<vmem>>
        %dma_wait3A_812 = tpu.memref_squeeze %dma_wait3A_811 : memref<1x128x64xf32, #tpu.memory_space<vmem>> -> memref<128x64xf32, #tpu.memory_space<vmem>>
        %dma_wait3A_813 = arith.constant 0 : i32
        %dma_wait3A_814 = arith.constant 0 : i32
        %dma_wait3A_815 = tpu.memref_slice %arg3[%dma_wait3A_813, %dma_wait3A_814] : memref<1000000x64xf32, #tpu.memory_space<hbm>> -> memref<128x64xf32, #tpu.memory_space<hbm>>
        tpu.wait_dma2 semaphore(%dma_wait3A_808 : memref<!tpu.dma_semaphore, #tpu.memory_space<semaphore_mem>>) src(%dma_wait3A_815 : memref<128x64xf32, #tpu.memory_space<hbm>>) dst(%dma_wait3A_812 : memref<128x64xf32, #tpu.memory_space<vmem>>)
      } else {
      }
      %scan3A_608 = arith.constant 0 : i32
      %scan3A_609 = arith.constant 128 : i32
      %scan3A_610 = arith.addi %scan3A_608, %scan3A_609 : i32
      %scan3A_611 = arith.constant 4 : i32
      scf.for %scan3A_798 = %scan3A_608 to %scan3A_610 step %scan3A_611  : i32 {
        %mul3A_799 = arith.constant 1 : i32
        %mul3A_800 = arith.muli %scan3A_798, %mul3A_799 : i32
        %add3A_801 = arith.constant 0 : i32
        %add3A_802 = arith.addi %add3A_801, %mul3A_800 : i32
        %broadcast_in_dim3A = vector.broadcast %add3A_802 : i32 to vector<16xi32>
        %get3A = arith.constant 2 : i32
        %get3A_803 = arith.index_cast %get3A : i32 to index
        %get3A_804 = arith.index_cast %add3A_802 : i32 to index
        %get3A_805 = arith.constant 0 : index
        %get3A_806 = tpu.vector_load %arg6[%get3A_803, %get3A_804, %get3A_805] {strides = array<i32>} : memref<4x128x64xf32, #tpu.memory_space<vmem>>, vector<16xf32>,
        %scatter3A = arith.constant 2 : i32
        %scatter3A_807 = arith.constant 0 : i32
        %scatter3A_808 = arith.constant 0 : i32
        %scatter3A_809 = arith.constant 0 : i32
        %scatter3A_810 = tpu.memref_slice %arg7[%scatter3A, %scatter3A_807, %scatter3A_808, %scatter3A_809] : memref<4x8x8x129xf32, #tpu.memory_space<vmem>> -> memref<1x8x8x129xf32, #tpu.memory_space<vmem>>
        %scatter3A_811 = tpu.memref_squeeze %scatter3A_810 : memref<1x8x8x129xf32, #tpu.memory_space<vmem>> -> memref<8x8x129xf32, #tpu.memory_space<vmem>>
        tpu.vector_store_idx %scatter3A_811[%select_n3A, %select_n3A_153, %broadcast_in_dim3A], %get3A_806 : memref<8x8x129xf32, #tpu.memory_space<vmem>>[vector<16xi32>, vector<16xi32>, vector<16xi32>], vector<16xf32>,
        %get3A_812 = arith.constant 2 : i32
        %get3A_813 = arith.index_cast %get3A_812 : i32 to index
        %get3A_814 = arith.index_cast %add3A_802 : i32 to index
        %get3A_815 = arith.constant 16 : index
        %get3A_816 = tpu.vector_load %arg6[%get3A_813, %get3A_814, %get3A_815] {strides = array<i32>} : memref<4x128x64xf32, #tpu.memory_space<vmem>>, vector<16xf32>,
        %scatter3A_817 = arith.constant 2 : i32
        %scatter3A_818 = arith.constant 0 : i32
        %scatter3A_819 = arith.constant 0 : i32
        %scatter3A_820 = arith.constant 0 : i32
        %scatter3A_821 = tpu.memref_slice %arg7[%scatter3A_817, %scatter3A_818, %scatter3A_819, %scatter3A_820] : memref<4x8x8x129xf32, #tpu.memory_space<vmem>> -> memref<1x8x8x129xf32, #tpu.memory_space<vmem>>
        %scatter3A_822 = tpu.memref_squeeze %scatter3A_821 : memref<1x8x8x129xf32, #tpu.memory_space<vmem>> -> memref<8x8x129xf32, #tpu.memory_space<vmem>>
        tpu.vector_store_idx %scatter3A_822[%select_n3A_62, %select_n3A_178, %broadcast_in_dim3A], %get3A_816 : memref<8x8x129xf32, #tpu.memory_space<vmem>>[vector<16xi32>, vector<16xi32>, vector<16xi32>], vector<16xf32>,
        %get3A_823 = arith.constant 2 : i32
        %get3A_824 = arith.index_cast %get3A_823 : i32 to index
        %get3A_825 = arith.index_cast %add3A_802 : i32 to index
        %get3A_826 = arith.constant 32 : index
        %get3A_827 = tpu.vector_load %arg6[%get3A_824, %get3A_825, %get3A_826] {strides = array<i32>} : memref<4x128x64xf32, #tpu.memory_space<vmem>>, vector<16xf32>,
        %scatter3A_828 = arith.constant 2 : i32
        %scatter3A_829 = arith.constant 0 : i32
        %scatter3A_830 = arith.constant 0 : i32
        %scatter3A_831 = arith.constant 0 : i32
        %scatter3A_832 = tpu.memref_slice %arg7[%scatter3A_828, %scatter3A_829, %scatter3A_830, %scatter3A_831] : memref<4x8x8x129xf32, #tpu.memory_space<vmem>> -> memref<1x8x8x129xf32, #tpu.memory_space<vmem>>
        %scatter3A_833 = tpu.memref_squeeze %scatter3A_832 : memref<1x8x8x129xf32, #tpu.memory_space<vmem>> -> memref<8x8x129xf32, #tpu.memory_space<vmem>>
        tpu.vector_store_idx %scatter3A_833[%select_n3A_96, %select_n3A_203, %broadcast_in_dim3A], %get3A_827 : memref<8x8x129xf32, #tpu.memory_space<vmem>>[vector<16xi32>, vector<16xi32>, vector<16xi32>], vector<16xf32>,
        %get3A_834 = arith.constant 2 : i32
        %get3A_835 = arith.index_cast %get3A_834 : i32 to index
        %get3A_836 = arith.index_cast %add3A_802 : i32 to index
        %get3A_837 = arith.constant 48 : index
        %get3A_838 = tpu.vector_load %arg6[%get3A_835, %get3A_836, %get3A_837] {strides = array<i32>} : memref<4x128x64xf32, #tpu.memory_space<vmem>>, vector<16xf32>,
        %scatter3A_839 = arith.constant 2 : i32
        %scatter3A_840 = arith.constant 0 : i32
        %scatter3A_841 = arith.constant 0 : i32
        %scatter3A_842 = arith.constant 0 : i32
        %scatter3A_843 = tpu.memref_slice %arg7[%scatter3A_839, %scatter3A_840, %scatter3A_841, %scatter3A_842] : memref<4x8x8x129xf32, #tpu.memory_space<vmem>> -> memref<1x8x8x129xf32, #tpu.memory_space<vmem>>
        %scatter3A_844 = tpu.memref_squeeze %scatter3A_843 : memref<1x8x8x129xf32, #tpu.memory_space<vmem>> -> memref<8x8x129xf32, #tpu.memory_space<vmem>>
        tpu.vector_store_idx %scatter3A_844[%select_n3A_130, %select_n3A_228, %broadcast_in_dim3A], %get3A_838 : memref<8x8x129xf32, #tpu.memory_space<vmem>>[vector<16xi32>, vector<16xi32>, vector<16xi32>], vector<16xf32>,
        %scan3A_845 = arith.constant 1 : i32
        %scan3A_846 = arith.addi %scan3A_798, %scan3A_845 : i32
        %mul3A_847 = arith.constant 1 : i32
        %mul3A_848 = arith.muli %scan3A_846, %mul3A_847 : i32
        %add3A_849 = arith.constant 0 : i32
        %add3A_850 = arith.addi %add3A_849, %mul3A_848 : i32
        %broadcast_in_dim3A_851 = vector.broadcast %add3A_850 : i32 to vector<16xi32>
        %get3A_852 = arith.constant 2 : i32
        %get3A_853 = arith.index_cast %get3A_852 : i32 to index
        %get3A_854 = arith.index_cast %add3A_850 : i32 to index
        %get3A_855 = arith.constant 0 : index
        %get3A_856 = tpu.vector_load %arg6[%get3A_853, %get3A_854, %get3A_855] {strides = array<i32>} : memref<4x128x64xf32, #tpu.memory_space<vmem>>, vector<16xf32>,
        %scatter3A_857 = arith.constant 2 : i32
        %scatter3A_858 = arith.constant 0 : i32
        %scatter3A_859 = arith.constant 0 : i32
        %scatter3A_860 = arith.constant 0 : i32
        %scatter3A_861 = tpu.memref_slice %arg7[%scatter3A_857, %scatter3A_858, %scatter3A_859, %scatter3A_860] : memref<4x8x8x129xf32, #tpu.memory_space<vmem>> -> memref<1x8x8x129xf32, #tpu.memory_space<vmem>>
        %scatter3A_862 = tpu.memref_squeeze %scatter3A_861 : memref<1x8x8x129xf32, #tpu.memory_space<vmem>> -> memref<8x8x129xf32, #tpu.memory_space<vmem>>
        tpu.vector_store_idx %scatter3A_862[%select_n3A, %select_n3A_153, %broadcast_in_dim3A_851], %get3A_856 : memref<8x8x129xf32, #tpu.memory_space<vmem>>[vector<16xi32>, vector<16xi32>, vector<16xi32>], vector<16xf32>,
        %get3A_863 = arith.constant 2 : i32
        %get3A_864 = arith.index_cast %get3A_863 : i32 to index
        %get3A_865 = arith.index_cast %add3A_850 : i32 to index
        %get3A_866 = arith.constant 16 : index
        %get3A_867 = tpu.vector_load %arg6[%get3A_864, %get3A_865, %get3A_866] {strides = array<i32>} : memref<4x128x64xf32, #tpu.memory_space<vmem>>, vector<16xf32>,
        %scatter3A_868 = arith.constant 2 : i32
        %scatter3A_869 = arith.constant 0 : i32
        %scatter3A_870 = arith.constant 0 : i32
        %scatter3A_871 = arith.constant 0 : i32
        %scatter3A_872 = tpu.memref_slice %arg7[%scatter3A_868, %scatter3A_869, %scatter3A_870, %scatter3A_871] : memref<4x8x8x129xf32, #tpu.memory_space<vmem>> -> memref<1x8x8x129xf32, #tpu.memory_space<vmem>>
        %scatter3A_873 = tpu.memref_squeeze %scatter3A_872 : memref<1x8x8x129xf32, #tpu.memory_space<vmem>> -> memref<8x8x129xf32, #tpu.memory_space<vmem>>
        tpu.vector_store_idx %scatter3A_873[%select_n3A_62, %select_n3A_178, %broadcast_in_dim3A_851], %get3A_867 : memref<8x8x129xf32, #tpu.memory_space<vmem>>[vector<16xi32>, vector<16xi32>, vector<16xi32>], vector<16xf32>,
        %get3A_874 = arith.constant 2 : i32
        %get3A_875 = arith.index_cast %get3A_874 : i32 to index
        %get3A_876 = arith.index_cast %add3A_850 : i32 to index
        %get3A_877 = arith.constant 32 : index
        %get3A_878 = tpu.vector_load %arg6[%get3A_875, %get3A_876, %get3A_877] {strides = array<i32>} : memref<4x128x64xf32, #tpu.memory_space<vmem>>, vector<16xf32>,
        %scatter3A_879 = arith.constant 2 : i32
        %scatter3A_880 = arith.constant 0 : i32
        %scatter3A_881 = arith.constant 0 : i32
        %scatter3A_882 = arith.constant 0 : i32
        %scatter3A_883 = tpu.memref_slice %arg7[%scatter3A_879, %scatter3A_880, %scatter3A_881, %scatter3A_882] : memref<4x8x8x129xf32, #tpu.memory_space<vmem>> -> memref<1x8x8x129xf32, #tpu.memory_space<vmem>>
        %scatter3A_884 = tpu.memref_squeeze %scatter3A_883 : memref<1x8x8x129xf32, #tpu.memory_space<vmem>> -> memref<8x8x129xf32, #tpu.memory_space<vmem>>
        tpu.vector_store_idx %scatter3A_884[%select_n3A_96, %select_n3A_203, %broadcast_in_dim3A_851], %get3A_878 : memref<8x8x129xf32, #tpu.memory_space<vmem>>[vector<16xi32>, vector<16xi32>, vector<16xi32>], vector<16xf32>,
        %get3A_885 = arith.constant 2 : i32
        %get3A_886 = arith.index_cast %get3A_885 : i32 to index
        %get3A_887 = arith.index_cast %add3A_850 : i32 to index
        %get3A_888 = arith.constant 48 : index
        %get3A_889 = tpu.vector_load %arg6[%get3A_886, %get3A_887, %get3A_888] {strides = array<i32>} : memref<4x128x64xf32, #tpu.memory_space<vmem>>, vector<16xf32>,
        %scatter3A_890 = arith.constant 2 : i32
        %scatter3A_891 = arith.constant 0 : i32
        %scatter3A_892 = arith.constant 0 : i32
        %scatter3A_893 = arith.constant 0 : i32
        %scatter3A_894 = tpu.memref_slice %arg7[%scatter3A_890, %scatter3A_891, %scatter3A_892, %scatter3A_893] : memref<4x8x8x129xf32, #tpu.memory_space<vmem>> -> memref<1x8x8x129xf32, #tpu.memory_space<vmem>>
        %scatter3A_895 = tpu.memref_squeeze %scatter3A_894 : memref<1x8x8x129xf32, #tpu.memory_space<vmem>> -> memref<8x8x129xf32, #tpu.memory_space<vmem>>
        tpu.vector_store_idx %scatter3A_895[%select_n3A_130, %select_n3A_228, %broadcast_in_dim3A_851], %get3A_889 : memref<8x8x129xf32, #tpu.memory_space<vmem>>[vector<16xi32>, vector<16xi32>, vector<16xi32>], vector<16xf32>,
        %scan3A_896 = arith.constant 2 : i32
        %scan3A_897 = arith.addi %scan3A_798, %scan3A_896 : i32
        %mul3A_898 = arith.constant 1 : i32
        %mul3A_899 = arith.muli %scan3A_897, %mul3A_898 : i32
        %add3A_900 = arith.constant 0 : i32
        %add3A_901 = arith.addi %add3A_900, %mul3A_899 : i32
        %broadcast_in_dim3A_902 = vector.broadcast %add3A_901 : i32 to vector<16xi32>
        %get3A_903 = arith.constant 2 : i32
        %get3A_904 = arith.index_cast %get3A_903 : i32 to index
        %get3A_905 = arith.index_cast %add3A_901 : i32 to index
        %get3A_906 = arith.constant 0 : index
        %get3A_907 = tpu.vector_load %arg6[%get3A_904, %get3A_905, %get3A_906] {strides = array<i32>} : memref<4x128x64xf32, #tpu.memory_space<vmem>>, vector<16xf32>,
        %scatter3A_908 = arith.constant 2 : i32
        %scatter3A_909 = arith.constant 0 : i32
        %scatter3A_910 = arith.constant 0 : i32
        %scatter3A_911 = arith.constant 0 : i32
        %scatter3A_912 = tpu.memref_slice %arg7[%scatter3A_908, %scatter3A_909, %scatter3A_910, %scatter3A_911] : memref<4x8x8x129xf32, #tpu.memory_space<vmem>> -> memref<1x8x8x129xf32, #tpu.memory_space<vmem>>
        %scatter3A_913 = tpu.memref_squeeze %scatter3A_912 : memref<1x8x8x129xf32, #tpu.memory_space<vmem>> -> memref<8x8x129xf32, #tpu.memory_space<vmem>>
        tpu.vector_store_idx %scatter3A_913[%select_n3A, %select_n3A_153, %broadcast_in_dim3A_902], %get3A_907 : memref<8x8x129xf32, #tpu.memory_space<vmem>>[vector<16xi32>, vector<16xi32>, vector<16xi32>], vector<16xf32>,
        %get3A_914 = arith.constant 2 : i32
        %get3A_915 = arith.index_cast %get3A_914 : i32 to index
        %get3A_916 = arith.index_cast %add3A_901 : i32 to index
        %get3A_917 = arith.constant 16 : index
        %get3A_918 = tpu.vector_load %arg6[%get3A_915, %get3A_916, %get3A_917] {strides = array<i32>} : memref<4x128x64xf32, #tpu.memory_space<vmem>>, vector<16xf32>,
        %scatter3A_919 = arith.constant 2 : i32
        %scatter3A_920 = arith.constant 0 : i32
        %scatter3A_921 = arith.constant 0 : i32
        %scatter3A_922 = arith.constant 0 : i32
        %scatter3A_923 = tpu.memref_slice %arg7[%scatter3A_919, %scatter3A_920, %scatter3A_921, %scatter3A_922] : memref<4x8x8x129xf32, #tpu.memory_space<vmem>> -> memref<1x8x8x129xf32, #tpu.memory_space<vmem>>
        %scatter3A_924 = tpu.memref_squeeze %scatter3A_923 : memref<1x8x8x129xf32, #tpu.memory_space<vmem>> -> memref<8x8x129xf32, #tpu.memory_space<vmem>>
        tpu.vector_store_idx %scatter3A_924[%select_n3A_62, %select_n3A_178, %broadcast_in_dim3A_902], %get3A_918 : memref<8x8x129xf32, #tpu.memory_space<vmem>>[vector<16xi32>, vector<16xi32>, vector<16xi32>], vector<16xf32>,
        %get3A_925 = arith.constant 2 : i32
        %get3A_926 = arith.index_cast %get3A_925 : i32 to index
        %get3A_927 = arith.index_cast %add3A_901 : i32 to index
        %get3A_928 = arith.constant 32 : index
        %get3A_929 = tpu.vector_load %arg6[%get3A_926, %get3A_927, %get3A_928] {strides = array<i32>} : memref<4x128x64xf32, #tpu.memory_space<vmem>>, vector<16xf32>,
        %scatter3A_930 = arith.constant 2 : i32
        %scatter3A_931 = arith.constant 0 : i32
        %scatter3A_932 = arith.constant 0 : i32
        %scatter3A_933 = arith.constant 0 : i32
        %scatter3A_934 = tpu.memref_slice %arg7[%scatter3A_930, %scatter3A_931, %scatter3A_932, %scatter3A_933] : memref<4x8x8x129xf32, #tpu.memory_space<vmem>> -> memref<1x8x8x129xf32, #tpu.memory_space<vmem>>
        %scatter3A_935 = tpu.memref_squeeze %scatter3A_934 : memref<1x8x8x129xf32, #tpu.memory_space<vmem>> -> memref<8x8x129xf32, #tpu.memory_space<vmem>>
        tpu.vector_store_idx %scatter3A_935[%select_n3A_96, %select_n3A_203, %broadcast_in_dim3A_902], %get3A_929 : memref<8x8x129xf32, #tpu.memory_space<vmem>>[vector<16xi32>, vector<16xi32>, vector<16xi32>], vector<16xf32>,
        %get3A_936 = arith.constant 2 : i32
        %get3A_937 = arith.index_cast %get3A_936 : i32 to index
        %get3A_938 = arith.index_cast %add3A_901 : i32 to index
        %get3A_939 = arith.constant 48 : index
        %get3A_940 = tpu.vector_load %arg6[%get3A_937, %get3A_938, %get3A_939] {strides = array<i32>} : memref<4x128x64xf32, #tpu.memory_space<vmem>>, vector<16xf32>,
        %scatter3A_941 = arith.constant 2 : i32
        %scatter3A_942 = arith.constant 0 : i32
        %scatter3A_943 = arith.constant 0 : i32
        %scatter3A_944 = arith.constant 0 : i32
        %scatter3A_945 = tpu.memref_slice %arg7[%scatter3A_941, %scatter3A_942, %scatter3A_943, %scatter3A_944] : memref<4x8x8x129xf32, #tpu.memory_space<vmem>> -> memref<1x8x8x129xf32, #tpu.memory_space<vmem>>
        %scatter3A_946 = tpu.memref_squeeze %scatter3A_945 : memref<1x8x8x129xf32, #tpu.memory_space<vmem>> -> memref<8x8x129xf32, #tpu.memory_space<vmem>>
        tpu.vector_store_idx %scatter3A_946[%select_n3A_130, %select_n3A_228, %broadcast_in_dim3A_902], %get3A_940 : memref<8x8x129xf32, #tpu.memory_space<vmem>>[vector<16xi32>, vector<16xi32>, vector<16xi32>], vector<16xf32>,
        %scan3A_947 = arith.constant 3 : i32
        %scan3A_948 = arith.addi %scan3A_798, %scan3A_947 : i32
        %mul3A_949 = arith.constant 1 : i32
        %mul3A_950 = arith.muli %scan3A_948, %mul3A_949 : i32
        %add3A_951 = arith.constant 0 : i32
        %add3A_952 = arith.addi %add3A_951, %mul3A_950 : i32
        %broadcast_in_dim3A_953 = vector.broadcast %add3A_952 : i32 to vector<16xi32>
        %get3A_954 = arith.constant 2 : i32
        %get3A_955 = arith.index_cast %get3A_954 : i32 to index
        %get3A_956 = arith.index_cast %add3A_952 : i32 to index
        %get3A_957 = arith.constant 0 : index
        %get3A_958 = tpu.vector_load %arg6[%get3A_955, %get3A_956, %get3A_957] {strides = array<i32>} : memref<4x128x64xf32, #tpu.memory_space<vmem>>, vector<16xf32>,
        %scatter3A_959 = arith.constant 2 : i32
        %scatter3A_960 = arith.constant 0 : i32
        %scatter3A_961 = arith.constant 0 : i32
        %scatter3A_962 = arith.constant 0 : i32
        %scatter3A_963 = tpu.memref_slice %arg7[%scatter3A_959, %scatter3A_960, %scatter3A_961, %scatter3A_962] : memref<4x8x8x129xf32, #tpu.memory_space<vmem>> -> memref<1x8x8x129xf32, #tpu.memory_space<vmem>>
        %scatter3A_964 = tpu.memref_squeeze %scatter3A_963 : memref<1x8x8x129xf32, #tpu.memory_space<vmem>> -> memref<8x8x129xf32, #tpu.memory_space<vmem>>
        tpu.vector_store_idx %scatter3A_964[%select_n3A, %select_n3A_153, %broadcast_in_dim3A_953], %get3A_958 : memref<8x8x129xf32, #tpu.memory_space<vmem>>[vector<16xi32>, vector<16xi32>, vector<16xi32>], vector<16xf32>,
        %get3A_965 = arith.constant 2 : i32
        %get3A_966 = arith.index_cast %get3A_965 : i32 to index
        %get3A_967 = arith.index_cast %add3A_952 : i32 to index
        %get3A_968 = arith.constant 16 : index
        %get3A_969 = tpu.vector_load %arg6[%get3A_966, %get3A_967, %get3A_968] {strides = array<i32>} : memref<4x128x64xf32, #tpu.memory_space<vmem>>, vector<16xf32>,
        %scatter3A_970 = arith.constant 2 : i32
        %scatter3A_971 = arith.constant 0 : i32
        %scatter3A_972 = arith.constant 0 : i32
        %scatter3A_973 = arith.constant 0 : i32
        %scatter3A_974 = tpu.memref_slice %arg7[%scatter3A_970, %scatter3A_971, %scatter3A_972, %scatter3A_973] : memref<4x8x8x129xf32, #tpu.memory_space<vmem>> -> memref<1x8x8x129xf32, #tpu.memory_space<vmem>>
        %scatter3A_975 = tpu.memref_squeeze %scatter3A_974 : memref<1x8x8x129xf32, #tpu.memory_space<vmem>> -> memref<8x8x129xf32, #tpu.memory_space<vmem>>
        tpu.vector_store_idx %scatter3A_975[%select_n3A_62, %select_n3A_178, %broadcast_in_dim3A_953], %get3A_969 : memref<8x8x129xf32, #tpu.memory_space<vmem>>[vector<16xi32>, vector<16xi32>, vector<16xi32>], vector<16xf32>,
        %get3A_976 = arith.constant 2 : i32
        %get3A_977 = arith.index_cast %get3A_976 : i32 to index
        %get3A_978 = arith.index_cast %add3A_952 : i32 to index
        %get3A_979 = arith.constant 32 : index
        %get3A_980 = tpu.vector_load %arg6[%get3A_977, %get3A_978, %get3A_979] {strides = array<i32>} : memref<4x128x64xf32, #tpu.memory_space<vmem>>, vector<16xf32>,
        %scatter3A_981 = arith.constant 2 : i32
        %scatter3A_982 = arith.constant 0 : i32
        %scatter3A_983 = arith.constant 0 : i32
        %scatter3A_984 = arith.constant 0 : i32
        %scatter3A_985 = tpu.memref_slice %arg7[%scatter3A_981, %scatter3A_982, %scatter3A_983, %scatter3A_984] : memref<4x8x8x129xf32, #tpu.memory_space<vmem>> -> memref<1x8x8x129xf32, #tpu.memory_space<vmem>>
        %scatter3A_986 = tpu.memref_squeeze %scatter3A_985 : memref<1x8x8x129xf32, #tpu.memory_space<vmem>> -> memref<8x8x129xf32, #tpu.memory_space<vmem>>
        tpu.vector_store_idx %scatter3A_986[%select_n3A_96, %select_n3A_203, %broadcast_in_dim3A_953], %get3A_980 : memref<8x8x129xf32, #tpu.memory_space<vmem>>[vector<16xi32>, vector<16xi32>, vector<16xi32>], vector<16xf32>,
        %get3A_987 = arith.constant 2 : i32
        %get3A_988 = arith.index_cast %get3A_987 : i32 to index
        %get3A_989 = arith.index_cast %add3A_952 : i32 to index
        %get3A_990 = arith.constant 48 : index
        %get3A_991 = tpu.vector_load %arg6[%get3A_988, %get3A_989, %get3A_990] {strides = array<i32>} : memref<4x128x64xf32, #tpu.memory_space<vmem>>, vector<16xf32>,
        %scatter3A_992 = arith.constant 2 : i32
        %scatter3A_993 = arith.constant 0 : i32
        %scatter3A_994 = arith.constant 0 : i32
        %scatter3A_995 = arith.constant 0 : i32
        %scatter3A_996 = tpu.memref_slice %arg7[%scatter3A_992, %scatter3A_993, %scatter3A_994, %scatter3A_995] : memref<4x8x8x129xf32, #tpu.memory_space<vmem>> -> memref<1x8x8x129xf32, #tpu.memory_space<vmem>>
        %scatter3A_997 = tpu.memref_squeeze %scatter3A_996 : memref<1x8x8x129xf32, #tpu.memory_space<vmem>> -> memref<8x8x129xf32, #tpu.memory_space<vmem>>
        tpu.vector_store_idx %scatter3A_997[%select_n3A_130, %select_n3A_228, %broadcast_in_dim3A_953], %get3A_991 : memref<8x8x129xf32, #tpu.memory_space<vmem>>[vector<16xi32>, vector<16xi32>, vector<16xi32>], vector<16xf32>,
      }
      %scan3A_612 = arith.constant 128 : i32
      %add3A_613 = arith.addi %mul3A_2, %add3A_575 : i32
      %jit3A_614 = arith.constant 128 : i32
      %div3A_615 = arith.divsi %add3A_613, %jit3A_614 : i32
      %sign3A_616 = arith.constant 0 : i32
      %sign3A_617 = arith.cmpi sgt, %add3A_613, %sign3A_616 : i32
      %sign3A_618 = arith.extui %sign3A_617 : i1 to i32
      %sign3A_619 = arith.constant 0 : i32
      %sign3A_620 = arith.cmpi slt, %add3A_613, %sign3A_619 : i32
      %sign3A_621 = arith.extui %sign3A_620 : i1 to i32
      %sign3A_622 = arith.subi %sign3A_618, %sign3A_621 : i32
      %sign3A_623 = arith.constant 0 : i32
      %sign3A_624 = arith.cmpi sgt, %jit3A_614, %sign3A_623 : i32
      %sign3A_625 = arith.extui %sign3A_624 : i1 to i32
      %sign3A_626 = arith.constant 0 : i32
      %sign3A_627 = arith.cmpi slt, %jit3A_614, %sign3A_626 : i32
      %sign3A_628 = arith.extui %sign3A_627 : i1 to i32
      %sign3A_629 = arith.subi %sign3A_625, %sign3A_628 : i32
      %ne3A_630 = arith.cmpi ne, %sign3A_622, %sign3A_629 : i32
      %rem3A_631 = arith.remsi %add3A_613, %jit3A_614 : i32
      %ne3A_632 = arith.constant 0 : i32
      %ne3A_633 = arith.cmpi ne, %rem3A_631, %ne3A_632 : i32
      %and3A_634 = arith.andi %ne3A_630, %ne3A_633 : i1
      %sub3A_635 = arith.constant 1 : i32
      %sub3A_636 = arith.subi %div3A_615, %sub3A_635 : i32
      %select_n3A_637 = arith.select %and3A_634, %sub3A_636, %div3A_615 : i32
      %jit3A_638 = arith.constant 128 : i32
      %eq3A_639 = arith.constant 0 : i32
      %eq3A_640 = arith.cmpi eq, %jit3A_638, %eq3A_639 : i32
      %jit3A_641 = arith.constant 1 : i32
      %select_n3A_642 = arith.select %eq3A_640, %jit3A_641, %jit3A_638 : i32
      %rem3A_643 = arith.remsi %add3A_613, %select_n3A_642 : i32
      %ne3A_644 = arith.constant 0 : i32
      %ne3A_645 = arith.cmpi ne, %rem3A_643, %ne3A_644 : i32
      %lt3A_646 = arith.constant 0 : i32
      %lt3A_647 = arith.cmpi slt, %rem3A_643, %lt3A_646 : i32
      %lt3A_648 = arith.constant 0 : i32
      %lt3A_649 = arith.cmpi slt, %select_n3A_642, %lt3A_648 : i32
      %ne3A_650 = arith.xori %lt3A_647, %lt3A_649 : i1
      %and3A_651 = arith.andi %ne3A_650, %ne3A_645 : i1
      %add3A_652 = arith.addi %rem3A_643, %select_n3A_642 : i32
      %select_n3A_653 = arith.select %and3A_651, %add3A_652, %rem3A_643 : i32
      %dma_start3A_654 = arith.constant 2 : i32
      %dma_start3A_655 = arith.constant 2 : i32
      %dma_start3A_656 = arith.constant 0 : i32
      %dma_start3A_657 = arith.constant 0 : i32
      %dma_start3A_658 = arith.constant 0 : i32
      %dma_start3A_659 = tpu.memref_slice %arg7[%dma_start3A_654, %dma_start3A_656, %dma_start3A_657, %dma_start3A_658] : memref<4x8x8x129xf32, #tpu.memory_space<vmem>> -> memref<1x8x8x129xf32, #tpu.memory_space<vmem>>
      %dma_start3A_660 = tpu.memref_squeeze %dma_start3A_659 : memref<1x8x8x129xf32, #tpu.memory_space<vmem>> -> memref<8x8x129xf32, #tpu.memory_space<vmem>>
      %dma_start3A_661 = arith.constant 0 : i32
      %dma_start3A_662 = arith.constant 0 : i32
      %dma_start3A_663 = arith.constant 0 : i32
      %dma_start3A_664 = tpu.memref_slice %dma_start3A_660[%dma_start3A_661, %dma_start3A_662, %dma_start3A_663] : memref<8x8x129xf32, #tpu.memory_space<vmem>> -> memref<8x8x128xf32, #tpu.memory_space<vmem>>
      %dma_start3A_665 = arith.constant 0 : i32
      %dma_start3A_666 = arith.constant 0 : i32
      %dma_start3A_667 = arith.constant 0 : i32
      %dma_start3A_668 = tpu.memref_slice %arg4[%select_n3A_637, %dma_start3A_665, %select_n3A_653, %dma_start3A_666, %dma_start3A_667] : memref<50x8x128x8x128xf32, #tpu.memory_space<hbm>> -> memref<1x8x1x8x128xf32, #tpu.memory_space<hbm>>
      %dma_start3A_669 = tpu.memref_squeeze %dma_start3A_668 : memref<1x8x1x8x128xf32, #tpu.memory_space<hbm>> -> memref<8x8x128xf32, #tpu.memory_space<hbm>>
      %dma_start3A_670 = tpu.memref_slice %arg9[%dma_start3A_655] : memref<4x!tpu.dma_semaphore, #tpu.memory_space<semaphore_mem>> -> memref<1x!tpu.dma_semaphore, #tpu.memory_space<semaphore_mem>>
      %dma_start3A_671 = tpu.memref_squeeze %dma_start3A_670 : memref<1x!tpu.dma_semaphore, #tpu.memory_space<semaphore_mem>> -> memref<!tpu.dma_semaphore, #tpu.memory_space<semaphore_mem>>
      %dma_start3A_672 = arith.constant 0 : i32
      %dma_start3A_673 = arith.constant 0 : i32
      %dma_start3A_674 = arith.constant 0 : i32
      %dma_start3A_675 = tpu.memref_slice %arg4[%select_n3A_637, %dma_start3A_672, %select_n3A_653, %dma_start3A_673, %dma_start3A_674] : memref<50x8x128x8x128xf32, #tpu.memory_space<hbm>> -> memref<1x8x1x8x128xf32, #tpu.memory_space<hbm>>
      %dma_start3A_676 = tpu.memref_squeeze %dma_start3A_675 : memref<1x8x1x8x128xf32, #tpu.memory_space<hbm>> -> memref<8x8x128xf32, #tpu.memory_space<hbm>>
      %dma_start3A_677 = arith.constant 0 : i32
      %dma_start3A_678 = arith.constant 0 : i32
      %dma_start3A_679 = arith.constant 0 : i32
      %dma_start3A_680 = tpu.memref_slice %arg7[%dma_start3A_654, %dma_start3A_677, %dma_start3A_678, %dma_start3A_679] : memref<4x8x8x129xf32, #tpu.memory_space<vmem>> -> memref<1x8x8x129xf32, #tpu.memory_space<vmem>>
      %dma_start3A_681 = tpu.memref_squeeze %dma_start3A_680 : memref<1x8x8x129xf32, #tpu.memory_space<vmem>> -> memref<8x8x129xf32, #tpu.memory_space<vmem>>
      %dma_start3A_682 = arith.constant 0 : i32
      %dma_start3A_683 = arith.constant 0 : i32
      %dma_start3A_684 = arith.constant 0 : i32
      %dma_start3A_685 = tpu.memref_slice %dma_start3A_681[%dma_start3A_682, %dma_start3A_683, %dma_start3A_684] : memref<8x8x129xf32, #tpu.memory_space<vmem>> -> memref<8x8x128xf32, #tpu.memory_space<vmem>>
      tpu.enqueue_dma source(%dma_start3A_685 : memref<8x8x128xf32, #tpu.memory_space<vmem>>) target(%dma_start3A_676 : memref<8x8x128xf32, #tpu.memory_space<hbm>>) target_semaphore(%dma_start3A_671 : memref<!tpu.dma_semaphore, #tpu.memory_space<semaphore_mem>>)
      %add3A_686 = arith.constant 3 : i32
      %add3A_687 = arith.addi %add3A_352, %add3A_686 : i32
      %add3A_688 = arith.constant 4 : i32
      %add3A_689 = arith.addi %add3A_687, %add3A_688 : i32
      %sub3A_690 = arith.constant 1 : i32
      %sub3A_691 = arith.subi %add3A_689, %sub3A_690 : i32
      %lt3A_692 = arith.constant 200 : i32
      %lt3A_693 = arith.cmpi slt, %sub3A_691, %lt3A_692 : i32
      %convert_element_type3A_694 = arith.extui %lt3A_693 : i1 to i32
      %cond3A_695 = arith.constant 0 : i32
      %cond3A_696 = arith.cmpi ne, %convert_element_type3A_694, %cond3A_695 : i32
      scf.if %cond3A_696 {
        %add3A_798 = arith.constant 4 : i32
        %add3A_799 = arith.addi %add3A_687, %add3A_798 : i32
        %sub3A_800 = arith.constant 1 : i32
        %sub3A_801 = arith.subi %add3A_799, %sub3A_800 : i32
        %dma_start3A_802 = arith.constant 2 : i32
        %dma_start3A_803 = arith.constant 2 : i32
        %dma_start3A_804 = arith.constant 0 : i32
        %dma_start3A_805 = arith.constant 0 : i32
        %dma_start3A_806 = tpu.memref_slice %arg6[%dma_start3A_802, %dma_start3A_804, %dma_start3A_805] : memref<4x128x64xf32, #tpu.memory_space<vmem>> -> memref<1x128x64xf32, #tpu.memory_space<vmem>>
        %dma_start3A_807 = tpu.memref_squeeze %dma_start3A_806 : memref<1x128x64xf32, #tpu.memory_space<vmem>> -> memref<128x64xf32, #tpu.memory_space<vmem>>
        %dma_start3A_808 = arith.constant 0 : i32
        %dma_start3A_809 = tpu.memref_slice %arg5[%sub3A_801, %dma_start3A_808] : memref<200x128xi32, #tpu.memory_space<vmem>> -> memref<1x128xi32, #tpu.memory_space<vmem>>
        %dma_start3A_810 = tpu.memref_squeeze %dma_start3A_809 : memref<1x128xi32, #tpu.memory_space<vmem>> -> memref<128xi32, #tpu.memory_space<vmem>>
        %dma_start3A_811 = arith.constant 0 : i32
        %dma_start3A_812 = arith.constant 0 : i32
        %dma_start3A_813 = tpu.memref_slice %arg3[%dma_start3A_811, %dma_start3A_812] : memref<1000000x64xf32, #tpu.memory_space<hbm>> -> memref<1000000x64xf32, #tpu.memory_space<hbm>>
        %dma_start3A_814 = tpu.memref_slice %arg8[%dma_start3A_803] : memref<4x!tpu.dma_semaphore, #tpu.memory_space<semaphore_mem>> -> memref<1x!tpu.dma_semaphore, #tpu.memory_space<semaphore_mem>>
        %dma_start3A_815 = tpu.memref_squeeze %dma_start3A_814 : memref<1x!tpu.dma_semaphore, #tpu.memory_space<semaphore_mem>> -> memref<!tpu.dma_semaphore, #tpu.memory_space<semaphore_mem>>
        tpu.enqueue_indirect_dma source(%dma_start3A_813 : memref<1000000x64xf32, #tpu.memory_space<hbm>>) target(%dma_start3A_807 : memref<128x64xf32, #tpu.memory_space<vmem>>) offsets(%dma_start3A_810 : memref<128xi32, #tpu.memory_space<vmem>>) semaphore(%dma_start3A_815 : memref<!tpu.dma_semaphore, #tpu.memory_space<semaphore_mem>>)
      } else {
      }
      %dma_wait3A_697 = arith.constant 3 : i32
      %dma_wait3A_698 = arith.constant 3 : i32
      %dma_wait3A_699 = arith.constant 0 : i32
      %dma_wait3A_700 = arith.constant 0 : i32
      %dma_wait3A_701 = tpu.memref_slice %arg6[%dma_wait3A_697, %dma_wait3A_699, %dma_wait3A_700] : memref<4x128x64xf32, #tpu.memory_space<vmem>> -> memref<1x128x64xf32, #tpu.memory_space<vmem>>
      %dma_wait3A_702 = tpu.memref_squeeze %dma_wait3A_701 : memref<1x128x64xf32, #tpu.memory_space<vmem>> -> memref<128x64xf32, #tpu.memory_space<vmem>>
      %dma_wait3A_703 = arith.constant 0 : i32
      %dma_wait3A_704 = arith.constant 0 : i32
      %dma_wait3A_705 = tpu.memref_slice %arg3[%dma_wait3A_703, %dma_wait3A_704] : memref<1000000x64xf32, #tpu.memory_space<hbm>> -> memref<128x64xf32, #tpu.memory_space<hbm>>
      %dma_wait3A_706 = tpu.memref_slice %arg8[%dma_wait3A_698] : memref<4x!tpu.dma_semaphore, #tpu.memory_space<semaphore_mem>> -> memref<1x!tpu.dma_semaphore, #tpu.memory_space<semaphore_mem>>
      %dma_wait3A_707 = tpu.memref_squeeze %dma_wait3A_706 : memref<1x!tpu.dma_semaphore, #tpu.memory_space<semaphore_mem>> -> memref<!tpu.dma_semaphore, #tpu.memory_space<semaphore_mem>>
      %dma_wait3A_708 = arith.constant 0 : i32
      %dma_wait3A_709 = arith.constant 0 : i32
      %dma_wait3A_710 = tpu.memref_slice %arg6[%dma_wait3A_697, %dma_wait3A_708, %dma_wait3A_709] : memref<4x128x64xf32, #tpu.memory_space<vmem>> -> memref<1x128x64xf32, #tpu.memory_space<vmem>>
      %dma_wait3A_711 = tpu.memref_squeeze %dma_wait3A_710 : memref<1x128x64xf32, #tpu.memory_space<vmem>> -> memref<128x64xf32, #tpu.memory_space<vmem>>
      %dma_wait3A_712 = arith.constant 0 : i32
      %dma_wait3A_713 = arith.constant 0 : i32
      %dma_wait3A_714 = tpu.memref_slice %arg3[%dma_wait3A_712, %dma_wait3A_713] : memref<1000000x64xf32, #tpu.memory_space<hbm>> -> memref<128x64xf32, #tpu.memory_space<hbm>>
      tpu.wait_dma2 semaphore(%dma_wait3A_707 : memref<!tpu.dma_semaphore, #tpu.memory_space<semaphore_mem>>) src(%dma_wait3A_714 : memref<128x64xf32, #tpu.memory_space<hbm>>) dst(%dma_wait3A_711 : memref<128x64xf32, #tpu.memory_space<vmem>>)
      %ge3A_715 = arith.constant 4 : i32
      %ge3A_716 = arith.cmpi sge, %add3A_687, %ge3A_715 : i32
      %convert_element_type3A_717 = arith.extui %ge3A_716 : i1 to i32
      %cond3A_718 = arith.constant 0 : i32
      %cond3A_719 = arith.cmpi ne, %convert_element_type3A_717, %cond3A_718 : i32
      scf.if %cond3A_719 {
        %dma_wait3A_798 = arith.constant 3 : i32
        %dma_wait3A_799 = arith.constant 3 : i32
        %dma_wait3A_800 = arith.constant 0 : i32
        %dma_wait3A_801 = arith.constant 0 : i32
        %dma_wait3A_802 = tpu.memref_slice %arg6[%dma_wait3A_798, %dma_wait3A_800, %dma_wait3A_801] : memref<4x128x64xf32, #tpu.memory_space<vmem>> -> memref<1x128x64xf32, #tpu.memory_space<vmem>>
        %dma_wait3A_803 = tpu.memref_squeeze %dma_wait3A_802 : memref<1x128x64xf32, #tpu.memory_space<vmem>> -> memref<128x64xf32, #tpu.memory_space<vmem>>
        %dma_wait3A_804 = arith.constant 0 : i32
        %dma_wait3A_805 = arith.constant 0 : i32
        %dma_wait3A_806 = tpu.memref_slice %arg3[%dma_wait3A_804, %dma_wait3A_805] : memref<1000000x64xf32, #tpu.memory_space<hbm>> -> memref<128x64xf32, #tpu.memory_space<hbm>>
        %dma_wait3A_807 = tpu.memref_slice %arg9[%dma_wait3A_799] : memref<4x!tpu.dma_semaphore, #tpu.memory_space<semaphore_mem>> -> memref<1x!tpu.dma_semaphore, #tpu.memory_space<semaphore_mem>>
        %dma_wait3A_808 = tpu.memref_squeeze %dma_wait3A_807 : memref<1x!tpu.dma_semaphore, #tpu.memory_space<semaphore_mem>> -> memref<!tpu.dma_semaphore, #tpu.memory_space<semaphore_mem>>
        %dma_wait3A_809 = arith.constant 0 : i32
        %dma_wait3A_810 = arith.constant 0 : i32
        %dma_wait3A_811 = tpu.memref_slice %arg6[%dma_wait3A_798, %dma_wait3A_809, %dma_wait3A_810] : memref<4x128x64xf32, #tpu.memory_space<vmem>> -> memref<1x128x64xf32, #tpu.memory_space<vmem>>
        %dma_wait3A_812 = tpu.memref_squeeze %dma_wait3A_811 : memref<1x128x64xf32, #tpu.memory_space<vmem>> -> memref<128x64xf32, #tpu.memory_space<vmem>>
        %dma_wait3A_813 = arith.constant 0 : i32
        %dma_wait3A_814 = arith.constant 0 : i32
        %dma_wait3A_815 = tpu.memref_slice %arg3[%dma_wait3A_813, %dma_wait3A_814] : memref<1000000x64xf32, #tpu.memory_space<hbm>> -> memref<128x64xf32, #tpu.memory_space<hbm>>
        tpu.wait_dma2 semaphore(%dma_wait3A_808 : memref<!tpu.dma_semaphore, #tpu.memory_space<semaphore_mem>>) src(%dma_wait3A_815 : memref<128x64xf32, #tpu.memory_space<hbm>>) dst(%dma_wait3A_812 : memref<128x64xf32, #tpu.memory_space<vmem>>)
      } else {
      }
      %scan3A_720 = arith.constant 0 : i32
      %scan3A_721 = arith.constant 128 : i32
      %scan3A_722 = arith.addi %scan3A_720, %scan3A_721 : i32
      %scan3A_723 = arith.constant 4 : i32
      scf.for %scan3A_798 = %scan3A_720 to %scan3A_722 step %scan3A_723  : i32 {
        %mul3A_799 = arith.constant 1 : i32
        %mul3A_800 = arith.muli %scan3A_798, %mul3A_799 : i32
        %add3A_801 = arith.constant 0 : i32
        %add3A_802 = arith.addi %add3A_801, %mul3A_800 : i32
        %broadcast_in_dim3A = vector.broadcast %add3A_802 : i32 to vector<16xi32>
        %get3A = arith.constant 3 : i32
        %get3A_803 = arith.index_cast %get3A : i32 to index
        %get3A_804 = arith.index_cast %add3A_802 : i32 to index
        %get3A_805 = arith.constant 0 : index
        %get3A_806 = tpu.vector_load %arg6[%get3A_803, %get3A_804, %get3A_805] {strides = array<i32>} : memref<4x128x64xf32, #tpu.memory_space<vmem>>, vector<16xf32>,
        %scatter3A = arith.constant 3 : i32
        %scatter3A_807 = arith.constant 0 : i32
        %scatter3A_808 = arith.constant 0 : i32
        %scatter3A_809 = arith.constant 0 : i32
        %scatter3A_810 = tpu.memref_slice %arg7[%scatter3A, %scatter3A_807, %scatter3A_808, %scatter3A_809] : memref<4x8x8x129xf32, #tpu.memory_space<vmem>> -> memref<1x8x8x129xf32, #tpu.memory_space<vmem>>
        %scatter3A_811 = tpu.memref_squeeze %scatter3A_810 : memref<1x8x8x129xf32, #tpu.memory_space<vmem>> -> memref<8x8x129xf32, #tpu.memory_space<vmem>>
        tpu.vector_store_idx %scatter3A_811[%select_n3A, %select_n3A_153, %broadcast_in_dim3A], %get3A_806 : memref<8x8x129xf32, #tpu.memory_space<vmem>>[vector<16xi32>, vector<16xi32>, vector<16xi32>], vector<16xf32>,
        %get3A_812 = arith.constant 3 : i32
        %get3A_813 = arith.index_cast %get3A_812 : i32 to index
        %get3A_814 = arith.index_cast %add3A_802 : i32 to index
        %get3A_815 = arith.constant 16 : index
        %get3A_816 = tpu.vector_load %arg6[%get3A_813, %get3A_814, %get3A_815] {strides = array<i32>} : memref<4x128x64xf32, #tpu.memory_space<vmem>>, vector<16xf32>,
        %scatter3A_817 = arith.constant 3 : i32
        %scatter3A_818 = arith.constant 0 : i32
        %scatter3A_819 = arith.constant 0 : i32
        %scatter3A_820 = arith.constant 0 : i32
        %scatter3A_821 = tpu.memref_slice %arg7[%scatter3A_817, %scatter3A_818, %scatter3A_819, %scatter3A_820] : memref<4x8x8x129xf32, #tpu.memory_space<vmem>> -> memref<1x8x8x129xf32, #tpu.memory_space<vmem>>
        %scatter3A_822 = tpu.memref_squeeze %scatter3A_821 : memref<1x8x8x129xf32, #tpu.memory_space<vmem>> -> memref<8x8x129xf32, #tpu.memory_space<vmem>>
        tpu.vector_store_idx %scatter3A_822[%select_n3A_62, %select_n3A_178, %broadcast_in_dim3A], %get3A_816 : memref<8x8x129xf32, #tpu.memory_space<vmem>>[vector<16xi32>, vector<16xi32>, vector<16xi32>], vector<16xf32>,
        %get3A_823 = arith.constant 3 : i32
        %get3A_824 = arith.index_cast %get3A_823 : i32 to index
        %get3A_825 = arith.index_cast %add3A_802 : i32 to index
        %get3A_826 = arith.constant 32 : index
        %get3A_827 = tpu.vector_load %arg6[%get3A_824, %get3A_825, %get3A_826] {strides = array<i32>} : memref<4x128x64xf32, #tpu.memory_space<vmem>>, vector<16xf32>,
        %scatter3A_828 = arith.constant 3 : i32
        %scatter3A_829 = arith.constant 0 : i32
        %scatter3A_830 = arith.constant 0 : i32
        %scatter3A_831 = arith.constant 0 : i32
        %scatter3A_832 = tpu.memref_slice %arg7[%scatter3A_828, %scatter3A_829, %scatter3A_830, %scatter3A_831] : memref<4x8x8x129xf32, #tpu.memory_space<vmem>> -> memref<1x8x8x129xf32, #tpu.memory_space<vmem>>
        %scatter3A_833 = tpu.memref_squeeze %scatter3A_832 : memref<1x8x8x129xf32, #tpu.memory_space<vmem>> -> memref<8x8x129xf32, #tpu.memory_space<vmem>>
        tpu.vector_store_idx %scatter3A_833[%select_n3A_96, %select_n3A_203, %broadcast_in_dim3A], %get3A_827 : memref<8x8x129xf32, #tpu.memory_space<vmem>>[vector<16xi32>, vector<16xi32>, vector<16xi32>], vector<16xf32>,
        %get3A_834 = arith.constant 3 : i32
        %get3A_835 = arith.index_cast %get3A_834 : i32 to index
        %get3A_836 = arith.index_cast %add3A_802 : i32 to index
        %get3A_837 = arith.constant 48 : index
        %get3A_838 = tpu.vector_load %arg6[%get3A_835, %get3A_836, %get3A_837] {strides = array<i32>} : memref<4x128x64xf32, #tpu.memory_space<vmem>>, vector<16xf32>,
        %scatter3A_839 = arith.constant 3 : i32
        %scatter3A_840 = arith.constant 0 : i32
        %scatter3A_841 = arith.constant 0 : i32
        %scatter3A_842 = arith.constant 0 : i32
        %scatter3A_843 = tpu.memref_slice %arg7[%scatter3A_839, %scatter3A_840, %scatter3A_841, %scatter3A_842] : memref<4x8x8x129xf32, #tpu.memory_space<vmem>> -> memref<1x8x8x129xf32, #tpu.memory_space<vmem>>
        %scatter3A_844 = tpu.memref_squeeze %scatter3A_843 : memref<1x8x8x129xf32, #tpu.memory_space<vmem>> -> memref<8x8x129xf32, #tpu.memory_space<vmem>>
        tpu.vector_store_idx %scatter3A_844[%select_n3A_130, %select_n3A_228, %broadcast_in_dim3A], %get3A_838 : memref<8x8x129xf32, #tpu.memory_space<vmem>>[vector<16xi32>, vector<16xi32>, vector<16xi32>], vector<16xf32>,
        %scan3A_845 = arith.constant 1 : i32
        %scan3A_846 = arith.addi %scan3A_798, %scan3A_845 : i32
        %mul3A_847 = arith.constant 1 : i32
        %mul3A_848 = arith.muli %scan3A_846, %mul3A_847 : i32
        %add3A_849 = arith.constant 0 : i32
        %add3A_850 = arith.addi %add3A_849, %mul3A_848 : i32
        %broadcast_in_dim3A_851 = vector.broadcast %add3A_850 : i32 to vector<16xi32>
        %get3A_852 = arith.constant 3 : i32
        %get3A_853 = arith.index_cast %get3A_852 : i32 to index
        %get3A_854 = arith.index_cast %add3A_850 : i32 to index
        %get3A_855 = arith.constant 0 : index
        %get3A_856 = tpu.vector_load %arg6[%get3A_853, %get3A_854, %get3A_855] {strides = array<i32>} : memref<4x128x64xf32, #tpu.memory_space<vmem>>, vector<16xf32>,
        %scatter3A_857 = arith.constant 3 : i32
        %scatter3A_858 = arith.constant 0 : i32
        %scatter3A_859 = arith.constant 0 : i32
        %scatter3A_860 = arith.constant 0 : i32
        %scatter3A_861 = tpu.memref_slice %arg7[%scatter3A_857, %scatter3A_858, %scatter3A_859, %scatter3A_860] : memref<4x8x8x129xf32, #tpu.memory_space<vmem>> -> memref<1x8x8x129xf32, #tpu.memory_space<vmem>>
        %scatter3A_862 = tpu.memref_squeeze %scatter3A_861 : memref<1x8x8x129xf32, #tpu.memory_space<vmem>> -> memref<8x8x129xf32, #tpu.memory_space<vmem>>
        tpu.vector_store_idx %scatter3A_862[%select_n3A, %select_n3A_153, %broadcast_in_dim3A_851], %get3A_856 : memref<8x8x129xf32, #tpu.memory_space<vmem>>[vector<16xi32>, vector<16xi32>, vector<16xi32>], vector<16xf32>,
        %get3A_863 = arith.constant 3 : i32
        %get3A_864 = arith.index_cast %get3A_863 : i32 to index
        %get3A_865 = arith.index_cast %add3A_850 : i32 to index
        %get3A_866 = arith.constant 16 : index
        %get3A_867 = tpu.vector_load %arg6[%get3A_864, %get3A_865, %get3A_866] {strides = array<i32>} : memref<4x128x64xf32, #tpu.memory_space<vmem>>, vector<16xf32>,
        %scatter3A_868 = arith.constant 3 : i32
        %scatter3A_869 = arith.constant 0 : i32
        %scatter3A_870 = arith.constant 0 : i32
        %scatter3A_871 = arith.constant 0 : i32
        %scatter3A_872 = tpu.memref_slice %arg7[%scatter3A_868, %scatter3A_869, %scatter3A_870, %scatter3A_871] : memref<4x8x8x129xf32, #tpu.memory_space<vmem>> -> memref<1x8x8x129xf32, #tpu.memory_space<vmem>>
        %scatter3A_873 = tpu.memref_squeeze %scatter3A_872 : memref<1x8x8x129xf32, #tpu.memory_space<vmem>> -> memref<8x8x129xf32, #tpu.memory_space<vmem>>
        tpu.vector_store_idx %scatter3A_873[%select_n3A_62, %select_n3A_178, %broadcast_in_dim3A_851], %get3A_867 : memref<8x8x129xf32, #tpu.memory_space<vmem>>[vector<16xi32>, vector<16xi32>, vector<16xi32>], vector<16xf32>,
        %get3A_874 = arith.constant 3 : i32
        %get3A_875 = arith.index_cast %get3A_874 : i32 to index
        %get3A_876 = arith.index_cast %add3A_850 : i32 to index
        %get3A_877 = arith.constant 32 : index
        %get3A_878 = tpu.vector_load %arg6[%get3A_875, %get3A_876, %get3A_877] {strides = array<i32>} : memref<4x128x64xf32, #tpu.memory_space<vmem>>, vector<16xf32>,
        %scatter3A_879 = arith.constant 3 : i32
        %scatter3A_880 = arith.constant 0 : i32
        %scatter3A_881 = arith.constant 0 : i32
        %scatter3A_882 = arith.constant 0 : i32
        %scatter3A_883 = tpu.memref_slice %arg7[%scatter3A_879, %scatter3A_880, %scatter3A_881, %scatter3A_882] : memref<4x8x8x129xf32, #tpu.memory_space<vmem>> -> memref<1x8x8x129xf32, #tpu.memory_space<vmem>>
        %scatter3A_884 = tpu.memref_squeeze %scatter3A_883 : memref<1x8x8x129xf32, #tpu.memory_space<vmem>> -> memref<8x8x129xf32, #tpu.memory_space<vmem>>
        tpu.vector_store_idx %scatter3A_884[%select_n3A_96, %select_n3A_203, %broadcast_in_dim3A_851], %get3A_878 : memref<8x8x129xf32, #tpu.memory_space<vmem>>[vector<16xi32>, vector<16xi32>, vector<16xi32>], vector<16xf32>,
        %get3A_885 = arith.constant 3 : i32
        %get3A_886 = arith.index_cast %get3A_885 : i32 to index
        %get3A_887 = arith.index_cast %add3A_850 : i32 to index
        %get3A_888 = arith.constant 48 : index
        %get3A_889 = tpu.vector_load %arg6[%get3A_886, %get3A_887, %get3A_888] {strides = array<i32>} : memref<4x128x64xf32, #tpu.memory_space<vmem>>, vector<16xf32>,
        %scatter3A_890 = arith.constant 3 : i32
        %scatter3A_891 = arith.constant 0 : i32
        %scatter3A_892 = arith.constant 0 : i32
        %scatter3A_893 = arith.constant 0 : i32
        %scatter3A_894 = tpu.memref_slice %arg7[%scatter3A_890, %scatter3A_891, %scatter3A_892, %scatter3A_893] : memref<4x8x8x129xf32, #tpu.memory_space<vmem>> -> memref<1x8x8x129xf32, #tpu.memory_space<vmem>>
        %scatter3A_895 = tpu.memref_squeeze %scatter3A_894 : memref<1x8x8x129xf32, #tpu.memory_space<vmem>> -> memref<8x8x129xf32, #tpu.memory_space<vmem>>
        tpu.vector_store_idx %scatter3A_895[%select_n3A_130, %select_n3A_228, %broadcast_in_dim3A_851], %get3A_889 : memref<8x8x129xf32, #tpu.memory_space<vmem>>[vector<16xi32>, vector<16xi32>, vector<16xi32>], vector<16xf32>,
        %scan3A_896 = arith.constant 2 : i32
        %scan3A_897 = arith.addi %scan3A_798, %scan3A_896 : i32
        %mul3A_898 = arith.constant 1 : i32
        %mul3A_899 = arith.muli %scan3A_897, %mul3A_898 : i32
        %add3A_900 = arith.constant 0 : i32
        %add3A_901 = arith.addi %add3A_900, %mul3A_899 : i32
        %broadcast_in_dim3A_902 = vector.broadcast %add3A_901 : i32 to vector<16xi32>
        %get3A_903 = arith.constant 3 : i32
        %get3A_904 = arith.index_cast %get3A_903 : i32 to index
        %get3A_905 = arith.index_cast %add3A_901 : i32 to index
        %get3A_906 = arith.constant 0 : index
        %get3A_907 = tpu.vector_load %arg6[%get3A_904, %get3A_905, %get3A_906] {strides = array<i32>} : memref<4x128x64xf32, #tpu.memory_space<vmem>>, vector<16xf32>,
        %scatter3A_908 = arith.constant 3 : i32
        %scatter3A_909 = arith.constant 0 : i32
        %scatter3A_910 = arith.constant 0 : i32
        %scatter3A_911 = arith.constant 0 : i32
        %scatter3A_912 = tpu.memref_slice %arg7[%scatter3A_908, %scatter3A_909, %scatter3A_910, %scatter3A_911] : memref<4x8x8x129xf32, #tpu.memory_space<vmem>> -> memref<1x8x8x129xf32, #tpu.memory_space<vmem>>
        %scatter3A_913 = tpu.memref_squeeze %scatter3A_912 : memref<1x8x8x129xf32, #tpu.memory_space<vmem>> -> memref<8x8x129xf32, #tpu.memory_space<vmem>>
        tpu.vector_store_idx %scatter3A_913[%select_n3A, %select_n3A_153, %broadcast_in_dim3A_902], %get3A_907 : memref<8x8x129xf32, #tpu.memory_space<vmem>>[vector<16xi32>, vector<16xi32>, vector<16xi32>], vector<16xf32>,
        %get3A_914 = arith.constant 3 : i32
        %get3A_915 = arith.index_cast %get3A_914 : i32 to index
        %get3A_916 = arith.index_cast %add3A_901 : i32 to index
        %get3A_917 = arith.constant 16 : index
        %get3A_918 = tpu.vector_load %arg6[%get3A_915, %get3A_916, %get3A_917] {strides = array<i32>} : memref<4x128x64xf32, #tpu.memory_space<vmem>>, vector<16xf32>,
        %scatter3A_919 = arith.constant 3 : i32
        %scatter3A_920 = arith.constant 0 : i32
        %scatter3A_921 = arith.constant 0 : i32
        %scatter3A_922 = arith.constant 0 : i32
        %scatter3A_923 = tpu.memref_slice %arg7[%scatter3A_919, %scatter3A_920, %scatter3A_921, %scatter3A_922] : memref<4x8x8x129xf32, #tpu.memory_space<vmem>> -> memref<1x8x8x129xf32, #tpu.memory_space<vmem>>
        %scatter3A_924 = tpu.memref_squeeze %scatter3A_923 : memref<1x8x8x129xf32, #tpu.memory_space<vmem>> -> memref<8x8x129xf32, #tpu.memory_space<vmem>>
        tpu.vector_store_idx %scatter3A_924[%select_n3A_62, %select_n3A_178, %broadcast_in_dim3A_902], %get3A_918 : memref<8x8x129xf32, #tpu.memory_space<vmem>>[vector<16xi32>, vector<16xi32>, vector<16xi32>], vector<16xf32>,
        %get3A_925 = arith.constant 3 : i32
        %get3A_926 = arith.index_cast %get3A_925 : i32 to index
        %get3A_927 = arith.index_cast %add3A_901 : i32 to index
        %get3A_928 = arith.constant 32 : index
        %get3A_929 = tpu.vector_load %arg6[%get3A_926, %get3A_927, %get3A_928] {strides = array<i32>} : memref<4x128x64xf32, #tpu.memory_space<vmem>>, vector<16xf32>,
        %scatter3A_930 = arith.constant 3 : i32
        %scatter3A_931 = arith.constant 0 : i32
        %scatter3A_932 = arith.constant 0 : i32
        %scatter3A_933 = arith.constant 0 : i32
        %scatter3A_934 = tpu.memref_slice %arg7[%scatter3A_930, %scatter3A_931, %scatter3A_932, %scatter3A_933] : memref<4x8x8x129xf32, #tpu.memory_space<vmem>> -> memref<1x8x8x129xf32, #tpu.memory_space<vmem>>
        %scatter3A_935 = tpu.memref_squeeze %scatter3A_934 : memref<1x8x8x129xf32, #tpu.memory_space<vmem>> -> memref<8x8x129xf32, #tpu.memory_space<vmem>>
        tpu.vector_store_idx %scatter3A_935[%select_n3A_96, %select_n3A_203, %broadcast_in_dim3A_902], %get3A_929 : memref<8x8x129xf32, #tpu.memory_space<vmem>>[vector<16xi32>, vector<16xi32>, vector<16xi32>], vector<16xf32>,
        %get3A_936 = arith.constant 3 : i32
        %get3A_937 = arith.index_cast %get3A_936 : i32 to index
        %get3A_938 = arith.index_cast %add3A_901 : i32 to index
        %get3A_939 = arith.constant 48 : index
        %get3A_940 = tpu.vector_load %arg6[%get3A_937, %get3A_938, %get3A_939] {strides = array<i32>} : memref<4x128x64xf32, #tpu.memory_space<vmem>>, vector<16xf32>,
        %scatter3A_941 = arith.constant 3 : i32
        %scatter3A_942 = arith.constant 0 : i32
        %scatter3A_943 = arith.constant 0 : i32
        %scatter3A_944 = arith.constant 0 : i32
        %scatter3A_945 = tpu.memref_slice %arg7[%scatter3A_941, %scatter3A_942, %scatter3A_943, %scatter3A_944] : memref<4x8x8x129xf32, #tpu.memory_space<vmem>> -> memref<1x8x8x129xf32, #tpu.memory_space<vmem>>
        %scatter3A_946 = tpu.memref_squeeze %scatter3A_945 : memref<1x8x8x129xf32, #tpu.memory_space<vmem>> -> memref<8x8x129xf32, #tpu.memory_space<vmem>>
        tpu.vector_store_idx %scatter3A_946[%select_n3A_130, %select_n3A_228, %broadcast_in_dim3A_902], %get3A_940 : memref<8x8x129xf32, #tpu.memory_space<vmem>>[vector<16xi32>, vector<16xi32>, vector<16xi32>], vector<16xf32>,
        %scan3A_947 = arith.constant 3 : i32
        %scan3A_948 = arith.addi %scan3A_798, %scan3A_947 : i32
        %mul3A_949 = arith.constant 1 : i32
        %mul3A_950 = arith.muli %scan3A_948, %mul3A_949 : i32
        %add3A_951 = arith.constant 0 : i32
        %add3A_952 = arith.addi %add3A_951, %mul3A_950 : i32
        %broadcast_in_dim3A_953 = vector.broadcast %add3A_952 : i32 to vector<16xi32>
        %get3A_954 = arith.constant 3 : i32
        %get3A_955 = arith.index_cast %get3A_954 : i32 to index
        %get3A_956 = arith.index_cast %add3A_952 : i32 to index
        %get3A_957 = arith.constant 0 : index
        %get3A_958 = tpu.vector_load %arg6[%get3A_955, %get3A_956, %get3A_957] {strides = array<i32>} : memref<4x128x64xf32, #tpu.memory_space<vmem>>, vector<16xf32>,
        %scatter3A_959 = arith.constant 3 : i32
        %scatter3A_960 = arith.constant 0 : i32
        %scatter3A_961 = arith.constant 0 : i32
        %scatter3A_962 = arith.constant 0 : i32
        %scatter3A_963 = tpu.memref_slice %arg7[%scatter3A_959, %scatter3A_960, %scatter3A_961, %scatter3A_962] : memref<4x8x8x129xf32, #tpu.memory_space<vmem>> -> memref<1x8x8x129xf32, #tpu.memory_space<vmem>>
        %scatter3A_964 = tpu.memref_squeeze %scatter3A_963 : memref<1x8x8x129xf32, #tpu.memory_space<vmem>> -> memref<8x8x129xf32, #tpu.memory_space<vmem>>
        tpu.vector_store_idx %scatter3A_964[%select_n3A, %select_n3A_153, %broadcast_in_dim3A_953], %get3A_958 : memref<8x8x129xf32, #tpu.memory_space<vmem>>[vector<16xi32>, vector<16xi32>, vector<16xi32>], vector<16xf32>,
        %get3A_965 = arith.constant 3 : i32
        %get3A_966 = arith.index_cast %get3A_965 : i32 to index
        %get3A_967 = arith.index_cast %add3A_952 : i32 to index
        %get3A_968 = arith.constant 16 : index
        %get3A_969 = tpu.vector_load %arg6[%get3A_966, %get3A_967, %get3A_968] {strides = array<i32>} : memref<4x128x64xf32, #tpu.memory_space<vmem>>, vector<16xf32>,
        %scatter3A_970 = arith.constant 3 : i32
        %scatter3A_971 = arith.constant 0 : i32
        %scatter3A_972 = arith.constant 0 : i32
        %scatter3A_973 = arith.constant 0 : i32
        %scatter3A_974 = tpu.memref_slice %arg7[%scatter3A_970, %scatter3A_971, %scatter3A_972, %scatter3A_973] : memref<4x8x8x129xf32, #tpu.memory_space<vmem>> -> memref<1x8x8x129xf32, #tpu.memory_space<vmem>>
        %scatter3A_975 = tpu.memref_squeeze %scatter3A_974 : memref<1x8x8x129xf32, #tpu.memory_space<vmem>> -> memref<8x8x129xf32, #tpu.memory_space<vmem>>
        tpu.vector_store_idx %scatter3A_975[%select_n3A_62, %select_n3A_178, %broadcast_in_dim3A_953], %get3A_969 : memref<8x8x129xf32, #tpu.memory_space<vmem>>[vector<16xi32>, vector<16xi32>, vector<16xi32>], vector<16xf32>,
        %get3A_976 = arith.constant 3 : i32
        %get3A_977 = arith.index_cast %get3A_976 : i32 to index
        %get3A_978 = arith.index_cast %add3A_952 : i32 to index
        %get3A_979 = arith.constant 32 : index
        %get3A_980 = tpu.vector_load %arg6[%get3A_977, %get3A_978, %get3A_979] {strides = array<i32>} : memref<4x128x64xf32, #tpu.memory_space<vmem>>, vector<16xf32>,
        %scatter3A_981 = arith.constant 3 : i32
        %scatter3A_982 = arith.constant 0 : i32
        %scatter3A_983 = arith.constant 0 : i32
        %scatter3A_984 = arith.constant 0 : i32
        %scatter3A_985 = tpu.memref_slice %arg7[%scatter3A_981, %scatter3A_982, %scatter3A_983, %scatter3A_984] : memref<4x8x8x129xf32, #tpu.memory_space<vmem>> -> memref<1x8x8x129xf32, #tpu.memory_space<vmem>>
        %scatter3A_986 = tpu.memref_squeeze %scatter3A_985 : memref<1x8x8x129xf32, #tpu.memory_space<vmem>> -> memref<8x8x129xf32, #tpu.memory_space<vmem>>
        tpu.vector_store_idx %scatter3A_986[%select_n3A_96, %select_n3A_203, %broadcast_in_dim3A_953], %get3A_980 : memref<8x8x129xf32, #tpu.memory_space<vmem>>[vector<16xi32>, vector<16xi32>, vector<16xi32>], vector<16xf32>,
        %get3A_987 = arith.constant 3 : i32
        %get3A_988 = arith.index_cast %get3A_987 : i32 to index
        %get3A_989 = arith.index_cast %add3A_952 : i32 to index
        %get3A_990 = arith.constant 48 : index
        %get3A_991 = tpu.vector_load %arg6[%get3A_988, %get3A_989, %get3A_990] {strides = array<i32>} : memref<4x128x64xf32, #tpu.memory_space<vmem>>, vector<16xf32>,
        %scatter3A_992 = arith.constant 3 : i32
        %scatter3A_993 = arith.constant 0 : i32
        %scatter3A_994 = arith.constant 0 : i32
        %scatter3A_995 = arith.constant 0 : i32
        %scatter3A_996 = tpu.memref_slice %arg7[%scatter3A_992, %scatter3A_993, %scatter3A_994, %scatter3A_995] : memref<4x8x8x129xf32, #tpu.memory_space<vmem>> -> memref<1x8x8x129xf32, #tpu.memory_space<vmem>>
        %scatter3A_997 = tpu.memref_squeeze %scatter3A_996 : memref<1x8x8x129xf32, #tpu.memory_space<vmem>> -> memref<8x8x129xf32, #tpu.memory_space<vmem>>
        tpu.vector_store_idx %scatter3A_997[%select_n3A_130, %select_n3A_228, %broadcast_in_dim3A_953], %get3A_991 : memref<8x8x129xf32, #tpu.memory_space<vmem>>[vector<16xi32>, vector<16xi32>, vector<16xi32>], vector<16xf32>,
      }
      %scan3A_724 = arith.constant 128 : i32
      %add3A_725 = arith.addi %mul3A_2, %add3A_687 : i32
      %jit3A_726 = arith.constant 128 : i32
      %div3A_727 = arith.divsi %add3A_725, %jit3A_726 : i32
      %sign3A_728 = arith.constant 0 : i32
      %sign3A_729 = arith.cmpi sgt, %add3A_725, %sign3A_728 : i32
      %sign3A_730 = arith.extui %sign3A_729 : i1 to i32
      %sign3A_731 = arith.constant 0 : i32
      %sign3A_732 = arith.cmpi slt, %add3A_725, %sign3A_731 : i32
      %sign3A_733 = arith.extui %sign3A_732 : i1 to i32
      %sign3A_734 = arith.subi %sign3A_730, %sign3A_733 : i32
      %sign3A_735 = arith.constant 0 : i32
      %sign3A_736 = arith.cmpi sgt, %jit3A_726, %sign3A_735 : i32
      %sign3A_737 = arith.extui %sign3A_736 : i1 to i32
      %sign3A_738 = arith.constant 0 : i32
      %sign3A_739 = arith.cmpi slt, %jit3A_726, %sign3A_738 : i32
      %sign3A_740 = arith.extui %sign3A_739 : i1 to i32
      %sign3A_741 = arith.subi %sign3A_737, %sign3A_740 : i32
      %ne3A_742 = arith.cmpi ne, %sign3A_734, %sign3A_741 : i32
      %rem3A_743 = arith.remsi %add3A_725, %jit3A_726 : i32
      %ne3A_744 = arith.constant 0 : i32
      %ne3A_745 = arith.cmpi ne, %rem3A_743, %ne3A_744 : i32
      %and3A_746 = arith.andi %ne3A_742, %ne3A_745 : i1
      %sub3A_747 = arith.constant 1 : i32
      %sub3A_748 = arith.subi %div3A_727, %sub3A_747 : i32
      %select_n3A_749 = arith.select %and3A_746, %sub3A_748, %div3A_727 : i32
      %jit3A_750 = arith.constant 128 : i32
      %eq3A_751 = arith.constant 0 : i32
      %eq3A_752 = arith.cmpi eq, %jit3A_750, %eq3A_751 : i32
      %jit3A_753 = arith.constant 1 : i32
      %select_n3A_754 = arith.select %eq3A_752, %jit3A_753, %jit3A_750 : i32
      %rem3A_755 = arith.remsi %add3A_725, %select_n3A_754 : i32
      %ne3A_756 = arith.constant 0 : i32
      %ne3A_757 = arith.cmpi ne, %rem3A_755, %ne3A_756 : i32
      %lt3A_758 = arith.constant 0 : i32
      %lt3A_759 = arith.cmpi slt, %rem3A_755, %lt3A_758 : i32
      %lt3A_760 = arith.constant 0 : i32
      %lt3A_761 = arith.cmpi slt, %select_n3A_754, %lt3A_760 : i32
      %ne3A_762 = arith.xori %lt3A_759, %lt3A_761 : i1
      %and3A_763 = arith.andi %ne3A_762, %ne3A_757 : i1
      %add3A_764 = arith.addi %rem3A_755, %select_n3A_754 : i32
      %select_n3A_765 = arith.select %and3A_763, %add3A_764, %rem3A_755 : i32
      %dma_start3A_766 = arith.constant 3 : i32
      %dma_start3A_767 = arith.constant 3 : i32
      %dma_start3A_768 = arith.constant 0 : i32
      %dma_start3A_769 = arith.constant 0 : i32
      %dma_start3A_770 = arith.constant 0 : i32
      %dma_start3A_771 = tpu.memref_slice %arg7[%dma_start3A_766, %dma_start3A_768, %dma_start3A_769, %dma_start3A_770] : memref<4x8x8x129xf32, #tpu.memory_space<vmem>> -> memref<1x8x8x129xf32, #tpu.memory_space<vmem>>
      %dma_start3A_772 = tpu.memref_squeeze %dma_start3A_771 : memref<1x8x8x129xf32, #tpu.memory_space<vmem>> -> memref<8x8x129xf32, #tpu.memory_space<vmem>>
      %dma_start3A_773 = arith.constant 0 : i32
      %dma_start3A_774 = arith.constant 0 : i32
      %dma_start3A_775 = arith.constant 0 : i32
      %dma_start3A_776 = tpu.memref_slice %dma_start3A_772[%dma_start3A_773, %dma_start3A_774, %dma_start3A_775] : memref<8x8x129xf32, #tpu.memory_space<vmem>> -> memref<8x8x128xf32, #tpu.memory_space<vmem>>
      %dma_start3A_777 = arith.constant 0 : i32
      %dma_start3A_778 = arith.constant 0 : i32
      %dma_start3A_779 = arith.constant 0 : i32
      %dma_start3A_780 = tpu.memref_slice %arg4[%select_n3A_749, %dma_start3A_777, %select_n3A_765, %dma_start3A_778, %dma_start3A_779] : memref<50x8x128x8x128xf32, #tpu.memory_space<hbm>> -> memref<1x8x1x8x128xf32, #tpu.memory_space<hbm>>
      %dma_start3A_781 = tpu.memref_squeeze %dma_start3A_780 : memref<1x8x1x8x128xf32, #tpu.memory_space<hbm>> -> memref<8x8x128xf32, #tpu.memory_space<hbm>>
      %dma_start3A_782 = tpu.memref_slice %arg9[%dma_start3A_767] : memref<4x!tpu.dma_semaphore, #tpu.memory_space<semaphore_mem>> -> memref<1x!tpu.dma_semaphore, #tpu.memory_space<semaphore_mem>>
      %dma_start3A_783 = tpu.memref_squeeze %dma_start3A_782 : memref<1x!tpu.dma_semaphore, #tpu.memory_space<semaphore_mem>> -> memref<!tpu.dma_semaphore, #tpu.memory_space<semaphore_mem>>
      %dma_start3A_784 = arith.constant 0 : i32
      %dma_start3A_785 = arith.constant 0 : i32
      %dma_start3A_786 = arith.constant 0 : i32
      %dma_start3A_787 = tpu.memref_slice %arg4[%select_n3A_749, %dma_start3A_784, %select_n3A_765, %dma_start3A_785, %dma_start3A_786] : memref<50x8x128x8x128xf32, #tpu.memory_space<hbm>> -> memref<1x8x1x8x128xf32, #tpu.memory_space<hbm>>
      %dma_start3A_788 = tpu.memref_squeeze %dma_start3A_787 : memref<1x8x1x8x128xf32, #tpu.memory_space<hbm>> -> memref<8x8x128xf32, #tpu.memory_space<hbm>>
      %dma_start3A_789 = arith.constant 0 : i32
      %dma_start3A_790 = arith.constant 0 : i32
      %dma_start3A_791 = arith.constant 0 : i32
      %dma_start3A_792 = tpu.memref_slice %arg7[%dma_start3A_766, %dma_start3A_789, %dma_start3A_790, %dma_start3A_791] : memref<4x8x8x129xf32, #tpu.memory_space<vmem>> -> memref<1x8x8x129xf32, #tpu.memory_space<vmem>>
      %dma_start3A_793 = tpu.memref_squeeze %dma_start3A_792 : memref<1x8x8x129xf32, #tpu.memory_space<vmem>> -> memref<8x8x129xf32, #tpu.memory_space<vmem>>
      %dma_start3A_794 = arith.constant 0 : i32
      %dma_start3A_795 = arith.constant 0 : i32
      %dma_start3A_796 = arith.constant 0 : i32
      %dma_start3A_797 = tpu.memref_slice %dma_start3A_793[%dma_start3A_794, %dma_start3A_795, %dma_start3A_796] : memref<8x8x129xf32, #tpu.memory_space<vmem>> -> memref<8x8x128xf32, #tpu.memory_space<vmem>>
      tpu.enqueue_dma source(%dma_start3A_797 : memref<8x8x128xf32, #tpu.memory_space<vmem>>) target(%dma_start3A_788 : memref<8x8x128xf32, #tpu.memory_space<hbm>>) target_semaphore(%dma_start3A_783 : memref<!tpu.dma_semaphore, #tpu.memory_space<semaphore_mem>>)
    }
    %scan3A_276 = arith.constant 50 : i32
    %dma_wait3A = arith.constant 0 : i32
    %dma_wait3A_277 = arith.constant 0 : i32
    %dma_wait3A_278 = arith.constant 0 : i32
    %dma_wait3A_279 = arith.constant 0 : i32
    %dma_wait3A_280 = tpu.memref_slice %arg6[%dma_wait3A, %dma_wait3A_278, %dma_wait3A_279] : memref<4x128x64xf32, #tpu.memory_space<vmem>> -> memref<1x128x64xf32, #tpu.memory_space<vmem>>
    %dma_wait3A_281 = tpu.memref_squeeze %dma_wait3A_280 : memref<1x128x64xf32, #tpu.memory_space<vmem>> -> memref<128x64xf32, #tpu.memory_space<vmem>>
    %dma_wait3A_282 = arith.constant 0 : i32
    %dma_wait3A_283 = arith.constant 0 : i32
    %dma_wait3A_284 = tpu.memref_slice %arg3[%dma_wait3A_282, %dma_wait3A_283] : memref<1000000x64xf32, #tpu.memory_space<hbm>> -> memref<128x64xf32, #tpu.memory_space<hbm>>
    %dma_wait3A_285 = tpu.memref_slice %arg9[%dma_wait3A_277] : memref<4x!tpu.dma_semaphore, #tpu.memory_space<semaphore_mem>> -> memref<1x!tpu.dma_semaphore, #tpu.memory_space<semaphore_mem>>
    %dma_wait3A_286 = tpu.memref_squeeze %dma_wait3A_285 : memref<1x!tpu.dma_semaphore, #tpu.memory_space<semaphore_mem>> -> memref<!tpu.dma_semaphore, #tpu.memory_space<semaphore_mem>>
    %dma_wait3A_287 = arith.constant 0 : i32
    %dma_wait3A_288 = arith.constant 0 : i32
    %dma_wait3A_289 = tpu.memref_slice %arg6[%dma_wait3A, %dma_wait3A_287, %dma_wait3A_288] : memref<4x128x64xf32, #tpu.memory_space<vmem>> -> memref<1x128x64xf32, #tpu.memory_space<vmem>>
    %dma_wait3A_290 = tpu.memref_squeeze %dma_wait3A_289 : memref<1x128x64xf32, #tpu.memory_space<vmem>> -> memref<128x64xf32, #tpu.memory_space<vmem>>
    %dma_wait3A_291 = arith.constant 0 : i32
    %dma_wait3A_292 = arith.constant 0 : i32
    %dma_wait3A_293 = tpu.memref_slice %arg3[%dma_wait3A_291, %dma_wait3A_292] : memref<1000000x64xf32, #tpu.memory_space<hbm>> -> memref<128x64xf32, #tpu.memory_space<hbm>>
    tpu.wait_dma2 semaphore(%dma_wait3A_286 : memref<!tpu.dma_semaphore, #tpu.memory_space<semaphore_mem>>) src(%dma_wait3A_293 : memref<128x64xf32, #tpu.memory_space<hbm>>) dst(%dma_wait3A_290 : memref<128x64xf32, #tpu.memory_space<vmem>>)
    %dma_wait3A_294 = arith.constant 1 : i32
    %dma_wait3A_295 = arith.constant 1 : i32
    %dma_wait3A_296 = arith.constant 0 : i32
    %dma_wait3A_297 = arith.constant 0 : i32
    %dma_wait3A_298 = tpu.memref_slice %arg6[%dma_wait3A_294, %dma_wait3A_296, %dma_wait3A_297] : memref<4x128x64xf32, #tpu.memory_space<vmem>> -> memref<1x128x64xf32, #tpu.memory_space<vmem>>
    %dma_wait3A_299 = tpu.memref_squeeze %dma_wait3A_298 : memref<1x128x64xf32, #tpu.memory_space<vmem>> -> memref<128x64xf32, #tpu.memory_space<vmem>>
    %dma_wait3A_300 = arith.constant 0 : i32
    %dma_wait3A_301 = arith.constant 0 : i32
    %dma_wait3A_302 = tpu.memref_slice %arg3[%dma_wait3A_300, %dma_wait3A_301] : memref<1000000x64xf32, #tpu.memory_space<hbm>> -> memref<128x64xf32, #tpu.memory_space<hbm>>
    %dma_wait3A_303 = tpu.memref_slice %arg9[%dma_wait3A_295] : memref<4x!tpu.dma_semaphore, #tpu.memory_space<semaphore_mem>> -> memref<1x!tpu.dma_semaphore, #tpu.memory_space<semaphore_mem>>
    %dma_wait3A_304 = tpu.memref_squeeze %dma_wait3A_303 : memref<1x!tpu.dma_semaphore, #tpu.memory_space<semaphore_mem>> -> memref<!tpu.dma_semaphore, #tpu.memory_space<semaphore_mem>>
    %dma_wait3A_305 = arith.constant 0 : i32
    %dma_wait3A_306 = arith.constant 0 : i32
    %dma_wait3A_307 = tpu.memref_slice %arg6[%dma_wait3A_294, %dma_wait3A_305, %dma_wait3A_306] : memref<4x128x64xf32, #tpu.memory_space<vmem>> -> memref<1x128x64xf32, #tpu.memory_space<vmem>>
    %dma_wait3A_308 = tpu.memref_squeeze %dma_wait3A_307 : memref<1x128x64xf32, #tpu.memory_space<vmem>> -> memref<128x64xf32, #tpu.memory_space<vmem>>
    %dma_wait3A_309 = arith.constant 0 : i32
    %dma_wait3A_310 = arith.constant 0 : i32
    %dma_wait3A_311 = tpu.memref_slice %arg3[%dma_wait3A_309, %dma_wait3A_310] : memref<1000000x64xf32, #tpu.memory_space<hbm>> -> memref<128x64xf32, #tpu.memory_space<hbm>>
    tpu.wait_dma2 semaphore(%dma_wait3A_304 : memref<!tpu.dma_semaphore, #tpu.memory_space<semaphore_mem>>) src(%dma_wait3A_311 : memref<128x64xf32, #tpu.memory_space<hbm>>) dst(%dma_wait3A_308 : memref<128x64xf32, #tpu.memory_space<vmem>>)
    %dma_wait3A_312 = arith.constant 2 : i32
    %dma_wait3A_313 = arith.constant 2 : i32
    %dma_wait3A_314 = arith.constant 0 : i32
    %dma_wait3A_315 = arith.constant 0 : i32
    %dma_wait3A_316 = tpu.memref_slice %arg6[%dma_wait3A_312, %dma_wait3A_314, %dma_wait3A_315] : memref<4x128x64xf32, #tpu.memory_space<vmem>> -> memref<1x128x64xf32, #tpu.memory_space<vmem>>
    %dma_wait3A_317 = tpu.memref_squeeze %dma_wait3A_316 : memref<1x128x64xf32, #tpu.memory_space<vmem>> -> memref<128x64xf32, #tpu.memory_space<vmem>>
    %dma_wait3A_318 = arith.constant 0 : i32
    %dma_wait3A_319 = arith.constant 0 : i32
    %dma_wait3A_320 = tpu.memref_slice %arg3[%dma_wait3A_318, %dma_wait3A_319] : memref<1000000x64xf32, #tpu.memory_space<hbm>> -> memref<128x64xf32, #tpu.memory_space<hbm>>
    %dma_wait3A_321 = tpu.memref_slice %arg9[%dma_wait3A_313] : memref<4x!tpu.dma_semaphore, #tpu.memory_space<semaphore_mem>> -> memref<1x!tpu.dma_semaphore, #tpu.memory_space<semaphore_mem>>
    %dma_wait3A_322 = tpu.memref_squeeze %dma_wait3A_321 : memref<1x!tpu.dma_semaphore, #tpu.memory_space<semaphore_mem>> -> memref<!tpu.dma_semaphore, #tpu.memory_space<semaphore_mem>>
    %dma_wait3A_323 = arith.constant 0 : i32
    %dma_wait3A_324 = arith.constant 0 : i32
    %dma_wait3A_325 = tpu.memref_slice %arg6[%dma_wait3A_312, %dma_wait3A_323, %dma_wait3A_324] : memref<4x128x64xf32, #tpu.memory_space<vmem>> -> memref<1x128x64xf32, #tpu.memory_space<vmem>>
    %dma_wait3A_326 = tpu.memref_squeeze %dma_wait3A_325 : memref<1x128x64xf32, #tpu.memory_space<vmem>> -> memref<128x64xf32, #tpu.memory_space<vmem>>
    %dma_wait3A_327 = arith.constant 0 : i32
    %dma_wait3A_328 = arith.constant 0 : i32
    %dma_wait3A_329 = tpu.memref_slice %arg3[%dma_wait3A_327, %dma_wait3A_328] : memref<1000000x64xf32, #tpu.memory_space<hbm>> -> memref<128x64xf32, #tpu.memory_space<hbm>>
    tpu.wait_dma2 semaphore(%dma_wait3A_322 : memref<!tpu.dma_semaphore, #tpu.memory_space<semaphore_mem>>) src(%dma_wait3A_329 : memref<128x64xf32, #tpu.memory_space<hbm>>) dst(%dma_wait3A_326 : memref<128x64xf32, #tpu.memory_space<vmem>>)
    %dma_wait3A_330 = arith.constant 3 : i32
    %dma_wait3A_331 = arith.constant 3 : i32
    %dma_wait3A_332 = arith.constant 0 : i32
    %dma_wait3A_333 = arith.constant 0 : i32
    %dma_wait3A_334 = tpu.memref_slice %arg6[%dma_wait3A_330, %dma_wait3A_332, %dma_wait3A_333] : memref<4x128x64xf32, #tpu.memory_space<vmem>> -> memref<1x128x64xf32, #tpu.memory_space<vmem>>
    %dma_wait3A_335 = tpu.memref_squeeze %dma_wait3A_334 : memref<1x128x64xf32, #tpu.memory_space<vmem>> -> memref<128x64xf32, #tpu.memory_space<vmem>>
    %dma_wait3A_336 = arith.constant 0 : i32
    %dma_wait3A_337 = arith.constant 0 : i32
    %dma_wait3A_338 = tpu.memref_slice %arg3[%dma_wait3A_336, %dma_wait3A_337] : memref<1000000x64xf32, #tpu.memory_space<hbm>> -> memref<128x64xf32, #tpu.memory_space<hbm>>
    %dma_wait3A_339 = tpu.memref_slice %arg9[%dma_wait3A_331] : memref<4x!tpu.dma_semaphore, #tpu.memory_space<semaphore_mem>> -> memref<1x!tpu.dma_semaphore, #tpu.memory_space<semaphore_mem>>
    %dma_wait3A_340 = tpu.memref_squeeze %dma_wait3A_339 : memref<1x!tpu.dma_semaphore, #tpu.memory_space<semaphore_mem>> -> memref<!tpu.dma_semaphore, #tpu.memory_space<semaphore_mem>>
    %dma_wait3A_341 = arith.constant 0 : i32
    %dma_wait3A_342 = arith.constant 0 : i32
    %dma_wait3A_343 = tpu.memref_slice %arg6[%dma_wait3A_330, %dma_wait3A_341, %dma_wait3A_342] : memref<4x128x64xf32, #tpu.memory_space<vmem>> -> memref<1x128x64xf32, #tpu.memory_space<vmem>>
    %dma_wait3A_344 = tpu.memref_squeeze %dma_wait3A_343 : memref<1x128x64xf32, #tpu.memory_space<vmem>> -> memref<128x64xf32, #tpu.memory_space<vmem>>
    %dma_wait3A_345 = arith.constant 0 : i32
    %dma_wait3A_346 = arith.constant 0 : i32
    %dma_wait3A_347 = tpu.memref_slice %arg3[%dma_wait3A_345, %dma_wait3A_346] : memref<1000000x64xf32, #tpu.memory_space<hbm>> -> memref<128x64xf32, #tpu.memory_space<hbm>>
    tpu.wait_dma2 semaphore(%dma_wait3A_340 : memref<!tpu.dma_semaphore, #tpu.memory_space<semaphore_mem>>) src(%dma_wait3A_347 : memref<128x64xf32, #tpu.memory_space<hbm>>) dst(%dma_wait3A_344 : memref<128x64xf32, #tpu.memory_space<vmem>>)
    return
  }
}

</mosaic_0001>

<sc_bundles>
// kernel: kernel.3.cloned.1.call-start
scs
__scs_entry_jumppad:
0x0: {  	(pc) =	sbr.rel $0x88, $3  }
0x1: {  	(tag) =	ssettag $0x0;
	lr =	simm.s32 $0x1  }
0x2: {  	[smem:$0x3F9F] =	sst lr;
	_ =	strace $0xD0000000  }
0x3: {  	_ = 	snop  }
0x4: {  	_ = 	snop  }
0x5: {  	_ = 	snop  }
0x6: {  	_ = 	snop  }
0x7: {  	_ = 	snop  }
__scs_overlays_trampoline_lowered:
0x8: {  	[smem:$0x3FAE] =	sst s0  }
0x9: {  	[smem:$0x3FAF] =	sst s1  }
0xa: {  	[smem:$0x3FB0] =	sst s2  }
0xb: {  	[smem:$0x3FB1] =	sst s3  }
0xc: {  	[smem:$0x3FB2] =	sst s4  }
0xd: {  	[smem:$0x3FB3] =	sst s5  }
0xe: {  	[smem:$0x3FB4] =	sst s6  }
0xf: {  	[smem:$0x3FB5] =	sst s7  }
0x10: {  	[smem:$0x3FB6] =	sst s8  }
0x11: {  	[smem:$0x3FB7] =	sst s9;
	s0 =	simm.s32 @!p0 $0x0  }
0x12: {  	s1 =	sld [smem:$0x3F9D];
	s0 =	simm.s32 @p0 $0x1  }
0x13: {  	[smem:$0x3FB8] =	sst s0;
	s0 =	simm.s32 @!p1 $0x0  }
0x14: {  	s2 =	sld [smem:$0x3F9C];
	s0 =	simm.s32 @p1 $0x1  }
0x15: {  	[smem:$0x3FB9] =	sst s0;
	s0 =	simm.s32 @!p2 $0x0  }
0x16: {  	s3 =	sld [smem:$0x3FDB];
	s0 =	simm.s32 @p2 $0x1  }
0x17: {  	s4 =	simm.s32 $0x1BF5;
	[smem:$0x3FBB] =	sst s0  }
0x18: {  	s0 =	sld [smem:$0x3F9E];
	_ =	swait.ge [sflag:s4], $0x0  }
0x19: {  	s7 =	sld [smem:$0x3F9F]  }
0x1a: {  	s8 =	sadd.s32 $0xFFFFE003, lr  }
0x1b: {  	s9 =	sadd.s32 $0xFFFFFEF7, lr;
	s5 =	simm.s32 $0xFFFFFFFF;
	p2 =	slt.u32 s8, $0xFFFFF086  }
0x1c: {  	p1 =	slt.u32 s9, $0xF7A;
	s5 =	simm.s32 @!p2 $0x0  }
0x1d: {  	s5 =	simm.s32 @p1 $0x1;
	p0 =	seq.s32 s7, s2  }
0x1e: {  	s7 =	smul.u32 @!p0 $0xF7A, s2;
	p2 =	seq.s32 @!p0 s5, $0x0  }
0x1f: {  	s9 =	smul.u32 $0xF7A, s1;
	s8 =	simm.s32 @!p0 $0x1BF5;
	p2 =	por !p2, p0  }
0x20: {  	[sflag:s8] =	ssyncset.s32 @!p0 $0xFFFFF086;
	s6 =	sadd.s32 @!p0 s3, s7;
	s7 =	simm.s32 @!p0 $0x108  }
0x21: {  	s3 =	sadd.s32 s3, s9;
	s6 =	sadd.s32 @!p0 $0x88, s6;
	s7 =	simm.s32 @p2 $0x1082  }
0x22: {  	[simem:s7], [sflag:s8] =	dma.local @!p0 [hbm:s6], $0xF7A  }
0x23: {  	s9 =	sor.u32 $0xD0000000, s2;
	s6 =	simm.s32 $0x108;
	_ =	swait.ge @!p0 [sflag:s8], $0x0  }
0x24: {  	s3 =	sadd.s32 $0x88, s3;
	s6 =	simm.s32 @!p1 $0x1082;
	[sflag:s4] =	ssyncset.s32 $0xFFFFF086  }
0x25: {  	[simem:s6], [sflag:s4] =	dma.local [hbm:s3], $0xF7A  }
0x26: {  	[smem:$0x3F9F] =	sst s1;
	(tag) =	ssettag s2;
	_ =	strace s9  }
0x27: {  	s1 =	sld [smem:$0x3FAF]  }
0x28: {  	s2 =	sld [smem:$0x3FB0]  }
0x29: {  	s4 =	sld [smem:$0x3FB2]  }
0x2a: {  	p0 =	seq.s32 s5, $0x0;
	s5 =	sld [smem:$0x3FB3]  }
0x2b: {  	s6 =	sld [smem:$0x3FB4]  }
0x2c: {  	s7 =	sld [smem:$0x3FB5]  }
0x2d: {  	s3 =	simm.s32 $0x108;
	s8 =	sld [smem:$0x3FB6]  }
0x2e: {  	s3 =	simm.s32 @!p0 $0x1082;
	s9 =	sld [smem:$0x3FB7]  }
0x2f: {  	lr =	sadd.s32 s0, s3;
	s0 =	sld [smem:$0x3FAE]  }
0x30: {  	s3 =	sld [smem:$0x3FB1]  }
0x31: {  	[smem:$0x3FBA] =	sst s10  }
0x32: {  	s10 =	sld [smem:$0x3FB8];
	_ =	sdelay $0x3  }
0x33: {  	p0 =	seq.s32 s10, $0x1;
	s10 =	sld [smem:$0x3FBA];
	_ =	sdelay $0x3  }
0x34: {  	[smem:$0x3FBA] =	sst s10  }
0x35: {  	s10 =	sld [smem:$0x3FB9];
	_ =	sdelay $0x3  }
0x36: {  	p1 =	seq.s32 s10, $0x1;
	s10 =	sld [smem:$0x3FBA];
	_ =	sdelay $0x3  }
0x37: {  	[smem:$0x3FBA] =	sst s10  }
0x38: {  	s10 =	sld [smem:$0x3FBB]  }
0x39: {  	_ = 	snop;
	(pc) =	sbr.ind lr, $3  }
0x3a: {  	_ = 	snop  }
0x3b: {  	_ = 	snop  }
0x3c: {  	p2 =	seq.s32 s10, $0x1;
	s10 =	sld [smem:$0x3FBA]  }
0x3d: {  	_ =	shalt  }
0x3e: {  	_ =	shalt  }
0x3f: {  	_ =	shalt  }
0x40: {  	_ =	shalt  }
0x41: {  	_ =	shalt  }
0x42: {  	_ =	shalt  }
0x43: {  	_ =	shalt  }
0x44: {  	_ =	shalt  }
0x45: {  	_ =	shalt  }
0x46: {  	_ =	shalt  }
0x47: {  	_ =	shalt  }
0x48: {  	_ =	shalt  }
0x49: {  	_ =	shalt  }
0x4a: {  	_ =	shalt  }
0x4b: {  	_ =	shalt  }
0x4c: {  	_ =	shalt  }
0x4d: {  	_ =	shalt  }
0x4e: {  	_ =	shalt  }
0x4f: {  	_ =	shalt  }
0x50: {  	_ =	shalt  }
0x51: {  	_ =	shalt  }
0x52: {  	_ =	shalt  }
0x53: {  	_ =	shalt  }
0x54: {  	_ =	shalt  }
0x55: {  	_ =	shalt  }
0x56: {  	_ =	shalt  }
0x57: {  	_ =	shalt  }
0x58: {  	_ =	shalt  }
0x59: {  	_ =	shalt  }
0x5a: {  	_ =	shalt  }
0x5b: {  	_ =	shalt  }
0x5c: {  	_ =	shalt  }
0x5d: {  	_ =	shalt  }
0x5e: {  	_ =	shalt  }
0x5f: {  	_ =	shalt  }
0x60: {  	_ =	shalt  }
0x61: {  	_ =	shalt  }
0x62: {  	_ =	shalt  }
0x63: {  	_ =	shalt  }
0x64: {  	_ =	shalt  }
0x65: {  	_ =	shalt  }
0x66: {  	_ =	shalt  }
0x67: {  	_ =	shalt  }
0x68: {  	_ =	shalt  }
0x69: {  	_ =	shalt  }
0x6a: {  	_ =	shalt  }
0x6b: {  	_ =	shalt  }
0x6c: {  	_ =	shalt  }
0x6d: {  	_ =	shalt  }
0x6e: {  	_ =	shalt  }
0x6f: {  	_ =	shalt  }
0x70: {  	_ =	shalt  }
0x71: {  	_ =	shalt  }
0x72: {  	_ =	shalt  }
0x73: {  	_ =	shalt  }
0x74: {  	_ =	shalt  }
0x75: {  	_ =	shalt  }
0x76: {  	_ =	shalt  }
0x77: {  	_ =	shalt  }
0x78: {  	_ =	shalt  }
0x79: {  	_ =	shalt  }
0x7a: {  	_ =	shalt  }
0x7b: {  	_ =	shalt  }
0x7c: {  	_ =	shalt  }
0x7d: {  	_ =	shalt  }
0x7e: {  	_ =	shalt  }
0x7f: {  	_ =	shalt  }
0x80: {  	_ =	shalt  }
0x81: {  	_ =	shalt  }
0x82: {  	_ =	shalt  }
0x83: {  	_ =	shalt  }
0x84: {  	_ =	shalt  }
0x85: {  	_ =	shalt  }
0x86: {  	_ =	shalt  }
0x87: {  	_ =	shalt  }
.Lfunc_end0:
.L_simem_size_0:
called_computation_lowered:
.L_overlay_start_0:
0x88: {  	s2 =	sld [smem:$0x3FD9]  }
0x89: {  	s3 =	sld [smem:$0x3FFE];
	_ =	sdelay $0x1  }
0x8a: {  	s1 =	srdreg.scid  }
0x8b: {  	s0 =	sand.u32 $0x1, s1  }
0x8c: {  	s17 =	sshll.u32 s0, $0xA;
	s2 =	sadd.s32 s3, s2  }
0x8d: {  	s2 =	sadd.s32 s2, s17  }
0x8e: {  	[smem:$0x3FC6] =	sst s2  }
0x8f: {  	_ = 	snop  }
0x90: {  	s2 =	sld [smem:$0x3FD0];
	(tm) =	ssettm $0x1  }
0x91: {  	s18 =	sld [smem:$0x3FFB];
	_ =	sdelay $0x3  }
0x92: {  	_ =	strace s18  }
0x93: {  	s3 =	sld [smem:$0x3FFC];
	_ =	sdelay $0x3  }
0x94: {  	_ =	strace s3  }
0x95: {  	s3 =	sld [smem:$0x3FFD];
	_ =	sdelay $0x3  }
0x96: {  	_ =	strace s3  }
0x97: {  	_ =	strace $0x8FFFFFFF  }
0x98: {  	s19 =	sld [smem:$0x3FDB];
	_ =	sdelay $0x1  }
0x99: {  	s4 =	simm.s32 $_scs_section_size  }
0x9a: {  	s5 =	simm.s32 $_size__tile_overlayer_lowered;
	s6 =	simm.s32 $_tile_overlayer_lowered  }
0x9b: {  	s22 =	simm.s32 $0x1BFF;
	s21 =	sshll.u32 s6, $0x1;
	s3 =	sadd.s32 s4, s19  }
0x9c: {  	s7 =	simm.s32 $0x0;
	s20 =	sshll.u32 s5, $0x1;
	s5 =	sadd.s32 s21, s3  }
0x9d: {  	[timem:s7], [sflag:s22] =	dma.local [hbm:s5], s20  }
0x9e: {  	_ =	swait.ge [sflag:s22], s20  }
0x9f: {  	s4 =	ssub.s32 $0x0, s20;
	[sflag:s22] =	ssyncset.done $0x0  }
0xa0: {  	[sflag:s22] =	ssyncadd.s32 s4;
	_ =	sdelay $0x1  }
0xa1: {  	s23 =	simm.s32 $0x1B8B  }
0xa2: {  	_ =	swait.ge [sflag:s23], $0x1  }
0xa3: {  	[sflag:s23] =	ssyncset.done $0x0  }
0xa4: {  	s25 =	simm.s32 $0x1B8E;
	s24 =	sld [smem:$0x3FFE];
	[sflag:s23] =	ssyncadd.s32 $0xFFFFFFFF  }
0xa5: {  	s26 =	simm.s32 $execute0_lowered;
	[smem:$0x3FD2] =	sst s25  }
0xa6: {  	s5 =	sshll.u32 s26, $0x1;
	_ =	strace $0x80000046;
	[dreg:$0x1] =	wrdreg $0xFFFFFFFF  }
0xa7: {  	s28 =	simm.s32 $_size_execute0_lowered;
	s3 =	sadd.s32 s3, s5;
	[dreg:$0x0] =	wrdreg $0x0  }
0xa8: {  	s5 =	sshll.u32 s28, $0x1;
	[dreg:$0x2] =	wrdreg s3  }
0xa9: {  	[dreg:$0x3] =	wrdreg s5  }
0xaa: {  	[dreg:$0x4] =	wrdreg $0xC0  }
0xab: {  	_ =	task [dreg:s7], $0x5FFFF  }
0xac: {  	[dreg:$0x1] =	wrdreg $0xFFFFFFFF  }
0xad: {  	[dreg:$0x0] =	wrdreg $0x60  }
0xae: {  	[dreg:$0x2] =	wrdreg s24  }
0xaf: {  	[dreg:$0x3] =	wrdreg s2  }
0xb0: {  	[dreg:$0x4] =	wrdreg $0x9  }
0xb1: {  	_ =	task.clear_ibuf [dreg:s7], $0x5FFFF;
	_ =	strace $0x90000046  }
0xb2: {  	s29 =	simm.s32 $0x9;
	_ =	strace $0x80000048  }
0xb3: {  	_ =	swait.ge [sflag:s29], $0x1  }
0xb4: {  	[sflag:s29] =	ssyncadd.s32 $0xFFFFFFFF  }
0xb5: {  	_ =	strace $0x90000048  }
0xb6: {  	_ =	sfence  }
0xb7: {  	s30 =	sld [smem:$0x0];
	_ =	sdelay $0x2  }
0xb8: {  	s31 =	sshll.u32 s1, $0xD;
	s1 =	sshrl.u32 s1, $0x2  }
0xb9: {  	s3 =	sand.u32 $0x4000, s31;
	s1 =	sadd.s32 s1, s30  }
0xba: {  	s0 =	sor.u32 s3, s0;
	s1 =	sshll.u32 s1, $0x11  }
0xbb: {  	s0 =	sor.u32 s1, s0  }
0xbc: {  	s0 =	sadd.s32 $0x8F2B, s0  }
0xbd: {  	[sflag:s0] =	ssyncadd.remote.s32 $0x1  }
0xbe: {  	_ =	sfence.sel $0xFFFF  }
0xbf: {  	[dreg:$0x0] =	wrdreg $0xFFFFFFFF;
	(pc) =	sbr.abs _section_cstart, $3  }
0xc0: {  	[dreg:$0x1] =	wrdreg $0xFFFFFFFF  }
0xc1: {  	_ =	task.clear_ibuf [dreg:s7], $0x2FFFF;
	_ =	strace $0x9FFFFFFF  }
0xc2: {  	(tm) =	ssettm $0x7FFFFFFF  }
0xc3: {  	_ =	shalt  }
tec
execute0_lowered:
.L_overlay_start_1:
0x0: {  	(tag) =	ssettag $0x1  }
0x1: {  	s0 =	rddreg [dreg:$0x0]  }
0x2: {  	s1 =	srdreg.scid;
	s3 =	stileid.u32  }
0x3: {  	s2 =	rddreg [dreg:$0x1];
	s9 =	simm.s32 $0x80;
	s10 =	simm.s32 $0x6400  }
0x4: {  	s11 =	simm.s32 $0x8400;
	s13 =	simm.s32 $0xA400;
	s14 =	simm.s32 $0xC400  }
0x5: {  	s15 =	simm.s32 $0x1;
	s16 =	simm.s32 $0xE400;
	s17 =	simm.s32 $0x2  }
0x6: {  	s18 =	simm.s32 $0x6;
	s19 =	simm.s32 $0x10600;
	s20 =	simm.s32 $0x3  }
0x7: {  	s21 =	simm.s32 $0x7;
	s1 =	sand.u32 $0x1, s1;
	s4 =	sshll.u32 s3, $0x1  }
0x8: {  	s22 =	simm.s32 $0x12800;
	s23 =	simm.s32 $0x4;
	s5 =	sor.u32 s1, s4  }
0x9: {  	s24 =	simm.s32 $0x8;
	s25 =	simm.s32 $0x14A00;
	s4 =	smul.u32 $0xC80, s5  }
0xa: {  	s26 =	simm.s32 $0x5;
	s3 =	simm.s32 $0x0;
	s1 =	ssub.s32 $0x2, s1  }
0xb: {  	v0 =	vlaneseq.u32;
	[smem:$0x7FF] =	sst s3;
	s30 =	sshrl.u32 s1, $0x1;
	s6 =	sadd.s32 s4, s0  }
0xc: {  	v0 =	vmul.u32 $0x88, v0;
	s4 =	sadd.s32 $0xF42A00, s0;
	s0 =	ssub.s32 s1, s30;
	s31 =	sadd.s32 $0x600, s6  }
0xd: {  	_ =	strace $0x80000047;
	s0 =	smax.u32 s0, $0x1;
	[dreg:$0x3] =	wrdreg s31  }
0xe: {  	s28 =	simm.s32 $0x0;
	s5 =	smul.u32 $0xC8, s5;
	v1 =	vadd.s32 $0x880, v0;
	v2 =	vadd.s32 $0x1100, v0;
	v3 =	vadd.s32 $0x1980, v0;
	[dreg:$0x4] =	wrdreg s0  }
.LBB2_1:
0xf: {  	s0 =	rddreg [dreg:$0x3];
	s30 =	simm.s32 $0x9  }
0x10: {  	[tilespmem:s3], [sflag:$0x9] =	stream.linear.gather [hbm4b:s0+s3], $0x6400, $0x38;
	[tilespmem:$0x16C00] =	vst v63  }
0x11: {  	_ =	swait.ge [sflag:s30], $0x6400  }
0x12: {  	[sflag:s30] =	ssyncset.done $0x0  }
0x13: {  	[sflag:s30] =	ssyncadd.s32 $0xFFFF9C00  }
0x14: {  	[tilespmem:s10], [sflag:$0x1] =	stream.indirect.gather [hbm4b:s4+s9], $0x40, s3, s9, $0xb8;
	[tilespmem:$0x16C00] =	vst v63  }
0x15: {  	_ = 	snop  }
0x16: {  	[tilespmem:s11], [sflag:$0x2] =	stream.indirect.gather [hbm4b:s4+s9], $0x40, s9, s9, $0xb8;
	[tilespmem:$0x16C00] =	vst v63  }
0x17: {  	s31 =	simm.s32 $0x100;
	s29 =	simm.s32 $0x0  }
0x18: {  	[tilespmem:s13], [sflag:$0x3] =	stream.indirect.gather [hbm4b:s4+s9], $0x40, s31, s9, $0xb8;
	[tilespmem:$0x16C00] =	vst v63  }
.LBB2_2:
0x19: {  	s30 =	sshllo.u32 s29, $0x2  }
0x1a: {  	s0 =	sshll.u32 s30, $0x7  }
0x1b: {  	s0 =	sand.u32 $0x3FFFFF80, s0  }
0x1c: {  	[tilespmem:s14], [sflag:$0x4] =	stream.indirect.gather [hbm4b:s4+s9], $0x40, s0, s9, $0xb8;
	[tilespmem:$0x16C00] =	vst v63  }
0x1d: {  	_ =	swait.ge [sflag:s15], $0x2000  }
0x1e: {  	p0 =	seq.s32 s29, $0x0;
	[sflag:s15] =	ssyncset.done $0x0  }
0x1f: {  	s0 =	simm.s32 @!p0 $0x5;
	[sflag:s15] =	ssyncadd.s32 $0xFFFFE000  }
0x20: {  	s1 =	simm.s32 $0x0;
	_ =	swait.ge @!p0 [sflag:s0], $0x2000  }
0x21: {  	v4 =	vmov s1;
	[sflag:s0] =	ssyncset.done @!p0 $0x0  }
0x22: {  	s1 =	simm.s32 $0x6480;
	v4 =	vand.u32 $0x7C, v4;
	[sflag:s0] =	ssyncadd.s32 @!p0 $0xFFFFE000  }
0x23: {  	v6 =	vadd.s32 v0, v4;
	v5 =	vld [tilespmem:s1+$0xFFFFFF80];
	_ =	sdelay $0x4  }
0x24: {  	[tilespmem:v6+s16+$0x0] =	vst.idx.msk $0xffff, v5  }
0x25: {  	v6 =	vadd.s32 v1, v4;
	v5 =	vld [tilespmem:s1+$0xFFFFFF90];
	_ =	sdelay $0x4  }
0x26: {  	[tilespmem:v6+s16+$0x0] =	vst.idx.msk $0xffff, v5  }
0x27: {  	v6 =	vadd.s32 v2, v4;
	v5 =	vld [tilespmem:s1+$0xFFFFFFA0];
	_ =	sdelay $0x4  }
0x28: {  	[tilespmem:v6+s16+$0x0] =	vst.idx.msk $0xffff, v5  }
0x29: {  	v4 =	vadd.s32 v3, v4;
	v5 =	vld [tilespmem:s1+$0xFFFFFFB0];
	_ =	sdelay $0x2  }
0x2a: {  	s7 =	simm.s32 $0x1  }
0x2b: {  	v6 =	vmov s7  }
0x2c: {  	[tilespmem:v4+s16+$0x0] =	vst.idx.msk $0xffff, v5;
	v4 =	vand.u32 $0x7D, v6  }
0x2d: {  	v5 =	vld [tilespmem:s1+$0xFFFFFFC0];
	v6 =	vadd.s32 v0, v4;
	_ =	sdelay $0x4  }
0x2e: {  	[tilespmem:v6+s16+$0x0] =	vst.idx.msk $0xffff, v5  }
0x2f: {  	v6 =	vadd.s32 v1, v4;
	v5 =	vld [tilespmem:s1+$0xFFFFFFD0];
	_ =	sdelay $0x4  }
0x30: {  	[tilespmem:v6+s16+$0x0] =	vst.idx.msk $0xffff, v5  }
0x31: {  	v6 =	vadd.s32 v2, v4;
	v5 =	vld [tilespmem:s1+$0xFFFFFFE0];
	_ =	sdelay $0x4  }
0x32: {  	[tilespmem:v6+s16+$0x0] =	vst.idx.msk $0xffff, v5  }
0x33: {  	v4 =	vadd.s32 v3, v4;
	v5 =	vld [tilespmem:s1+$0xFFFFFFF0];
	_ =	sdelay $0x2  }
0x34: {  	s8 =	simm.s32 $0x2  }
0x35: {  	v6 =	vmov s8  }
0x36: {  	[tilespmem:v4+s16+$0x0] =	vst.idx.msk $0xffff, v5;
	v4 =	vand.u32 $0x7E, v6  }
0x37: {  	v5 =	vld [tilespmem:s1+$0x0];
	v6 =	vadd.s32 v0, v4;
	_ =	sdelay $0x4  }
0x38: {  	[tilespmem:v6+s16+$0x0] =	vst.idx.msk $0xffff, v5  }
0x39: {  	v6 =	vadd.s32 v1, v4;
	v5 =	vld [tilespmem:s1+$0x10];
	_ =	sdelay $0x4  }
0x3a: {  	[tilespmem:v6+s16+$0x0] =	vst.idx.msk $0xffff, v5  }
0x3b: {  	v6 =	vadd.s32 v2, v4;
	v5 =	vld [tilespmem:s1+$0x20];
	_ =	sdelay $0x4  }
0x3c: {  	[tilespmem:v6+s16+$0x0] =	vst.idx.msk $0xffff, v5  }
0x3d: {  	v4 =	vadd.s32 v3, v4;
	v5 =	vld [tilespmem:s1+$0x30];
	_ =	sdelay $0x2  }
0x3e: {  	s12 =	simm.s32 $0x3  }
0x3f: {  	v6 =	vmov s12  }
0x40: {  	[tilespmem:v4+s16+$0x0] =	vst.idx.msk $0xffff, v5;
	v5 =	vand.u32 $0x7F, v6  }
0x41: {  	v4 =	vld [tilespmem:s1+$0x40];
	v6 =	vadd.s32 v0, v5;
	_ =	sdelay $0x4  }
0x42: {  	[tilespmem:v6+s16+$0x0] =	vst.idx.msk $0xffff, v4  }
0x43: {  	v6 =	vadd.s32 v1, v5;
	v4 =	vld [tilespmem:s1+$0x50];
	_ =	sdelay $0x4  }
0x44: {  	[tilespmem:v6+s16+$0x0] =	vst.idx.msk $0xffff, v4  }
0x45: {  	v6 =	vadd.s32 v2, v5;
	v4 =	vld [tilespmem:s1+$0x60];
	_ =	sdelay $0x4  }
0x46: {  	[tilespmem:v6+s16+$0x0] =	vst.idx.msk $0xffff, v4  }
0x47: {  	v5 =	vadd.s32 v3, v5;
	v4 =	vld [tilespmem:s1+$0x70];
	_ =	sdelay $0x2  }
0x48: {  	s0 =	simm.s32 $0x4  }
0x49: {  	s31 =	sshll.u32 s29, $0x2;
	s12 =	simm.s32 $0x8;
	v6 =	vmov s0  }
.LBB2_3:
0x4a: {  	p1 =	slt.u32 s12, $0x7C;
	v6 =	vand.u32 $0x7C, v6;
	[tilespmem:v5+s16+$0x0] =	vst.idx.msk $0xffff, v4;
	s1 =	sadd.s32 $0x100, s1  }
0x4b: {  	v4 =	vld [tilespmem:s1+$0xFFFFFF80];
	v5 =	vadd.s32 v0, v6;
	_ =	sdelay $0x4  }
0x4c: {  	[tilespmem:v5+s16+$0x0] =	vst.idx.msk $0xffff, v4  }
0x4d: {  	v5 =	vadd.s32 v1, v6;
	v4 =	vld [tilespmem:s1+$0xFFFFFF90];
	_ =	sdelay $0x4  }
0x4e: {  	[tilespmem:v5+s16+$0x0] =	vst.idx.msk $0xffff, v4  }
0x4f: {  	v5 =	vadd.s32 v2, v6;
	v4 =	vld [tilespmem:s1+$0xFFFFFFA0];
	_ =	sdelay $0x4  }
0x50: {  	[tilespmem:v5+s16+$0x0] =	vst.idx.msk $0xffff, v4  }
0x51: {  	v5 =	vadd.s32 v3, v6;
	v4 =	vld [tilespmem:s1+$0xFFFFFFB0];
	_ =	sdelay $0x2  }
0x52: {  	s6 =	sadd.s32 $0x1, s0  }
0x53: {  	v6 =	vmov s6  }
0x54: {  	[tilespmem:v5+s16+$0x0] =	vst.idx.msk $0xffff, v4;
	v4 =	vand.u32 $0x7D, v6  }
0x55: {  	v5 =	vld [tilespmem:s1+$0xFFFFFFC0];
	v6 =	vadd.s32 v0, v4;
	_ =	sdelay $0x4  }
0x56: {  	[tilespmem:v6+s16+$0x0] =	vst.idx.msk $0xffff, v5  }
0x57: {  	v6 =	vadd.s32 v1, v4;
	v5 =	vld [tilespmem:s1+$0xFFFFFFD0];
	_ =	sdelay $0x4  }
0x58: {  	[tilespmem:v6+s16+$0x0] =	vst.idx.msk $0xffff, v5  }
0x59: {  	v6 =	vadd.s32 v2, v4;
	v5 =	vld [tilespmem:s1+$0xFFFFFFE0];
	_ =	sdelay $0x4  }
0x5a: {  	[tilespmem:v6+s16+$0x0] =	vst.idx.msk $0xffff, v5  }
0x5b: {  	v4 =	vadd.s32 v3, v4;
	v5 =	vld [tilespmem:s1+$0xFFFFFFF0];
	_ =	sdelay $0x2  }
0x5c: {  	s6 =	sadd.s32 $0x2, s0  }
0x5d: {  	v6 =	vmov s6  }
0x5e: {  	[tilespmem:v4+s16+$0x0] =	vst.idx.msk $0xffff, v5;
	v4 =	vand.u32 $0x7E, v6  }
0x5f: {  	v5 =	vld [tilespmem:s1+$0x0];
	v6 =	vadd.s32 v0, v4;
	_ =	sdelay $0x4  }
0x60: {  	[tilespmem:v6+s16+$0x0] =	vst.idx.msk $0xffff, v5  }
0x61: {  	v6 =	vadd.s32 v1, v4;
	v5 =	vld [tilespmem:s1+$0x10];
	_ =	sdelay $0x4  }
0x62: {  	[tilespmem:v6+s16+$0x0] =	vst.idx.msk $0xffff, v5  }
0x63: {  	v6 =	vadd.s32 v2, v4;
	v5 =	vld [tilespmem:s1+$0x20];
	_ =	sdelay $0x4  }
0x64: {  	[tilespmem:v6+s16+$0x0] =	vst.idx.msk $0xffff, v5  }
0x65: {  	v4 =	vadd.s32 v3, v4;
	v5 =	vld [tilespmem:s1+$0x30];
	_ =	sdelay $0x2  }
0x66: {  	s6 =	sadd.s32 $0x3, s0;
	s0 =	smov.u32 s12  }
0x67: {  	v6 =	vmov s6  }
0x68: {  	[tilespmem:v4+s16+$0x0] =	vst.idx.msk $0xffff, v5;
	v5 =	vand.u32 $0x7F, v6  }
0x69: {  	v4 =	vld [tilespmem:s1+$0x40];
	v6 =	vadd.s32 v0, v5;
	_ =	sdelay $0x4  }
0x6a: {  	[tilespmem:v6+s16+$0x0] =	vst.idx.msk $0xffff, v4  }
0x6b: {  	v6 =	vadd.s32 v1, v5;
	v4 =	vld [tilespmem:s1+$0x50];
	_ =	sdelay $0x4  }
0x6c: {  	[tilespmem:v6+s16+$0x0] =	vst.idx.msk $0xffff, v4  }
0x6d: {  	v6 =	vadd.s32 v2, v5;
	v4 =	vld [tilespmem:s1+$0x60];
	_ =	sdelay $0x4  }
0x6e: {  	[tilespmem:v6+s16+$0x0] =	vst.idx.msk $0xffff, v4  }
.Ltmp0:
0x6f: {  	v5 =	vadd.s32 v3, v5;
	v4 =	vld [tilespmem:s1+$0x70];
	(pc) =	sbr.rel @p1 .LBB2_3-.Ltmp0, $2  }
0x70: {  	_ =	sdelay $0x2  }
0x71: {  	s12 =	sadd.s32 $0x4, s12;
	v6 =	vmov s0  }
0x72: {  	_ =	sdelay $0x3  }
0x73: {  	v6 =	vand.u32 $0x7C, v6;
	[tilespmem:v5+s16+$0x0] =	vst.idx.msk $0xffff, v4;
	s1 =	sadd.s32 $0x100, s1  }
0x74: {  	v4 =	vld [tilespmem:s1+$0xFFFFFF80];
	v5 =	vadd.s32 v0, v6;
	_ =	sdelay $0x4  }
0x75: {  	[tilespmem:v5+s16+$0x0] =	vst.idx.msk $0xffff, v4  }
0x76: {  	v5 =	vadd.s32 v1, v6;
	v4 =	vld [tilespmem:s1+$0xFFFFFF90];
	_ =	sdelay $0x4  }
0x77: {  	[tilespmem:v5+s16+$0x0] =	vst.idx.msk $0xffff, v4  }
0x78: {  	v5 =	vadd.s32 v2, v6;
	v4 =	vld [tilespmem:s1+$0xFFFFFFA0];
	_ =	sdelay $0x4  }
0x79: {  	[tilespmem:v5+s16+$0x0] =	vst.idx.msk $0xffff, v4  }
0x7a: {  	v5 =	vadd.s32 v3, v6;
	v4 =	vld [tilespmem:s1+$0xFFFFFFB0];
	_ =	sdelay $0x2  }
0x7b: {  	s6 =	sadd.s32 $0x1, s0  }
0x7c: {  	v55 =	vmov s6  }
0x7d: {  	[tilespmem:v5+s16+$0x0] =	vst.idx.msk $0xffff, v4;
	v4 =	vand.u32 $0x7D, v55  }
0x7e: {  	v5 =	vld [tilespmem:s1+$0xFFFFFFC0];
	v6 =	vadd.s32 v0, v4;
	_ =	sdelay $0x4  }
0x7f: {  	[tilespmem:v6+s16+$0x0] =	vst.idx.msk $0xffff, v5  }
0x80: {  	v56 =	vadd.s32 v1, v4;
	v5 =	vld [tilespmem:s1+$0xFFFFFFD0];
	_ =	sdelay $0x4  }
0x81: {  	[tilespmem:v56+s16+$0x0] =	vst.idx.msk $0xffff, v5  }
0x82: {  	v57 =	vadd.s32 v2, v4;
	v5 =	vld [tilespmem:s1+$0xFFFFFFE0];
	_ =	sdelay $0x4  }
0x83: {  	[tilespmem:v57+s16+$0x0] =	vst.idx.msk $0xffff, v5  }
0x84: {  	v4 =	vadd.s32 v3, v4;
	v5 =	vld [tilespmem:s1+$0xFFFFFFF0];
	_ =	sdelay $0x2  }
0x85: {  	s12 =	sadd.s32 $0x2, s0  }
0x86: {  	v58 =	vmov s12  }
0x87: {  	[tilespmem:v4+s16+$0x0] =	vst.idx.msk $0xffff, v5;
	v4 =	vand.u32 $0x7E, v58  }
0x88: {  	v5 =	vld [tilespmem:s1+$0x0];
	v6 =	vadd.s32 v0, v4;
	_ =	sdelay $0x4  }
0x89: {  	[tilespmem:v6+s16+$0x0] =	vst.idx.msk $0xffff, v5  }
0x8a: {  	v59 =	vadd.s32 v1, v4;
	v5 =	vld [tilespmem:s1+$0x10];
	_ =	sdelay $0x4  }
0x8b: {  	[tilespmem:v59+s16+$0x0] =	vst.idx.msk $0xffff, v5  }
0x8c: {  	v60 =	vadd.s32 v2, v4;
	v5 =	vld [tilespmem:s1+$0x20];
	_ =	sdelay $0x4  }
0x8d: {  	[tilespmem:v60+s16+$0x0] =	vst.idx.msk $0xffff, v5  }
0x8e: {  	v4 =	vadd.s32 v3, v4;
	v5 =	vld [tilespmem:s1+$0x30];
	_ =	sdelay $0x2  }
0x8f: {  	s6 =	sadd.s32 $0x3, s0  }
0x90: {  	v61 =	vmov s6  }
0x91: {  	[tilespmem:v4+s16+$0x0] =	vst.idx.msk $0xffff, v5;
	v4 =	vand.u32 $0x7F, v61  }
0x92: {  	v5 =	vld [tilespmem:s1+$0x40];
	v6 =	vadd.s32 v0, v4;
	_ =	sdelay $0x4  }
0x93: {  	[tilespmem:v6+s16+$0x0] =	vst.idx.msk $0xffff, v5  }
0x94: {  	v62 =	vadd.s32 v1, v4;
	v5 =	vld [tilespmem:s1+$0x50];
	_ =	sdelay $0x4  }
0x95: {  	[tilespmem:v62+s16+$0x0] =	vst.idx.msk $0xffff, v5  }
0x96: {  	v63 =	vadd.s32 v2, v4;
	v5 =	vld [tilespmem:s1+$0x60];
	_ =	sdelay $0x4  }
0x97: {  	[tilespmem:v63+s16+$0x0] =	vst.idx.msk $0xffff, v5  }
0x98: {  	v4 =	vadd.s32 v3, v4;
	v5 =	vld [tilespmem:s1+$0x70]  }
0x99: {  	s7 =	sadd.s32 s5, s31  }
0x9a: {  	s8 =	sshll.u32 s7, $0x7  }
0x9b: {  	s0 =	sshll.u32 s7, $0xA;
	s1 =	sand.u32 $0x3E00, s8  }
0x9c: {  	s0 =	sand.u32 $0xFFE0000, s0;
	s1 =	sadd.s32 s2, s1  }
0x9d: {  	s12 =	simm.s32 $0xE400;
	s1 =	sadd.s32 s0, s1;
	[tilespmem:v4+s16+$0x0] =	vst.idx.msk $0xffff, v5  }
0x9e: {  	[hbm4b:s1+s3] =	stream.linear.scatter [tilespmem:s12], [sflag:$0x5], $0x80, $0x38;
	[tilespmem:$0x16C00] =	vst v63  }
0x9f: {  	s6 =	simm.s32 $0xE488;
	s7 =	sadd.s32 $0x10, s1  }
0xa0: {  	[hbm4b:s7+s3] =	stream.linear.scatter [tilespmem:s6], [sflag:$0x5], $0x80, $0x38;
	[tilespmem:$0x16C00] =	vst v63  }
0xa1: {  	s8 =	simm.s32 $0xE510;
	s12 =	sadd.s32 $0x20, s1  }
0xa2: {  	[hbm4b:s12+s3] =	stream.linear.scatter [tilespmem:s8], [sflag:$0x5], $0x80, $0x38;
	[tilespmem:$0x16C00] =	vst v63  }
0xa3: {  	s6 =	simm.s32 $0xE598;
	s7 =	sadd.s32 $0x30, s1  }
0xa4: {  	[hbm4b:s7+s3] =	stream.linear.scatter [tilespmem:s6], [sflag:$0x5], $0x80, $0x38;
	[tilespmem:$0x16C00] =	vst v63  }
0xa5: {  	s8 =	simm.s32 $0xE620;
	s12 =	sadd.s32 $0x40, s1  }
0xa6: {  	[hbm4b:s12+s3] =	stream.linear.scatter [tilespmem:s8], [sflag:$0x5], $0x80, $0x38;
	[tilespmem:$0x16C00] =	vst v63  }
0xa7: {  	s0 =	simm.s32 $0x440;
	s6 =	simm.s32 $0xE6A8;
	s7 =	sadd.s32 $0x50, s1  }
0xa8: {  	[hbm4b:s7+s3] =	stream.linear.scatter [tilespmem:s6], [sflag:$0x5], $0x80, $0x38;
	[tilespmem:$0x16C00] =	vst v63  }
0xa9: {  	s8 =	simm.s32 $0xE730;
	s12 =	sadd.s32 $0x60, s1;
	s6 =	simm.s32 $0x2200  }
0xaa: {  	[hbm4b:s12+s3] =	stream.linear.scatter [tilespmem:s8], [sflag:$0x5], $0x80, $0x38;
	[tilespmem:$0x16C00] =	vst v63  }
0xab: {  	s7 =	sadd.s32 $0x70, s1;
	s1 =	sadd.s32 $0x4000, s1;
	s12 =	simm.s32 $0xE7B8  }
.LBB2_5:
0xac: {  	[hbm4b:s7+s3] =	stream.linear.scatter [tilespmem:s12], [sflag:$0x5], $0x80, $0x38;
	[tilespmem:$0x16C00] =	vst v63  }
0xad: {  	s7 =	smov.u32 s0;
	s0 =	smov.u32 s6  }
0xae: {  	s8 =	sadd.s32 $0x1100, s6;
	s0 =	sshra.s32 s0, $0x2;
	s12 =	sadd.s32 $0xE400, s7  }
0xaf: {  	[hbm4b:s1+s3] =	stream.linear.scatter [tilespmem:s12], [sflag:$0x5], $0x80, $0x38;
	[tilespmem:$0x16C00] =	vst v63  }
0xb0: {  	p1 =	sne.s32 s6, $0x7700;
	s6 =	sadd.s32 $0xE488, s7;
	s12 =	sadd.s32 $0x10, s1  }
0xb1: {  	[hbm4b:s12+s3] =	stream.linear.scatter [tilespmem:s6], [sflag:$0x5], $0x80, $0x38;
	[tilespmem:$0x16C00] =	vst v63  }
0xb2: {  	s6 =	sadd.s32 $0xE510, s7;
	s12 =	sadd.s32 $0x20, s1  }
0xb3: {  	[hbm4b:s12+s3] =	stream.linear.scatter [tilespmem:s6], [sflag:$0x5], $0x80, $0x38;
	[tilespmem:$0x16C00] =	vst v63  }
0xb4: {  	s6 =	sadd.s32 $0xE598, s7;
	s12 =	sadd.s32 $0x30, s1  }
0xb5: {  	[hbm4b:s12+s3] =	stream.linear.scatter [tilespmem:s6], [sflag:$0x5], $0x80, $0x38;
	[tilespmem:$0x16C00] =	vst v63  }
0xb6: {  	s6 =	sadd.s32 $0xE620, s7;
	s12 =	sadd.s32 $0x40, s1  }
0xb7: {  	[hbm4b:s12+s3] =	stream.linear.scatter [tilespmem:s6], [sflag:$0x5], $0x80, $0x38;
	[tilespmem:$0x16C00] =	vst v63  }
0xb8: {  	s6 =	sadd.s32 $0xE6A8, s7;
	s12 =	sadd.s32 $0x50, s1  }
0xb9: {  	[hbm4b:s12+s3] =	stream.linear.scatter [tilespmem:s6], [sflag:$0x5], $0x80, $0x38;
	[tilespmem:$0x16C00] =	vst v63  }
.Ltmp1:
0xba: {  	_ = 	snop;
	(pc) =	sbr.rel @p1 .LBB2_5-.Ltmp1, $4  }
0xbb: {  	s6 =	sadd.s32 $0xE730, s7;
	s12 =	sadd.s32 $0x60, s1  }
0xbc: {  	[hbm4b:s12+s3] =	stream.linear.scatter [tilespmem:s6], [sflag:$0x5], $0x80, $0x38;
	[tilespmem:$0x16C00] =	vst v63  }
0xbd: {  	s12 =	sadd.s32 $0xE7B8, s7  }
0xbe: {  	s7 =	sadd.s32 $0x70, s1;
	s1 =	sadd.s32 $0x4000, s1;
	s6 =	smov.u32 s8  }
0xbf: {  	[hbm4b:s7+s3] =	stream.linear.scatter [tilespmem:s12], [sflag:$0x5], $0x80, $0x38;
	[tilespmem:$0x16C00] =	vst v63  }
0xc0: {  	s6 =	sadd.s32 $0xE400, s0  }
0xc1: {  	[hbm4b:s1+s3] =	stream.linear.scatter [tilespmem:s6], [sflag:$0x5], $0x80, $0x38;
	[tilespmem:$0x16C00] =	vst v63  }
0xc2: {  	s8 =	sadd.s32 $0xE488, s0;
	s12 =	sadd.s32 $0x10, s1  }
0xc3: {  	[hbm4b:s12+s3] =	stream.linear.scatter [tilespmem:s8], [sflag:$0x5], $0x80, $0x38;
	[tilespmem:$0x16C00] =	vst v63  }
0xc4: {  	s8 =	sadd.s32 $0xE510, s0;
	s12 =	sadd.s32 $0x20, s1  }
0xc5: {  	[hbm4b:s12+s3] =	stream.linear.scatter [tilespmem:s8], [sflag:$0x5], $0x80, $0x38;
	[tilespmem:$0x16C00] =	vst v63  }
0xc6: {  	s8 =	sadd.s32 $0xE598, s0;
	s12 =	sadd.s32 $0x30, s1  }
0xc7: {  	[hbm4b:s12+s3] =	stream.linear.scatter [tilespmem:s8], [sflag:$0x5], $0x80, $0x38;
	[tilespmem:$0x16C00] =	vst v63  }
0xc8: {  	s8 =	sadd.s32 $0xE620, s0;
	s12 =	sadd.s32 $0x40, s1  }
0xc9: {  	[hbm4b:s12+s3] =	stream.linear.scatter [tilespmem:s8], [sflag:$0x5], $0x80, $0x38;
	[tilespmem:$0x16C00] =	vst v63  }
0xca: {  	p1 =	sne.s32 s29, $0x31;
	s8 =	sadd.s32 $0xE6A8, s0;
	s12 =	sadd.s32 $0x50, s1  }
0xcb: {  	[hbm4b:s12+s3] =	stream.linear.scatter [tilespmem:s8], [sflag:$0x5], $0x80, $0x38;
	[tilespmem:$0x16C00] =	vst v63  }
.Ltmp2:
0xcc: {  	_ = 	snop;
	(pc) =	sbr.rel @p1 .LBB2_8-.Ltmp2, $4  }
0xcd: {  	s8 =	sadd.s32 $0xE730, s0;
	s12 =	sadd.s32 $0x60, s1  }
0xce: {  	[hbm4b:s12+s3] =	stream.linear.scatter [tilespmem:s8], [sflag:$0x5], $0x80, $0x38;
	[tilespmem:$0x16C00] =	vst v63  }
0xcf: {  	s8 =	sadd.s32 $0xE7B8, s0;
	s12 =	sadd.s32 $0x70, s1  }
0xd0: {  	[hbm4b:s12+s3] =	stream.linear.scatter [tilespmem:s8], [sflag:$0x5], $0x80, $0x38;
	[tilespmem:$0x16C00] =	vst v63  }
.Ltmp3:
0xd1: {  	(pc) =	sbr.rel .LBB2_9-.Ltmp3, $4  }
0xd2: {  	_ = 	snop  }
0xd3: {  	_ =	swait.ge [sflag:s17], $0x2000  }
0xd4: {  	[sflag:s17] =	ssyncset.done $0x0  }
0xd5: {  	[sflag:s17] =	ssyncadd.s32 $0xFFFFE000  }
.LBB2_8:
0xd6: {  	s0 =	sshll.u32 s29, $0x9  }
0xd7: {  	s0 =	sand.u32 $0x3FFFFE00, s0  }
.Ltmp4:
0xd8: {  	s0 =	sadd.s32 $0x200, s0;
	(pc) =	sbr.rel @p0 .LBB2_10-.Ltmp4, $4  }
0xd9: {  	[tilespmem:s10], [sflag:$0x1] =	stream.indirect.gather [hbm4b:s4+s9], $0x40, s0, s9, $0xb8;
	[tilespmem:$0x16C00] =	vst v63  }
0xda: {  	_ =	swait.ge [sflag:s17], $0x2000  }
0xdb: {  	[sflag:s17] =	ssyncset.done $0x0  }
0xdc: {  	[sflag:s17] =	ssyncadd.s32 $0xFFFFE000  }
.LBB2_9:
0xdd: {  	_ =	swait.ge [sflag:s18], $0x2000  }
0xde: {  	[sflag:s18] =	ssyncset.done $0x0  }
0xdf: {  	[sflag:s18] =	ssyncadd.s32 $0xFFFFE000  }
.LBB2_10:
0xe0: {  	s0 =	simm.s32 $0x0  }
0xe1: {  	v4 =	vmov s0  }
0xe2: {  	s0 =	simm.s32 $0x84F0;
	v4 =	vand.u32 $0x7C, v4  }
0xe3: {  	v5 =	vld [tilespmem:s0+$0xFFFFFF10];
	v6 =	vadd.s32 v0, v4;
	_ =	sdelay $0x4  }
0xe4: {  	[tilespmem:v6+s19+$0x0] =	vst.idx.msk $0xffff, v5  }
0xe5: {  	v6 =	vadd.s32 v1, v4;
	v5 =	vld [tilespmem:s0+$0xFFFFFF20];
	_ =	sdelay $0x4  }
0xe6: {  	[tilespmem:v6+s19+$0x0] =	vst.idx.msk $0xffff, v5  }
0xe7: {  	v6 =	vadd.s32 v2, v4;
	v5 =	vld [tilespmem:s0+$0xFFFFFF30];
	_ =	sdelay $0x4  }
0xe8: {  	[tilespmem:v6+s19+$0x0] =	vst.idx.msk $0xffff, v5  }
0xe9: {  	v4 =	vadd.s32 v3, v4;
	v5 =	vld [tilespmem:s0+$0xFFFFFF40];
	_ =	sdelay $0x2  }
0xea: {  	s1 =	simm.s32 $0x1  }
0xeb: {  	v6 =	vmov s1  }
0xec: {  	[tilespmem:v4+s19+$0x0] =	vst.idx.msk $0xffff, v5;
	v4 =	vand.u32 $0x7D, v6  }
0xed: {  	v5 =	vld [tilespmem:s0+$0xFFFFFF50];
	v6 =	vadd.s32 v0, v4;
	_ =	sdelay $0x4  }
0xee: {  	[tilespmem:v6+s19+$0x0] =	vst.idx.msk $0xffff, v5  }
0xef: {  	v6 =	vadd.s32 v1, v4;
	v5 =	vld [tilespmem:s0+$0xFFFFFF60];
	_ =	sdelay $0x4  }
0xf0: {  	[tilespmem:v6+s19+$0x0] =	vst.idx.msk $0xffff, v5  }
0xf1: {  	v6 =	vadd.s32 v2, v4;
	v5 =	vld [tilespmem:s0+$0xFFFFFF70];
	_ =	sdelay $0x4  }
0xf2: {  	[tilespmem:v6+s19+$0x0] =	vst.idx.msk $0xffff, v5  }
0xf3: {  	v4 =	vadd.s32 v3, v4;
	v5 =	vld [tilespmem:s0+$0xFFFFFF80];
	_ =	sdelay $0x2  }
0xf4: {  	s8 =	simm.s32 $0x2  }
0xf5: {  	v6 =	vmov s8  }
0xf6: {  	[tilespmem:v4+s19+$0x0] =	vst.idx.msk $0xffff, v5;
	v4 =	vand.u32 $0x7E, v6  }
0xf7: {  	v5 =	vld [tilespmem:s0+$0xFFFFFF90];
	v6 =	vadd.s32 v0, v4;
	_ =	sdelay $0x4  }
0xf8: {  	[tilespmem:v6+s19+$0x0] =	vst.idx.msk $0xffff, v5  }
0xf9: {  	v6 =	vadd.s32 v1, v4;
	v5 =	vld [tilespmem:s0+$0xFFFFFFA0];
	_ =	sdelay $0x4  }
0xfa: {  	[tilespmem:v6+s19+$0x0] =	vst.idx.msk $0xffff, v5  }
0xfb: {  	v6 =	vadd.s32 v2, v4;
	v5 =	vld [tilespmem:s0+$0xFFFFFFB0];
	_ =	sdelay $0x4  }
0xfc: {  	[tilespmem:v6+s19+$0x0] =	vst.idx.msk $0xffff, v5  }
0xfd: {  	v4 =	vadd.s32 v3, v4;
	v5 =	vld [tilespmem:s0+$0xFFFFFFC0];
	_ =	sdelay $0x2  }
0xfe: {  	s12 =	simm.s32 $0x3  }
0xff: {  	v6 =	vmov s12  }
0x100: {  	[tilespmem:v4+s19+$0x0] =	vst.idx.msk $0xffff, v5;
	v5 =	vand.u32 $0x7F, v6  }
0x101: {  	v4 =	vld [tilespmem:s0+$0xFFFFFFD0];
	v6 =	vadd.s32 v0, v5;
	_ =	sdelay $0x4  }
0x102: {  	[tilespmem:v6+s19+$0x0] =	vst.idx.msk $0xffff, v4  }
0x103: {  	v6 =	vadd.s32 v1, v5;
	v4 =	vld [tilespmem:s0+$0xFFFFFFE0];
	_ =	sdelay $0x4  }
0x104: {  	[tilespmem:v6+s19+$0x0] =	vst.idx.msk $0xffff, v4  }
0x105: {  	v6 =	vadd.s32 v2, v5;
	v4 =	vld [tilespmem:s0+$0xFFFFFFF0];
	_ =	sdelay $0x4  }
0x106: {  	[tilespmem:v6+s19+$0x0] =	vst.idx.msk $0xffff, v4  }
0x107: {  	v5 =	vadd.s32 v3, v5;
	v4 =	vld [tilespmem:s0+$0x0];
	_ =	sdelay $0x2  }
0x108: {  	s12 =	simm.s32 $0x4  }
0x109: {  	s6 =	simm.s32 $0x8;
	s1 =	sor.u32 $0x1, s31;
	v6 =	vmov s12  }
.LBB2_11:
0x10a: {  	p2 =	slt.u32 s6, $0x7C;
	v6 =	vand.u32 $0x7C, v6;
	[tilespmem:v5+s19+$0x0] =	vst.idx.msk $0xffff, v4;
	s0 =	sadd.s32 $0x100, s0  }
0x10b: {  	v4 =	vld [tilespmem:s0+$0xFFFFFF10];
	v5 =	vadd.s32 v0, v6;
	_ =	sdelay $0x4  }
0x10c: {  	[tilespmem:v5+s19+$0x0] =	vst.idx.msk $0xffff, v4  }
0x10d: {  	v5 =	vadd.s32 v1, v6;
	v4 =	vld [tilespmem:s0+$0xFFFFFF20];
	_ =	sdelay $0x4  }
0x10e: {  	[tilespmem:v5+s19+$0x0] =	vst.idx.msk $0xffff, v4  }
0x10f: {  	v5 =	vadd.s32 v2, v6;
	v4 =	vld [tilespmem:s0+$0xFFFFFF30];
	_ =	sdelay $0x4  }
0x110: {  	[tilespmem:v5+s19+$0x0] =	vst.idx.msk $0xffff, v4  }
0x111: {  	v5 =	vadd.s32 v3, v6;
	v4 =	vld [tilespmem:s0+$0xFFFFFF40];
	_ =	sdelay $0x2  }
0x112: {  	s7 =	sadd.s32 $0x1, s12  }
0x113: {  	v6 =	vmov s7  }
0x114: {  	[tilespmem:v5+s19+$0x0] =	vst.idx.msk $0xffff, v4;
	v4 =	vand.u32 $0x7D, v6  }
0x115: {  	v5 =	vld [tilespmem:s0+$0xFFFFFF50];
	v6 =	vadd.s32 v0, v4;
	_ =	sdelay $0x4  }
0x116: {  	[tilespmem:v6+s19+$0x0] =	vst.idx.msk $0xffff, v5  }
0x117: {  	v6 =	vadd.s32 v1, v4;
	v5 =	vld [tilespmem:s0+$0xFFFFFF60];
	_ =	sdelay $0x4  }
0x118: {  	[tilespmem:v6+s19+$0x0] =	vst.idx.msk $0xffff, v5  }
0x119: {  	v6 =	vadd.s32 v2, v4;
	v5 =	vld [tilespmem:s0+$0xFFFFFF70];
	_ =	sdelay $0x4  }
0x11a: {  	[tilespmem:v6+s19+$0x0] =	vst.idx.msk $0xffff, v5  }
0x11b: {  	v4 =	vadd.s32 v3, v4;
	v5 =	vld [tilespmem:s0+$0xFFFFFF80];
	_ =	sdelay $0x2  }
0x11c: {  	s7 =	sadd.s32 $0x2, s12  }
0x11d: {  	v6 =	vmov s7  }
0x11e: {  	[tilespmem:v4+s19+$0x0] =	vst.idx.msk $0xffff, v5;
	v4 =	vand.u32 $0x7E, v6  }
0x11f: {  	v5 =	vld [tilespmem:s0+$0xFFFFFF90];
	v6 =	vadd.s32 v0, v4;
	_ =	sdelay $0x4  }
0x120: {  	[tilespmem:v6+s19+$0x0] =	vst.idx.msk $0xffff, v5  }
0x121: {  	v6 =	vadd.s32 v1, v4;
	v5 =	vld [tilespmem:s0+$0xFFFFFFA0];
	_ =	sdelay $0x4  }
0x122: {  	[tilespmem:v6+s19+$0x0] =	vst.idx.msk $0xffff, v5  }
0x123: {  	v6 =	vadd.s32 v2, v4;
	v5 =	vld [tilespmem:s0+$0xFFFFFFB0];
	_ =	sdelay $0x4  }
0x124: {  	[tilespmem:v6+s19+$0x0] =	vst.idx.msk $0xffff, v5  }
0x125: {  	v4 =	vadd.s32 v3, v4;
	v5 =	vld [tilespmem:s0+$0xFFFFFFC0];
	_ =	sdelay $0x2  }
0x126: {  	s7 =	sadd.s32 $0x3, s12;
	s12 =	smov.u32 s6  }
0x127: {  	v6 =	vmov s7  }
0x128: {  	[tilespmem:v4+s19+$0x0] =	vst.idx.msk $0xffff, v5;
	v5 =	vand.u32 $0x7F, v6  }
0x129: {  	v4 =	vld [tilespmem:s0+$0xFFFFFFD0];
	v6 =	vadd.s32 v0, v5;
	_ =	sdelay $0x4  }
0x12a: {  	[tilespmem:v6+s19+$0x0] =	vst.idx.msk $0xffff, v4  }
0x12b: {  	v6 =	vadd.s32 v1, v5;
	v4 =	vld [tilespmem:s0+$0xFFFFFFE0];
	_ =	sdelay $0x4  }
0x12c: {  	[tilespmem:v6+s19+$0x0] =	vst.idx.msk $0xffff, v4  }
0x12d: {  	v6 =	vadd.s32 v2, v5;
	v4 =	vld [tilespmem:s0+$0xFFFFFFF0];
	_ =	sdelay $0x4  }
0x12e: {  	[tilespmem:v6+s19+$0x0] =	vst.idx.msk $0xffff, v4  }
.Ltmp5:
0x12f: {  	v5 =	vadd.s32 v3, v5;
	v4 =	vld [tilespmem:s0+$0x0];
	(pc) =	sbr.rel @p2 .LBB2_11-.Ltmp5, $2  }
0x130: {  	_ =	sdelay $0x2  }
0x131: {  	s6 =	sadd.s32 $0x4, s6;
	v6 =	vmov s12  }
0x132: {  	_ =	sdelay $0x3  }
0x133: {  	v6 =	vand.u32 $0x7C, v6;
	[tilespmem:v5+s19+$0x0] =	vst.idx.msk $0xffff, v4;
	s0 =	sadd.s32 $0x100, s0  }
0x134: {  	v4 =	vld [tilespmem:s0+$0xFFFFFF10];
	v5 =	vadd.s32 v0, v6;
	_ =	sdelay $0x4  }
0x135: {  	[tilespmem:v5+s19+$0x0] =	vst.idx.msk $0xffff, v4  }
0x136: {  	v5 =	vadd.s32 v1, v6;
	v4 =	vld [tilespmem:s0+$0xFFFFFF20];
	_ =	sdelay $0x4  }
0x137: {  	[tilespmem:v5+s19+$0x0] =	vst.idx.msk $0xffff, v4  }
0x138: {  	v5 =	vadd.s32 v2, v6;
	v4 =	vld [tilespmem:s0+$0xFFFFFF30];
	_ =	sdelay $0x4  }
0x139: {  	[tilespmem:v5+s19+$0x0] =	vst.idx.msk $0xffff, v4  }
0x13a: {  	v5 =	vadd.s32 v3, v6;
	v4 =	vld [tilespmem:s0+$0xFFFFFF40];
	_ =	sdelay $0x2  }
0x13b: {  	s6 =	sadd.s32 $0x1, s12  }
0x13c: {  	v55 =	vmov s6  }
0x13d: {  	[tilespmem:v5+s19+$0x0] =	vst.idx.msk $0xffff, v4;
	v4 =	vand.u32 $0x7D, v55  }
0x13e: {  	v5 =	vld [tilespmem:s0+$0xFFFFFF50];
	v6 =	vadd.s32 v0, v4;
	_ =	sdelay $0x4  }
0x13f: {  	[tilespmem:v6+s19+$0x0] =	vst.idx.msk $0xffff, v5  }
0x140: {  	v56 =	vadd.s32 v1, v4;
	v5 =	vld [tilespmem:s0+$0xFFFFFF60];
	_ =	sdelay $0x4  }
0x141: {  	[tilespmem:v56+s19+$0x0] =	vst.idx.msk $0xffff, v5  }
0x142: {  	v57 =	vadd.s32 v2, v4;
	v5 =	vld [tilespmem:s0+$0xFFFFFF70];
	_ =	sdelay $0x4  }
0x143: {  	[tilespmem:v57+s19+$0x0] =	vst.idx.msk $0xffff, v5  }
0x144: {  	v4 =	vadd.s32 v3, v4;
	v5 =	vld [tilespmem:s0+$0xFFFFFF80];
	_ =	sdelay $0x2  }
0x145: {  	s8 =	sadd.s32 $0x2, s12  }
0x146: {  	v58 =	vmov s8  }
0x147: {  	[tilespmem:v4+s19+$0x0] =	vst.idx.msk $0xffff, v5;
	v4 =	vand.u32 $0x7E, v58  }
0x148: {  	v5 =	vld [tilespmem:s0+$0xFFFFFF90];
	v6 =	vadd.s32 v0, v4;
	_ =	sdelay $0x4  }
0x149: {  	[tilespmem:v6+s19+$0x0] =	vst.idx.msk $0xffff, v5  }
0x14a: {  	v59 =	vadd.s32 v1, v4;
	v5 =	vld [tilespmem:s0+$0xFFFFFFA0];
	_ =	sdelay $0x4  }
0x14b: {  	[tilespmem:v59+s19+$0x0] =	vst.idx.msk $0xffff, v5  }
0x14c: {  	v60 =	vadd.s32 v2, v4;
	v5 =	vld [tilespmem:s0+$0xFFFFFFB0];
	_ =	sdelay $0x4  }
0x14d: {  	[tilespmem:v60+s19+$0x0] =	vst.idx.msk $0xffff, v5  }
0x14e: {  	v4 =	vadd.s32 v3, v4;
	v5 =	vld [tilespmem:s0+$0xFFFFFFC0];
	_ =	sdelay $0x2  }
0x14f: {  	s7 =	sadd.s32 $0x3, s12  }
0x150: {  	v61 =	vmov s7  }
0x151: {  	[tilespmem:v4+s19+$0x0] =	vst.idx.msk $0xffff, v5;
	v4 =	vand.u32 $0x7F, v61  }
0x152: {  	v5 =	vld [tilespmem:s0+$0xFFFFFFD0];
	v6 =	vadd.s32 v0, v4;
	_ =	sdelay $0x4  }
0x153: {  	[tilespmem:v6+s19+$0x0] =	vst.idx.msk $0xffff, v5  }
0x154: {  	v62 =	vadd.s32 v1, v4;
	v5 =	vld [tilespmem:s0+$0xFFFFFFE0];
	_ =	sdelay $0x4  }
0x155: {  	[tilespmem:v62+s19+$0x0] =	vst.idx.msk $0xffff, v5  }
0x156: {  	v63 =	vadd.s32 v2, v4;
	v5 =	vld [tilespmem:s0+$0xFFFFFFF0];
	_ =	sdelay $0x4  }
0x157: {  	[tilespmem:v63+s19+$0x0] =	vst.idx.msk $0xffff, v5  }
0x158: {  	v4 =	vadd.s32 v3, v4;
	v5 =	vld [tilespmem:s0+$0x0]  }
0x159: {  	s8 =	sadd.s32 s5, s1  }
0x15a: {  	s1 =	sshll.u32 s8, $0x7  }
0x15b: {  	s1 =	sand.u32 $0x3E80, s1;
	s0 =	sshll.u32 s8, $0xA  }
0x15c: {  	s1 =	sadd.s32 s2, s1;
	s0 =	sand.u32 $0xFFE0000, s0  }
0x15d: {  	s12 =	simm.s32 $0x10600;
	s1 =	sadd.s32 s0, s1;
	[tilespmem:v4+s19+$0x0] =	vst.idx.msk $0xffff, v5  }
0x15e: {  	[hbm4b:s1+s3] =	stream.linear.scatter [tilespmem:s12], [sflag:$0x6], $0x80, $0x38;
	[tilespmem:$0x16C00] =	vst v63  }
0x15f: {  	s6 =	simm.s32 $0x10688;
	s7 =	sadd.s32 $0x10, s1  }
0x160: {  	[hbm4b:s7+s3] =	stream.linear.scatter [tilespmem:s6], [sflag:$0x6], $0x80, $0x38;
	[tilespmem:$0x16C00] =	vst v63  }
0x161: {  	s8 =	simm.s32 $0x10710;
	s12 =	sadd.s32 $0x20, s1  }
0x162: {  	[hbm4b:s12+s3] =	stream.linear.scatter [tilespmem:s8], [sflag:$0x6], $0x80, $0x38;
	[tilespmem:$0x16C00] =	vst v63  }
0x163: {  	s6 =	simm.s32 $0x10798;
	s7 =	sadd.s32 $0x30, s1  }
0x164: {  	[hbm4b:s7+s3] =	stream.linear.scatter [tilespmem:s6], [sflag:$0x6], $0x80, $0x38;
	[tilespmem:$0x16C00] =	vst v63  }
0x165: {  	s8 =	simm.s32 $0x10820;
	s12 =	sadd.s32 $0x40, s1  }
0x166: {  	[hbm4b:s12+s3] =	stream.linear.scatter [tilespmem:s8], [sflag:$0x6], $0x80, $0x38;
	[tilespmem:$0x16C00] =	vst v63  }
0x167: {  	s0 =	simm.s32 $0x440;
	s6 =	simm.s32 $0x108A8;
	s7 =	sadd.s32 $0x50, s1  }
0x168: {  	[hbm4b:s7+s3] =	stream.linear.scatter [tilespmem:s6], [sflag:$0x6], $0x80, $0x38;
	[tilespmem:$0x16C00] =	vst v63  }
0x169: {  	s8 =	simm.s32 $0x10930;
	s12 =	sadd.s32 $0x60, s1;
	s6 =	simm.s32 $0x2200  }
0x16a: {  	[hbm4b:s12+s3] =	stream.linear.scatter [tilespmem:s8], [sflag:$0x6], $0x80, $0x38;
	[tilespmem:$0x16C00] =	vst v63  }
0x16b: {  	s7 =	sadd.s32 $0x70, s1;
	s1 =	sadd.s32 $0x4000, s1;
	s12 =	simm.s32 $0x109B8  }
.LBB2_13:
0x16c: {  	[hbm4b:s7+s3] =	stream.linear.scatter [tilespmem:s12], [sflag:$0x6], $0x80, $0x38;
	[tilespmem:$0x16C00] =	vst v63  }
0x16d: {  	s7 =	smov.u32 s0;
	s0 =	smov.u32 s6  }
0x16e: {  	s8 =	sadd.s32 $0x1100, s6;
	s0 =	sshra.s32 s0, $0x2;
	s12 =	sadd.s32 $0x10600, s7  }
0x16f: {  	[hbm4b:s1+s3] =	stream.linear.scatter [tilespmem:s12], [sflag:$0x6], $0x80, $0x38;
	[tilespmem:$0x16C00] =	vst v63  }
0x170: {  	p2 =	sne.s32 s6, $0x7700;
	s6 =	sadd.s32 $0x10688, s7;
	s12 =	sadd.s32 $0x10, s1  }
0x171: {  	[hbm4b:s12+s3] =	stream.linear.scatter [tilespmem:s6], [sflag:$0x6], $0x80, $0x38;
	[tilespmem:$0x16C00] =	vst v63  }
0x172: {  	s6 =	sadd.s32 $0x10710, s7;
	s12 =	sadd.s32 $0x20, s1  }
0x173: {  	[hbm4b:s12+s3] =	stream.linear.scatter [tilespmem:s6], [sflag:$0x6], $0x80, $0x38;
	[tilespmem:$0x16C00] =	vst v63  }
0x174: {  	s6 =	sadd.s32 $0x10798, s7;
	s12 =	sadd.s32 $0x30, s1  }
0x175: {  	[hbm4b:s12+s3] =	stream.linear.scatter [tilespmem:s6], [sflag:$0x6], $0x80, $0x38;
	[tilespmem:$0x16C00] =	vst v63  }
0x176: {  	s6 =	sadd.s32 $0x10820, s7;
	s12 =	sadd.s32 $0x40, s1  }
0x177: {  	[hbm4b:s12+s3] =	stream.linear.scatter [tilespmem:s6], [sflag:$0x6], $0x80, $0x38;
	[tilespmem:$0x16C00] =	vst v63  }
0x178: {  	s6 =	sadd.s32 $0x108A8, s7;
	s12 =	sadd.s32 $0x50, s1  }
0x179: {  	[hbm4b:s12+s3] =	stream.linear.scatter [tilespmem:s6], [sflag:$0x6], $0x80, $0x38;
	[tilespmem:$0x16C00] =	vst v63  }
.Ltmp6:
0x17a: {  	_ = 	snop;
	(pc) =	sbr.rel @p2 .LBB2_13-.Ltmp6, $4  }
0x17b: {  	s6 =	sadd.s32 $0x10930, s7;
	s12 =	sadd.s32 $0x60, s1  }
0x17c: {  	[hbm4b:s12+s3] =	stream.linear.scatter [tilespmem:s6], [sflag:$0x6], $0x80, $0x38;
	[tilespmem:$0x16C00] =	vst v63  }
0x17d: {  	s12 =	sadd.s32 $0x109B8, s7  }
0x17e: {  	s7 =	sadd.s32 $0x70, s1;
	s1 =	sadd.s32 $0x4000, s1;
	s6 =	smov.u32 s8  }
0x17f: {  	[hbm4b:s7+s3] =	stream.linear.scatter [tilespmem:s12], [sflag:$0x6], $0x80, $0x38;
	[tilespmem:$0x16C00] =	vst v63  }
0x180: {  	s6 =	sadd.s32 $0x10600, s0  }
0x181: {  	[hbm4b:s1+s3] =	stream.linear.scatter [tilespmem:s6], [sflag:$0x6], $0x80, $0x38;
	[tilespmem:$0x16C00] =	vst v63  }
0x182: {  	s8 =	sadd.s32 $0x10688, s0;
	s12 =	sadd.s32 $0x10, s1  }
0x183: {  	[hbm4b:s12+s3] =	stream.linear.scatter [tilespmem:s8], [sflag:$0x6], $0x80, $0x38;
	[tilespmem:$0x16C00] =	vst v63  }
0x184: {  	s8 =	sadd.s32 $0x10710, s0;
	s12 =	sadd.s32 $0x20, s1  }
0x185: {  	[hbm4b:s12+s3] =	stream.linear.scatter [tilespmem:s8], [sflag:$0x6], $0x80, $0x38;
	[tilespmem:$0x16C00] =	vst v63  }
0x186: {  	s8 =	sadd.s32 $0x10798, s0;
	s12 =	sadd.s32 $0x30, s1  }
0x187: {  	[hbm4b:s12+s3] =	stream.linear.scatter [tilespmem:s8], [sflag:$0x6], $0x80, $0x38;
	[tilespmem:$0x16C00] =	vst v63  }
0x188: {  	s8 =	sadd.s32 $0x10820, s0;
	s12 =	sadd.s32 $0x40, s1  }
0x189: {  	[hbm4b:s12+s3] =	stream.linear.scatter [tilespmem:s8], [sflag:$0x6], $0x80, $0x38;
	[tilespmem:$0x16C00] =	vst v63  }
0x18a: {  	s8 =	sadd.s32 $0x108A8, s0;
	s12 =	sadd.s32 $0x50, s1  }
0x18b: {  	[hbm4b:s12+s3] =	stream.linear.scatter [tilespmem:s8], [sflag:$0x6], $0x80, $0x38;
	[tilespmem:$0x16C00] =	vst v63  }
.Ltmp7:
0x18c: {  	_ = 	snop;
	(pc) =	sbr.rel @p1 .LBB2_16-.Ltmp7, $4  }
0x18d: {  	s8 =	sadd.s32 $0x10930, s0;
	s12 =	sadd.s32 $0x60, s1  }
0x18e: {  	[hbm4b:s12+s3] =	stream.linear.scatter [tilespmem:s8], [sflag:$0x6], $0x80, $0x38;
	[tilespmem:$0x16C00] =	vst v63  }
0x18f: {  	s8 =	sadd.s32 $0x109B8, s0;
	s12 =	sadd.s32 $0x70, s1  }
0x190: {  	[hbm4b:s12+s3] =	stream.linear.scatter [tilespmem:s8], [sflag:$0x6], $0x80, $0x38;
	[tilespmem:$0x16C00] =	vst v63  }
.Ltmp8:
0x191: {  	(pc) =	sbr.rel .LBB2_17-.Ltmp8, $4  }
0x192: {  	_ = 	snop  }
0x193: {  	_ =	swait.ge [sflag:s20], $0x2000  }
0x194: {  	[sflag:s20] =	ssyncset.done $0x0  }
0x195: {  	[sflag:s20] =	ssyncadd.s32 $0xFFFFE000  }
.LBB2_16:
0x196: {  	s0 =	sshll.u32 s29, $0x9  }
0x197: {  	s0 =	sand.u32 $0x3FFFFE00, s0  }
.Ltmp9:
0x198: {  	s0 =	sadd.s32 $0x280, s0;
	(pc) =	sbr.rel @p0 .LBB2_18-.Ltmp9, $4  }
0x199: {  	[tilespmem:s11], [sflag:$0x2] =	stream.indirect.gather [hbm4b:s4+s9], $0x40, s0, s9, $0xb8;
	[tilespmem:$0x16C00] =	vst v63  }
0x19a: {  	_ =	swait.ge [sflag:s20], $0x2000  }
0x19b: {  	[sflag:s20] =	ssyncset.done $0x0  }
0x19c: {  	[sflag:s20] =	ssyncadd.s32 $0xFFFFE000  }
.LBB2_17:
0x19d: {  	_ =	swait.ge [sflag:s21], $0x2000  }
0x19e: {  	[sflag:s21] =	ssyncset.done $0x0  }
0x19f: {  	[sflag:s21] =	ssyncadd.s32 $0xFFFFE000  }
.LBB2_18:
0x1a0: {  	s0 =	simm.s32 $0x0  }
0x1a1: {  	v4 =	vmov s0  }
0x1a2: {  	s0 =	simm.s32 $0xA4F0;
	v4 =	vand.u32 $0x7C, v4  }
0x1a3: {  	v5 =	vld [tilespmem:s0+$0xFFFFFF10];
	v6 =	vadd.s32 v0, v4;
	_ =	sdelay $0x4  }
0x1a4: {  	[tilespmem:v6+s22+$0x0] =	vst.idx.msk $0xffff, v5  }
0x1a5: {  	v6 =	vadd.s32 v1, v4;
	v5 =	vld [tilespmem:s0+$0xFFFFFF20];
	_ =	sdelay $0x4  }
0x1a6: {  	[tilespmem:v6+s22+$0x0] =	vst.idx.msk $0xffff, v5  }
0x1a7: {  	v6 =	vadd.s32 v2, v4;
	v5 =	vld [tilespmem:s0+$0xFFFFFF30];
	_ =	sdelay $0x4  }
0x1a8: {  	[tilespmem:v6+s22+$0x0] =	vst.idx.msk $0xffff, v5  }
0x1a9: {  	v4 =	vadd.s32 v3, v4;
	v5 =	vld [tilespmem:s0+$0xFFFFFF40];
	_ =	sdelay $0x2  }
0x1aa: {  	s1 =	simm.s32 $0x1  }
0x1ab: {  	v6 =	vmov s1  }
0x1ac: {  	[tilespmem:v4+s22+$0x0] =	vst.idx.msk $0xffff, v5;
	v4 =	vand.u32 $0x7D, v6  }
0x1ad: {  	v5 =	vld [tilespmem:s0+$0xFFFFFF50];
	v6 =	vadd.s32 v0, v4;
	_ =	sdelay $0x4  }
0x1ae: {  	[tilespmem:v6+s22+$0x0] =	vst.idx.msk $0xffff, v5  }
0x1af: {  	v6 =	vadd.s32 v1, v4;
	v5 =	vld [tilespmem:s0+$0xFFFFFF60];
	_ =	sdelay $0x4  }
0x1b0: {  	[tilespmem:v6+s22+$0x0] =	vst.idx.msk $0xffff, v5  }
0x1b1: {  	v6 =	vadd.s32 v2, v4;
	v5 =	vld [tilespmem:s0+$0xFFFFFF70];
	_ =	sdelay $0x4  }
0x1b2: {  	[tilespmem:v6+s22+$0x0] =	vst.idx.msk $0xffff, v5  }
0x1b3: {  	v4 =	vadd.s32 v3, v4;
	v5 =	vld [tilespmem:s0+$0xFFFFFF80];
	_ =	sdelay $0x2  }
0x1b4: {  	s8 =	simm.s32 $0x2  }
0x1b5: {  	v6 =	vmov s8  }
0x1b6: {  	[tilespmem:v4+s22+$0x0] =	vst.idx.msk $0xffff, v5;
	v4 =	vand.u32 $0x7E, v6  }
0x1b7: {  	v5 =	vld [tilespmem:s0+$0xFFFFFF90];
	v6 =	vadd.s32 v0, v4;
	_ =	sdelay $0x4  }
0x1b8: {  	[tilespmem:v6+s22+$0x0] =	vst.idx.msk $0xffff, v5  }
0x1b9: {  	v6 =	vadd.s32 v1, v4;
	v5 =	vld [tilespmem:s0+$0xFFFFFFA0];
	_ =	sdelay $0x4  }
0x1ba: {  	[tilespmem:v6+s22+$0x0] =	vst.idx.msk $0xffff, v5  }
0x1bb: {  	v6 =	vadd.s32 v2, v4;
	v5 =	vld [tilespmem:s0+$0xFFFFFFB0];
	_ =	sdelay $0x4  }
0x1bc: {  	[tilespmem:v6+s22+$0x0] =	vst.idx.msk $0xffff, v5  }
0x1bd: {  	v4 =	vadd.s32 v3, v4;
	v5 =	vld [tilespmem:s0+$0xFFFFFFC0];
	_ =	sdelay $0x2  }
0x1be: {  	s12 =	simm.s32 $0x3  }
0x1bf: {  	v6 =	vmov s12  }
0x1c0: {  	[tilespmem:v4+s22+$0x0] =	vst.idx.msk $0xffff, v5;
	v5 =	vand.u32 $0x7F, v6  }
0x1c1: {  	v4 =	vld [tilespmem:s0+$0xFFFFFFD0];
	v6 =	vadd.s32 v0, v5;
	_ =	sdelay $0x4  }
0x1c2: {  	[tilespmem:v6+s22+$0x0] =	vst.idx.msk $0xffff, v4  }
0x1c3: {  	v6 =	vadd.s32 v1, v5;
	v4 =	vld [tilespmem:s0+$0xFFFFFFE0];
	_ =	sdelay $0x4  }
0x1c4: {  	[tilespmem:v6+s22+$0x0] =	vst.idx.msk $0xffff, v4  }
0x1c5: {  	v6 =	vadd.s32 v2, v5;
	v4 =	vld [tilespmem:s0+$0xFFFFFFF0];
	_ =	sdelay $0x4  }
0x1c6: {  	[tilespmem:v6+s22+$0x0] =	vst.idx.msk $0xffff, v4  }
0x1c7: {  	v5 =	vadd.s32 v3, v5;
	v4 =	vld [tilespmem:s0+$0x0];
	_ =	sdelay $0x2  }
0x1c8: {  	s12 =	simm.s32 $0x4  }
0x1c9: {  	s6 =	simm.s32 $0x8;
	s1 =	sor.u32 $0x2, s31;
	v6 =	vmov s12  }
.LBB2_19:
0x1ca: {  	p2 =	slt.u32 s6, $0x7C;
	v6 =	vand.u32 $0x7C, v6;
	[tilespmem:v5+s22+$0x0] =	vst.idx.msk $0xffff, v4;
	s0 =	sadd.s32 $0x100, s0  }
0x1cb: {  	v4 =	vld [tilespmem:s0+$0xFFFFFF10];
	v5 =	vadd.s32 v0, v6;
	_ =	sdelay $0x4  }
0x1cc: {  	[tilespmem:v5+s22+$0x0] =	vst.idx.msk $0xffff, v4  }
0x1cd: {  	v5 =	vadd.s32 v1, v6;
	v4 =	vld [tilespmem:s0+$0xFFFFFF20];
	_ =	sdelay $0x4  }
0x1ce: {  	[tilespmem:v5+s22+$0x0] =	vst.idx.msk $0xffff, v4  }
0x1cf: {  	v5 =	vadd.s32 v2, v6;
	v4 =	vld [tilespmem:s0+$0xFFFFFF30];
	_ =	sdelay $0x4  }
0x1d0: {  	[tilespmem:v5+s22+$0x0] =	vst.idx.msk $0xffff, v4  }
0x1d1: {  	v5 =	vadd.s32 v3, v6;
	v4 =	vld [tilespmem:s0+$0xFFFFFF40];
	_ =	sdelay $0x2  }
0x1d2: {  	s7 =	sadd.s32 $0x1, s12  }
0x1d3: {  	v6 =	vmov s7  }
0x1d4: {  	[tilespmem:v5+s22+$0x0] =	vst.idx.msk $0xffff, v4;
	v4 =	vand.u32 $0x7D, v6  }
0x1d5: {  	v5 =	vld [tilespmem:s0+$0xFFFFFF50];
	v6 =	vadd.s32 v0, v4;
	_ =	sdelay $0x4  }
0x1d6: {  	[tilespmem:v6+s22+$0x0] =	vst.idx.msk $0xffff, v5  }
0x1d7: {  	v6 =	vadd.s32 v1, v4;
	v5 =	vld [tilespmem:s0+$0xFFFFFF60];
	_ =	sdelay $0x4  }
0x1d8: {  	[tilespmem:v6+s22+$0x0] =	vst.idx.msk $0xffff, v5  }
0x1d9: {  	v6 =	vadd.s32 v2, v4;
	v5 =	vld [tilespmem:s0+$0xFFFFFF70];
	_ =	sdelay $0x4  }
0x1da: {  	[tilespmem:v6+s22+$0x0] =	vst.idx.msk $0xffff, v5  }
0x1db: {  	v4 =	vadd.s32 v3, v4;
	v5 =	vld [tilespmem:s0+$0xFFFFFF80];
	_ =	sdelay $0x2  }
0x1dc: {  	s7 =	sadd.s32 $0x2, s12  }
0x1dd: {  	v6 =	vmov s7  }
0x1de: {  	[tilespmem:v4+s22+$0x0] =	vst.idx.msk $0xffff, v5;
	v4 =	vand.u32 $0x7E, v6  }
0x1df: {  	v5 =	vld [tilespmem:s0+$0xFFFFFF90];
	v6 =	vadd.s32 v0, v4;
	_ =	sdelay $0x4  }
0x1e0: {  	[tilespmem:v6+s22+$0x0] =	vst.idx.msk $0xffff, v5  }
0x1e1: {  	v6 =	vadd.s32 v1, v4;
	v5 =	vld [tilespmem:s0+$0xFFFFFFA0];
	_ =	sdelay $0x4  }
0x1e2: {  	[tilespmem:v6+s22+$0x0] =	vst.idx.msk $0xffff, v5  }
0x1e3: {  	v6 =	vadd.s32 v2, v4;
	v5 =	vld [tilespmem:s0+$0xFFFFFFB0];
	_ =	sdelay $0x4  }
0x1e4: {  	[tilespmem:v6+s22+$0x0] =	vst.idx.msk $0xffff, v5  }
0x1e5: {  	v4 =	vadd.s32 v3, v4;
	v5 =	vld [tilespmem:s0+$0xFFFFFFC0];
	_ =	sdelay $0x2  }
0x1e6: {  	s7 =	sadd.s32 $0x3, s12;
	s12 =	smov.u32 s6  }
0x1e7: {  	v6 =	vmov s7  }
0x1e8: {  	[tilespmem:v4+s22+$0x0] =	vst.idx.msk $0xffff, v5;
	v5 =	vand.u32 $0x7F, v6  }
0x1e9: {  	v4 =	vld [tilespmem:s0+$0xFFFFFFD0];
	v6 =	vadd.s32 v0, v5;
	_ =	sdelay $0x4  }
0x1ea: {  	[tilespmem:v6+s22+$0x0] =	vst.idx.msk $0xffff, v4  }
0x1eb: {  	v6 =	vadd.s32 v1, v5;
	v4 =	vld [tilespmem:s0+$0xFFFFFFE0];
	_ =	sdelay $0x4  }
0x1ec: {  	[tilespmem:v6+s22+$0x0] =	vst.idx.msk $0xffff, v4  }
0x1ed: {  	v6 =	vadd.s32 v2, v5;
	v4 =	vld [tilespmem:s0+$0xFFFFFFF0];
	_ =	sdelay $0x4  }
0x1ee: {  	[tilespmem:v6+s22+$0x0] =	vst.idx.msk $0xffff, v4  }
.Ltmp10:
0x1ef: {  	v5 =	vadd.s32 v3, v5;
	v4 =	vld [tilespmem:s0+$0x0];
	(pc) =	sbr.rel @p2 .LBB2_19-.Ltmp10, $2  }
0x1f0: {  	_ =	sdelay $0x2  }
0x1f1: {  	s6 =	sadd.s32 $0x4, s6;
	v6 =	vmov s12  }
0x1f2: {  	_ =	sdelay $0x3  }
0x1f3: {  	v6 =	vand.u32 $0x7C, v6;
	[tilespmem:v5+s22+$0x0] =	vst.idx.msk $0xffff, v4;
	s0 =	sadd.s32 $0x100, s0  }
0x1f4: {  	v4 =	vld [tilespmem:s0+$0xFFFFFF10];
	v5 =	vadd.s32 v0, v6;
	_ =	sdelay $0x4  }
0x1f5: {  	[tilespmem:v5+s22+$0x0] =	vst.idx.msk $0xffff, v4  }
0x1f6: {  	v5 =	vadd.s32 v1, v6;
	v4 =	vld [tilespmem:s0+$0xFFFFFF20];
	_ =	sdelay $0x4  }
0x1f7: {  	[tilespmem:v5+s22+$0x0] =	vst.idx.msk $0xffff, v4  }
0x1f8: {  	v5 =	vadd.s32 v2, v6;
	v4 =	vld [tilespmem:s0+$0xFFFFFF30];
	_ =	sdelay $0x4  }
0x1f9: {  	[tilespmem:v5+s22+$0x0] =	vst.idx.msk $0xffff, v4  }
0x1fa: {  	v5 =	vadd.s32 v3, v6;
	v4 =	vld [tilespmem:s0+$0xFFFFFF40];
	_ =	sdelay $0x2  }
0x1fb: {  	s6 =	sadd.s32 $0x1, s12  }
0x1fc: {  	v55 =	vmov s6  }
0x1fd: {  	[tilespmem:v5+s22+$0x0] =	vst.idx.msk $0xffff, v4;
	v4 =	vand.u32 $0x7D, v55  }
0x1fe: {  	v5 =	vld [tilespmem:s0+$0xFFFFFF50];
	v6 =	vadd.s32 v0, v4;
	_ =	sdelay $0x4  }
0x1ff: {  	[tilespmem:v6+s22+$0x0] =	vst.idx.msk $0xffff, v5  }
0x200: {  	v56 =	vadd.s32 v1, v4;
	v5 =	vld [tilespmem:s0+$0xFFFFFF60];
	_ =	sdelay $0x4  }
0x201: {  	[tilespmem:v56+s22+$0x0] =	vst.idx.msk $0xffff, v5  }
0x202: {  	v57 =	vadd.s32 v2, v4;
	v5 =	vld [tilespmem:s0+$0xFFFFFF70];
	_ =	sdelay $0x4  }
0x203: {  	[tilespmem:v57+s22+$0x0] =	vst.idx.msk $0xffff, v5  }
0x204: {  	v4 =	vadd.s32 v3, v4;
	v5 =	vld [tilespmem:s0+$0xFFFFFF80];
	_ =	sdelay $0x2  }
0x205: {  	s8 =	sadd.s32 $0x2, s12  }
0x206: {  	v58 =	vmov s8  }
0x207: {  	[tilespmem:v4+s22+$0x0] =	vst.idx.msk $0xffff, v5;
	v4 =	vand.u32 $0x7E, v58  }
0x208: {  	v5 =	vld [tilespmem:s0+$0xFFFFFF90];
	v6 =	vadd.s32 v0, v4;
	_ =	sdelay $0x4  }
0x209: {  	[tilespmem:v6+s22+$0x0] =	vst.idx.msk $0xffff, v5  }
0x20a: {  	v59 =	vadd.s32 v1, v4;
	v5 =	vld [tilespmem:s0+$0xFFFFFFA0];
	_ =	sdelay $0x4  }
0x20b: {  	[tilespmem:v59+s22+$0x0] =	vst.idx.msk $0xffff, v5  }
0x20c: {  	v60 =	vadd.s32 v2, v4;
	v5 =	vld [tilespmem:s0+$0xFFFFFFB0];
	_ =	sdelay $0x4  }
0x20d: {  	[tilespmem:v60+s22+$0x0] =	vst.idx.msk $0xffff, v5  }
0x20e: {  	v4 =	vadd.s32 v3, v4;
	v5 =	vld [tilespmem:s0+$0xFFFFFFC0];
	_ =	sdelay $0x2  }
0x20f: {  	s12 =	sadd.s32 $0x3, s12  }
0x210: {  	v61 =	vmov s12  }
0x211: {  	[tilespmem:v4+s22+$0x0] =	vst.idx.msk $0xffff, v5;
	v4 =	vand.u32 $0x7F, v61  }
0x212: {  	v5 =	vld [tilespmem:s0+$0xFFFFFFD0];
	v6 =	vadd.s32 v0, v4;
	_ =	sdelay $0x4  }
0x213: {  	[tilespmem:v6+s22+$0x0] =	vst.idx.msk $0xffff, v5  }
0x214: {  	v62 =	vadd.s32 v1, v4;
	v5 =	vld [tilespmem:s0+$0xFFFFFFE0];
	_ =	sdelay $0x4  }
0x215: {  	[tilespmem:v62+s22+$0x0] =	vst.idx.msk $0xffff, v5  }
0x216: {  	v63 =	vadd.s32 v2, v4;
	v5 =	vld [tilespmem:s0+$0xFFFFFFF0];
	_ =	sdelay $0x4  }
0x217: {  	[tilespmem:v63+s22+$0x0] =	vst.idx.msk $0xffff, v5  }
0x218: {  	v4 =	vadd.s32 v3, v4;
	v5 =	vld [tilespmem:s0+$0x0]  }
0x219: {  	s31 =	sadd.s32 s5, s1  }
0x21a: {  	s1 =	sshll.u32 s31, $0x7  }
0x21b: {  	s1 =	sand.u32 $0x3F00, s1;
	s0 =	sshll.u32 s31, $0xA  }
0x21c: {  	s1 =	sadd.s32 s2, s1;
	s0 =	sand.u32 $0xFFE0000, s0  }
0x21d: {  	s6 =	simm.s32 $0x12800;
	s1 =	sadd.s32 s0, s1;
	[tilespmem:v4+s22+$0x0] =	vst.idx.msk $0xffff, v5  }
0x21e: {  	[hbm4b:s1+s3] =	stream.linear.scatter [tilespmem:s6], [sflag:$0x7], $0x80, $0x38;
	[tilespmem:$0x16C00] =	vst v63  }
0x21f: {  	s7 =	simm.s32 $0x12888;
	s8 =	sadd.s32 $0x10, s1  }
0x220: {  	[hbm4b:s8+s3] =	stream.linear.scatter [tilespmem:s7], [sflag:$0x7], $0x80, $0x38;
	[tilespmem:$0x16C00] =	vst v63  }
0x221: {  	s12 =	simm.s32 $0x12910;
	s31 =	sadd.s32 $0x20, s1  }
0x222: {  	[hbm4b:s31+s3] =	stream.linear.scatter [tilespmem:s12], [sflag:$0x7], $0x80, $0x38;
	[tilespmem:$0x16C00] =	vst v63  }
0x223: {  	s7 =	simm.s32 $0x12998;
	s8 =	sadd.s32 $0x30, s1  }
0x224: {  	[hbm4b:s8+s3] =	stream.linear.scatter [tilespmem:s7], [sflag:$0x7], $0x80, $0x38;
	[tilespmem:$0x16C00] =	vst v63  }
0x225: {  	s12 =	simm.s32 $0x12A20;
	s31 =	sadd.s32 $0x40, s1  }
0x226: {  	[hbm4b:s31+s3] =	stream.linear.scatter [tilespmem:s12], [sflag:$0x7], $0x80, $0x38;
	[tilespmem:$0x16C00] =	vst v63  }
0x227: {  	s0 =	simm.s32 $0x440;
	s7 =	simm.s32 $0x12AA8;
	s8 =	sadd.s32 $0x50, s1  }
0x228: {  	[hbm4b:s8+s3] =	stream.linear.scatter [tilespmem:s7], [sflag:$0x7], $0x80, $0x38;
	[tilespmem:$0x16C00] =	vst v63  }
0x229: {  	s6 =	simm.s32 $0x2200;
	s12 =	simm.s32 $0x12B30;
	s31 =	sadd.s32 $0x60, s1  }
0x22a: {  	[hbm4b:s31+s3] =	stream.linear.scatter [tilespmem:s12], [sflag:$0x7], $0x80, $0x38;
	[tilespmem:$0x16C00] =	vst v63  }
0x22b: {  	s7 =	sadd.s32 $0x70, s1;
	s1 =	sadd.s32 $0x4000, s1;
	s12 =	simm.s32 $0x12BB8  }
.LBB2_21:
0x22c: {  	[hbm4b:s7+s3] =	stream.linear.scatter [tilespmem:s12], [sflag:$0x7], $0x80, $0x38;
	[tilespmem:$0x16C00] =	vst v63  }
0x22d: {  	s7 =	smov.u32 s0;
	s0 =	smov.u32 s6  }
0x22e: {  	s8 =	sadd.s32 $0x1100, s6;
	s0 =	sshra.s32 s0, $0x2;
	s12 =	sadd.s32 $0x12800, s7  }
0x22f: {  	[hbm4b:s1+s3] =	stream.linear.scatter [tilespmem:s12], [sflag:$0x7], $0x80, $0x38;
	[tilespmem:$0x16C00] =	vst v63  }
0x230: {  	p2 =	sne.s32 s6, $0x7700;
	s6 =	sadd.s32 $0x12888, s7;
	s12 =	sadd.s32 $0x10, s1  }
0x231: {  	[hbm4b:s12+s3] =	stream.linear.scatter [tilespmem:s6], [sflag:$0x7], $0x80, $0x38;
	[tilespmem:$0x16C00] =	vst v63  }
0x232: {  	s6 =	sadd.s32 $0x12910, s7;
	s12 =	sadd.s32 $0x20, s1  }
0x233: {  	[hbm4b:s12+s3] =	stream.linear.scatter [tilespmem:s6], [sflag:$0x7], $0x80, $0x38;
	[tilespmem:$0x16C00] =	vst v63  }
0x234: {  	s6 =	sadd.s32 $0x12998, s7;
	s12 =	sadd.s32 $0x30, s1  }
0x235: {  	[hbm4b:s12+s3] =	stream.linear.scatter [tilespmem:s6], [sflag:$0x7], $0x80, $0x38;
	[tilespmem:$0x16C00] =	vst v63  }
0x236: {  	s6 =	sadd.s32 $0x12A20, s7;
	s12 =	sadd.s32 $0x40, s1  }
0x237: {  	[hbm4b:s12+s3] =	stream.linear.scatter [tilespmem:s6], [sflag:$0x7], $0x80, $0x38;
	[tilespmem:$0x16C00] =	vst v63  }
0x238: {  	s6 =	sadd.s32 $0x12AA8, s7;
	s12 =	sadd.s32 $0x50, s1  }
0x239: {  	[hbm4b:s12+s3] =	stream.linear.scatter [tilespmem:s6], [sflag:$0x7], $0x80, $0x38;
	[tilespmem:$0x16C00] =	vst v63  }
.Ltmp11:
0x23a: {  	_ = 	snop;
	(pc) =	sbr.rel @p2 .LBB2_21-.Ltmp11, $4  }
0x23b: {  	s6 =	sadd.s32 $0x12B30, s7;
	s12 =	sadd.s32 $0x60, s1  }
0x23c: {  	[hbm4b:s12+s3] =	stream.linear.scatter [tilespmem:s6], [sflag:$0x7], $0x80, $0x38;
	[tilespmem:$0x16C00] =	vst v63  }
0x23d: {  	s12 =	sadd.s32 $0x12BB8, s7  }
0x23e: {  	s7 =	sadd.s32 $0x70, s1;
	s1 =	sadd.s32 $0x4000, s1;
	s6 =	smov.u32 s8  }
0x23f: {  	[hbm4b:s7+s3] =	stream.linear.scatter [tilespmem:s12], [sflag:$0x7], $0x80, $0x38;
	[tilespmem:$0x16C00] =	vst v63  }
0x240: {  	s6 =	sadd.s32 $0x12800, s0  }
0x241: {  	[hbm4b:s1+s3] =	stream.linear.scatter [tilespmem:s6], [sflag:$0x7], $0x80, $0x38;
	[tilespmem:$0x16C00] =	vst v63  }
0x242: {  	s12 =	sadd.s32 $0x12888, s0;
	s31 =	sadd.s32 $0x10, s1  }
0x243: {  	[hbm4b:s31+s3] =	stream.linear.scatter [tilespmem:s12], [sflag:$0x7], $0x80, $0x38;
	[tilespmem:$0x16C00] =	vst v63  }
0x244: {  	s7 =	sadd.s32 $0x12910, s0;
	s8 =	sadd.s32 $0x20, s1  }
0x245: {  	[hbm4b:s8+s3] =	stream.linear.scatter [tilespmem:s7], [sflag:$0x7], $0x80, $0x38;
	[tilespmem:$0x16C00] =	vst v63  }
0x246: {  	s12 =	sadd.s32 $0x12998, s0;
	s31 =	sadd.s32 $0x30, s1  }
0x247: {  	[hbm4b:s31+s3] =	stream.linear.scatter [tilespmem:s12], [sflag:$0x7], $0x80, $0x38;
	[tilespmem:$0x16C00] =	vst v63  }
0x248: {  	s7 =	sadd.s32 $0x12A20, s0;
	s8 =	sadd.s32 $0x40, s1  }
0x249: {  	[hbm4b:s8+s3] =	stream.linear.scatter [tilespmem:s7], [sflag:$0x7], $0x80, $0x38;
	[tilespmem:$0x16C00] =	vst v63  }
0x24a: {  	s12 =	sadd.s32 $0x12AA8, s0;
	s31 =	sadd.s32 $0x50, s1  }
0x24b: {  	[hbm4b:s31+s3] =	stream.linear.scatter [tilespmem:s12], [sflag:$0x7], $0x80, $0x38;
	[tilespmem:$0x16C00] =	vst v63  }
.Ltmp12:
0x24c: {  	_ = 	snop;
	(pc) =	sbr.rel @p1 .LBB2_24-.Ltmp12, $4  }
0x24d: {  	s7 =	sadd.s32 $0x12B30, s0;
	s8 =	sadd.s32 $0x60, s1  }
0x24e: {  	[hbm4b:s8+s3] =	stream.linear.scatter [tilespmem:s7], [sflag:$0x7], $0x80, $0x38;
	[tilespmem:$0x16C00] =	vst v63  }
0x24f: {  	s12 =	sadd.s32 $0x12BB8, s0;
	s31 =	sadd.s32 $0x70, s1  }
0x250: {  	[hbm4b:s31+s3] =	stream.linear.scatter [tilespmem:s12], [sflag:$0x7], $0x80, $0x38;
	[tilespmem:$0x16C00] =	vst v63  }
.Ltmp13:
0x251: {  	(pc) =	sbr.rel .LBB2_25-.Ltmp13, $4  }
0x252: {  	_ = 	snop  }
0x253: {  	_ =	swait.ge [sflag:s23], $0x2000  }
0x254: {  	[sflag:s23] =	ssyncset.done $0x0  }
0x255: {  	[sflag:s23] =	ssyncadd.s32 $0xFFFFE000  }
.LBB2_24:
0x256: {  	s0 =	sshll.u32 s29, $0x9  }
0x257: {  	s0 =	sand.u32 $0x3FFFFE00, s0  }
.Ltmp14:
0x258: {  	s0 =	sadd.s32 $0x300, s0;
	(pc) =	sbr.rel @p0 .LBB2_26-.Ltmp14, $4  }
0x259: {  	[tilespmem:s13], [sflag:$0x3] =	stream.indirect.gather [hbm4b:s4+s9], $0x40, s0, s9, $0xb8;
	[tilespmem:$0x16C00] =	vst v63  }
0x25a: {  	_ =	swait.ge [sflag:s23], $0x2000  }
0x25b: {  	[sflag:s23] =	ssyncset.done $0x0  }
0x25c: {  	[sflag:s23] =	ssyncadd.s32 $0xFFFFE000  }
.LBB2_25:
0x25d: {  	_ =	swait.ge [sflag:s24], $0x2000  }
0x25e: {  	[sflag:s24] =	ssyncset.done $0x0  }
0x25f: {  	[sflag:s24] =	ssyncadd.s32 $0xFFFFE000  }
.LBB2_26:
0x260: {  	s0 =	simm.s32 $0x0  }
0x261: {  	v4 =	vmov s0  }
0x262: {  	s0 =	simm.s32 $0xC4F0;
	v4 =	vand.u32 $0x7C, v4  }
0x263: {  	v5 =	vld [tilespmem:s0+$0xFFFFFF10];
	v6 =	vadd.s32 v0, v4;
	_ =	sdelay $0x4  }
0x264: {  	[tilespmem:v6+s25+$0x0] =	vst.idx.msk $0xffff, v5  }
0x265: {  	v6 =	vadd.s32 v1, v4;
	v5 =	vld [tilespmem:s0+$0xFFFFFF20];
	_ =	sdelay $0x4  }
0x266: {  	[tilespmem:v6+s25+$0x0] =	vst.idx.msk $0xffff, v5  }
0x267: {  	v6 =	vadd.s32 v2, v4;
	v5 =	vld [tilespmem:s0+$0xFFFFFF30];
	_ =	sdelay $0x4  }
0x268: {  	[tilespmem:v6+s25+$0x0] =	vst.idx.msk $0xffff, v5  }
0x269: {  	v4 =	vadd.s32 v3, v4;
	v5 =	vld [tilespmem:s0+$0xFFFFFF40];
	_ =	sdelay $0x2  }
0x26a: {  	s1 =	simm.s32 $0x1  }
0x26b: {  	v6 =	vmov s1  }
0x26c: {  	[tilespmem:v4+s25+$0x0] =	vst.idx.msk $0xffff, v5;
	v4 =	vand.u32 $0x7D, v6  }
0x26d: {  	v5 =	vld [tilespmem:s0+$0xFFFFFF50];
	v6 =	vadd.s32 v0, v4;
	_ =	sdelay $0x4  }
0x26e: {  	[tilespmem:v6+s25+$0x0] =	vst.idx.msk $0xffff, v5  }
0x26f: {  	v6 =	vadd.s32 v1, v4;
	v5 =	vld [tilespmem:s0+$0xFFFFFF60];
	_ =	sdelay $0x4  }
0x270: {  	[tilespmem:v6+s25+$0x0] =	vst.idx.msk $0xffff, v5  }
0x271: {  	v6 =	vadd.s32 v2, v4;
	v5 =	vld [tilespmem:s0+$0xFFFFFF70];
	_ =	sdelay $0x4  }
0x272: {  	[tilespmem:v6+s25+$0x0] =	vst.idx.msk $0xffff, v5  }
0x273: {  	v4 =	vadd.s32 v3, v4;
	v5 =	vld [tilespmem:s0+$0xFFFFFF80];
	_ =	sdelay $0x2  }
0x274: {  	s12 =	simm.s32 $0x2  }
0x275: {  	v6 =	vmov s12  }
0x276: {  	[tilespmem:v4+s25+$0x0] =	vst.idx.msk $0xffff, v5;
	v4 =	vand.u32 $0x7E, v6  }
0x277: {  	v5 =	vld [tilespmem:s0+$0xFFFFFF90];
	v6 =	vadd.s32 v0, v4;
	_ =	sdelay $0x4  }
0x278: {  	[tilespmem:v6+s25+$0x0] =	vst.idx.msk $0xffff, v5  }
0x279: {  	v6 =	vadd.s32 v1, v4;
	v5 =	vld [tilespmem:s0+$0xFFFFFFA0];
	_ =	sdelay $0x4  }
0x27a: {  	[tilespmem:v6+s25+$0x0] =	vst.idx.msk $0xffff, v5  }
0x27b: {  	v6 =	vadd.s32 v2, v4;
	v5 =	vld [tilespmem:s0+$0xFFFFFFB0];
	_ =	sdelay $0x4  }
0x27c: {  	[tilespmem:v6+s25+$0x0] =	vst.idx.msk $0xffff, v5  }
0x27d: {  	v4 =	vadd.s32 v3, v4;
	v5 =	vld [tilespmem:s0+$0xFFFFFFC0];
	_ =	sdelay $0x2  }
0x27e: {  	s31 =	simm.s32 $0x3  }
0x27f: {  	v6 =	vmov s31  }
0x280: {  	[tilespmem:v4+s25+$0x0] =	vst.idx.msk $0xffff, v5;
	v5 =	vand.u32 $0x7F, v6  }
0x281: {  	v4 =	vld [tilespmem:s0+$0xFFFFFFD0];
	v6 =	vadd.s32 v0, v5;
	_ =	sdelay $0x4  }
0x282: {  	[tilespmem:v6+s25+$0x0] =	vst.idx.msk $0xffff, v4  }
0x283: {  	v6 =	vadd.s32 v1, v5;
	v4 =	vld [tilespmem:s0+$0xFFFFFFE0];
	_ =	sdelay $0x4  }
0x284: {  	[tilespmem:v6+s25+$0x0] =	vst.idx.msk $0xffff, v4  }
0x285: {  	v6 =	vadd.s32 v2, v5;
	v4 =	vld [tilespmem:s0+$0xFFFFFFF0];
	_ =	sdelay $0x4  }
0x286: {  	[tilespmem:v6+s25+$0x0] =	vst.idx.msk $0xffff, v4  }
0x287: {  	v5 =	vadd.s32 v3, v5;
	v4 =	vld [tilespmem:s0+$0x0];
	_ =	sdelay $0x2  }
0x288: {  	s1 =	simm.s32 $0x4  }
0x289: {  	s6 =	simm.s32 $0x8;
	v6 =	vmov s1  }
.LBB2_27:
0x28a: {  	p0 =	slt.u32 s6, $0x7C;
	v6 =	vand.u32 $0x7C, v6;
	[tilespmem:v5+s25+$0x0] =	vst.idx.msk $0xffff, v4;
	s0 =	sadd.s32 $0x100, s0  }
0x28b: {  	v4 =	vld [tilespmem:s0+$0xFFFFFF10];
	v5 =	vadd.s32 v0, v6;
	_ =	sdelay $0x4  }
0x28c: {  	[tilespmem:v5+s25+$0x0] =	vst.idx.msk $0xffff, v4  }
0x28d: {  	v5 =	vadd.s32 v1, v6;
	v4 =	vld [tilespmem:s0+$0xFFFFFF20];
	_ =	sdelay $0x4  }
0x28e: {  	[tilespmem:v5+s25+$0x0] =	vst.idx.msk $0xffff, v4  }
0x28f: {  	v5 =	vadd.s32 v2, v6;
	v4 =	vld [tilespmem:s0+$0xFFFFFF30];
	_ =	sdelay $0x4  }
0x290: {  	[tilespmem:v5+s25+$0x0] =	vst.idx.msk $0xffff, v4  }
0x291: {  	v5 =	vadd.s32 v3, v6;
	v4 =	vld [tilespmem:s0+$0xFFFFFF40];
	_ =	sdelay $0x2  }
0x292: {  	s7 =	sadd.s32 $0x1, s1  }
0x293: {  	v6 =	vmov s7  }
0x294: {  	[tilespmem:v5+s25+$0x0] =	vst.idx.msk $0xffff, v4;
	v4 =	vand.u32 $0x7D, v6  }
0x295: {  	v5 =	vld [tilespmem:s0+$0xFFFFFF50];
	v6 =	vadd.s32 v0, v4;
	_ =	sdelay $0x4  }
0x296: {  	[tilespmem:v6+s25+$0x0] =	vst.idx.msk $0xffff, v5  }
0x297: {  	v6 =	vadd.s32 v1, v4;
	v5 =	vld [tilespmem:s0+$0xFFFFFF60];
	_ =	sdelay $0x4  }
0x298: {  	[tilespmem:v6+s25+$0x0] =	vst.idx.msk $0xffff, v5  }
0x299: {  	v6 =	vadd.s32 v2, v4;
	v5 =	vld [tilespmem:s0+$0xFFFFFF70];
	_ =	sdelay $0x4  }
0x29a: {  	[tilespmem:v6+s25+$0x0] =	vst.idx.msk $0xffff, v5  }
0x29b: {  	v4 =	vadd.s32 v3, v4;
	v5 =	vld [tilespmem:s0+$0xFFFFFF80];
	_ =	sdelay $0x2  }
0x29c: {  	s7 =	sadd.s32 $0x2, s1  }
0x29d: {  	v6 =	vmov s7  }
0x29e: {  	[tilespmem:v4+s25+$0x0] =	vst.idx.msk $0xffff, v5;
	v4 =	vand.u32 $0x7E, v6  }
0x29f: {  	v5 =	vld [tilespmem:s0+$0xFFFFFF90];
	v6 =	vadd.s32 v0, v4;
	_ =	sdelay $0x4  }
0x2a0: {  	[tilespmem:v6+s25+$0x0] =	vst.idx.msk $0xffff, v5  }
0x2a1: {  	v6 =	vadd.s32 v1, v4;
	v5 =	vld [tilespmem:s0+$0xFFFFFFA0];
	_ =	sdelay $0x4  }
0x2a2: {  	[tilespmem:v6+s25+$0x0] =	vst.idx.msk $0xffff, v5  }
0x2a3: {  	v6 =	vadd.s32 v2, v4;
	v5 =	vld [tilespmem:s0+$0xFFFFFFB0];
	_ =	sdelay $0x4  }
0x2a4: {  	[tilespmem:v6+s25+$0x0] =	vst.idx.msk $0xffff, v5  }
0x2a5: {  	v4 =	vadd.s32 v3, v4;
	v5 =	vld [tilespmem:s0+$0xFFFFFFC0];
	_ =	sdelay $0x2  }
0x2a6: {  	s7 =	sadd.s32 $0x3, s1;
	s1 =	smov.u32 s6  }
0x2a7: {  	v6 =	vmov s7  }
0x2a8: {  	[tilespmem:v4+s25+$0x0] =	vst.idx.msk $0xffff, v5;
	v5 =	vand.u32 $0x7F, v6  }
0x2a9: {  	v4 =	vld [tilespmem:s0+$0xFFFFFFD0];
	v6 =	vadd.s32 v0, v5;
	_ =	sdelay $0x4  }
0x2aa: {  	[tilespmem:v6+s25+$0x0] =	vst.idx.msk $0xffff, v4  }
0x2ab: {  	v6 =	vadd.s32 v1, v5;
	v4 =	vld [tilespmem:s0+$0xFFFFFFE0];
	_ =	sdelay $0x4  }
0x2ac: {  	[tilespmem:v6+s25+$0x0] =	vst.idx.msk $0xffff, v4  }
0x2ad: {  	v6 =	vadd.s32 v2, v5;
	v4 =	vld [tilespmem:s0+$0xFFFFFFF0];
	_ =	sdelay $0x4  }
0x2ae: {  	[tilespmem:v6+s25+$0x0] =	vst.idx.msk $0xffff, v4  }
.Ltmp15:
0x2af: {  	v5 =	vadd.s32 v3, v5;
	v4 =	vld [tilespmem:s0+$0x0];
	(pc) =	sbr.rel @p0 .LBB2_27-.Ltmp15, $2  }
0x2b0: {  	_ =	sdelay $0x2  }
0x2b1: {  	s6 =	sadd.s32 $0x4, s6;
	v6 =	vmov s1  }
0x2b2: {  	_ =	sdelay $0x3  }
0x2b3: {  	v6 =	vand.u32 $0x7C, v6;
	[tilespmem:v5+s25+$0x0] =	vst.idx.msk $0xffff, v4;
	s0 =	sadd.s32 $0x100, s0  }
0x2b4: {  	v4 =	vld [tilespmem:s0+$0xFFFFFF10];
	v5 =	vadd.s32 v0, v6;
	_ =	sdelay $0x4  }
0x2b5: {  	[tilespmem:v5+s25+$0x0] =	vst.idx.msk $0xffff, v4  }
0x2b6: {  	v5 =	vadd.s32 v1, v6;
	v4 =	vld [tilespmem:s0+$0xFFFFFF20];
	_ =	sdelay $0x4  }
0x2b7: {  	[tilespmem:v5+s25+$0x0] =	vst.idx.msk $0xffff, v4  }
0x2b8: {  	v5 =	vadd.s32 v2, v6;
	v4 =	vld [tilespmem:s0+$0xFFFFFF30];
	_ =	sdelay $0x4  }
0x2b9: {  	[tilespmem:v5+s25+$0x0] =	vst.idx.msk $0xffff, v4  }
0x2ba: {  	v5 =	vadd.s32 v3, v6;
	v4 =	vld [tilespmem:s0+$0xFFFFFF40];
	_ =	sdelay $0x2  }
0x2bb: {  	s6 =	sadd.s32 $0x1, s1  }
0x2bc: {  	v55 =	vmov s6  }
0x2bd: {  	[tilespmem:v5+s25+$0x0] =	vst.idx.msk $0xffff, v4;
	v4 =	vand.u32 $0x7D, v55  }
0x2be: {  	v5 =	vld [tilespmem:s0+$0xFFFFFF50];
	v6 =	vadd.s32 v0, v4;
	_ =	sdelay $0x4  }
0x2bf: {  	[tilespmem:v6+s25+$0x0] =	vst.idx.msk $0xffff, v5  }
0x2c0: {  	v56 =	vadd.s32 v1, v4;
	v5 =	vld [tilespmem:s0+$0xFFFFFF60];
	_ =	sdelay $0x4  }
0x2c1: {  	[tilespmem:v56+s25+$0x0] =	vst.idx.msk $0xffff, v5  }
0x2c2: {  	v57 =	vadd.s32 v2, v4;
	v5 =	vld [tilespmem:s0+$0xFFFFFF70];
	_ =	sdelay $0x4  }
0x2c3: {  	[tilespmem:v57+s25+$0x0] =	vst.idx.msk $0xffff, v5  }
0x2c4: {  	v4 =	vadd.s32 v3, v4;
	v5 =	vld [tilespmem:s0+$0xFFFFFF80];
	_ =	sdelay $0x2  }
0x2c5: {  	s7 =	sadd.s32 $0x2, s1  }
0x2c6: {  	v58 =	vmov s7  }
0x2c7: {  	[tilespmem:v4+s25+$0x0] =	vst.idx.msk $0xffff, v5;
	v4 =	vand.u32 $0x7E, v58  }
0x2c8: {  	v5 =	vld [tilespmem:s0+$0xFFFFFF90];
	v6 =	vadd.s32 v0, v4;
	_ =	sdelay $0x4  }
0x2c9: {  	[tilespmem:v6+s25+$0x0] =	vst.idx.msk $0xffff, v5  }
0x2ca: {  	v59 =	vadd.s32 v1, v4;
	v5 =	vld [tilespmem:s0+$0xFFFFFFA0];
	_ =	sdelay $0x4  }
0x2cb: {  	[tilespmem:v59+s25+$0x0] =	vst.idx.msk $0xffff, v5  }
0x2cc: {  	v60 =	vadd.s32 v2, v4;
	v5 =	vld [tilespmem:s0+$0xFFFFFFB0];
	_ =	sdelay $0x4  }
0x2cd: {  	[tilespmem:v60+s25+$0x0] =	vst.idx.msk $0xffff, v5  }
0x2ce: {  	v4 =	vadd.s32 v3, v4;
	v5 =	vld [tilespmem:s0+$0xFFFFFFC0];
	_ =	sdelay $0x2  }
0x2cf: {  	s8 =	sadd.s32 $0x3, s1  }
0x2d0: {  	v61 =	vmov s8  }
0x2d1: {  	[tilespmem:v4+s25+$0x0] =	vst.idx.msk $0xffff, v5;
	v4 =	vand.u32 $0x7F, v61  }
0x2d2: {  	v5 =	vld [tilespmem:s0+$0xFFFFFFD0];
	v6 =	vadd.s32 v0, v4;
	_ =	sdelay $0x4  }
0x2d3: {  	[tilespmem:v6+s25+$0x0] =	vst.idx.msk $0xffff, v5  }
0x2d4: {  	v62 =	vadd.s32 v1, v4;
	v5 =	vld [tilespmem:s0+$0xFFFFFFE0];
	_ =	sdelay $0x4  }
0x2d5: {  	[tilespmem:v62+s25+$0x0] =	vst.idx.msk $0xffff, v5  }
0x2d6: {  	v63 =	vadd.s32 v2, v4;
	v5 =	vld [tilespmem:s0+$0xFFFFFFF0];
	_ =	sdelay $0x4  }
0x2d7: {  	[tilespmem:v63+s25+$0x0] =	vst.idx.msk $0xffff, v5  }
0x2d8: {  	v4 =	vadd.s32 v3, v4;
	v5 =	vld [tilespmem:s0+$0x0]  }
0x2d9: {  	s12 =	sadd.s32 s5, s30  }
0x2da: {  	s30 =	sshll.u32 s12, $0x7  }
0x2db: {  	s1 =	sand.u32 $0x3F80, s30;
	s0 =	sshll.u32 s12, $0xA  }
0x2dc: {  	s1 =	sadd.s32 s2, s1;
	s0 =	sand.u32 $0xFFE0000, s0  }
0x2dd: {  	s31 =	simm.s32 $0x14A00;
	s1 =	sadd.s32 s0, s1;
	[tilespmem:v4+s25+$0x0] =	vst.idx.msk $0xffff, v5  }
0x2de: {  	[hbm4b:s1+s3] =	stream.linear.scatter [tilespmem:s31], [sflag:$0x8], $0x80, $0x38;
	[tilespmem:$0x16C00] =	vst v63  }
0x2df: {  	s6 =	simm.s32 $0x14A88;
	s7 =	sadd.s32 $0x10, s1  }
0x2e0: {  	[hbm4b:s7+s3] =	stream.linear.scatter [tilespmem:s6], [sflag:$0x8], $0x80, $0x38;
	[tilespmem:$0x16C00] =	vst v63  }
0x2e1: {  	s8 =	simm.s32 $0x14B10;
	s30 =	simm.s32 $0x14B98;
	s12 =	sadd.s32 $0x20, s1  }
0x2e2: {  	[hbm4b:s12+s3] =	stream.linear.scatter [tilespmem:s8], [sflag:$0x8], $0x80, $0x38;
	[tilespmem:$0x16C00] =	vst v63  }
0x2e3: {  	s0 =	simm.s32 $0x440;
	s31 =	sadd.s32 $0x30, s1;
	s6 =	simm.s32 $0x14C20  }
0x2e4: {  	[hbm4b:s31+s3] =	stream.linear.scatter [tilespmem:s30], [sflag:$0x8], $0x80, $0x38;
	[tilespmem:$0x16C00] =	vst v63  }
0x2e5: {  	s7 =	sadd.s32 $0x40, s1;
	s8 =	simm.s32 $0x14CA8;
	s12 =	sadd.s32 $0x50, s1  }
0x2e6: {  	[hbm4b:s7+s3] =	stream.linear.scatter [tilespmem:s6], [sflag:$0x8], $0x80, $0x38;
	[tilespmem:$0x16C00] =	vst v63  }
0x2e7: {  	s30 =	simm.s32 $0x14D30;
	s31 =	sadd.s32 $0x60, s1;
	s6 =	simm.s32 $0x2200  }
0x2e8: {  	[hbm4b:s12+s3] =	stream.linear.scatter [tilespmem:s8], [sflag:$0x8], $0x80, $0x38;
	[tilespmem:$0x16C00] =	vst v63  }
0x2e9: {  	s7 =	sadd.s32 $0x70, s1;
	s1 =	sadd.s32 $0x4000, s1;
	s12 =	simm.s32 $0x14DB8  }
0x2ea: {  	[hbm4b:s31+s3] =	stream.linear.scatter [tilespmem:s30], [sflag:$0x8], $0x80, $0x38;
	[tilespmem:$0x16C00] =	vst v63  }
.LBB2_29:
0x2eb: {  	[hbm4b:s7+s3] =	stream.linear.scatter [tilespmem:s12], [sflag:$0x8], $0x80, $0x38;
	[tilespmem:$0x16C00] =	vst v63  }
0x2ec: {  	s7 =	smov.u32 s0;
	s0 =	smov.u32 s6  }
0x2ed: {  	s8 =	sadd.s32 $0x1100, s6;
	s0 =	sshra.s32 s0, $0x2;
	s12 =	sadd.s32 $0x14A00, s7  }
0x2ee: {  	[hbm4b:s1+s3] =	stream.linear.scatter [tilespmem:s12], [sflag:$0x8], $0x80, $0x38;
	[tilespmem:$0x16C00] =	vst v63  }
0x2ef: {  	p0 =	sne.s32 s6, $0x7700;
	s6 =	sadd.s32 $0x14A88, s7;
	s12 =	sadd.s32 $0x10, s1  }
0x2f0: {  	[hbm4b:s12+s3] =	stream.linear.scatter [tilespmem:s6], [sflag:$0x8], $0x80, $0x38;
	[tilespmem:$0x16C00] =	vst v63  }
0x2f1: {  	s6 =	sadd.s32 $0x14B10, s7;
	s12 =	sadd.s32 $0x20, s1  }
0x2f2: {  	[hbm4b:s12+s3] =	stream.linear.scatter [tilespmem:s6], [sflag:$0x8], $0x80, $0x38;
	[tilespmem:$0x16C00] =	vst v63  }
0x2f3: {  	s6 =	sadd.s32 $0x14B98, s7;
	s12 =	sadd.s32 $0x30, s1  }
0x2f4: {  	[hbm4b:s12+s3] =	stream.linear.scatter [tilespmem:s6], [sflag:$0x8], $0x80, $0x38;
	[tilespmem:$0x16C00] =	vst v63  }
0x2f5: {  	s6 =	sadd.s32 $0x14C20, s7;
	s12 =	sadd.s32 $0x40, s1  }
0x2f6: {  	[hbm4b:s12+s3] =	stream.linear.scatter [tilespmem:s6], [sflag:$0x8], $0x80, $0x38;
	[tilespmem:$0x16C00] =	vst v63  }
0x2f7: {  	s6 =	sadd.s32 $0x14CA8, s7;
	s12 =	sadd.s32 $0x50, s1  }
0x2f8: {  	[hbm4b:s12+s3] =	stream.linear.scatter [tilespmem:s6], [sflag:$0x8], $0x80, $0x38;
	[tilespmem:$0x16C00] =	vst v63  }
.Ltmp16:
0x2f9: {  	_ = 	snop;
	(pc) =	sbr.rel @p0 .LBB2_29-.Ltmp16, $4  }
0x2fa: {  	s6 =	sadd.s32 $0x14D30, s7;
	s12 =	sadd.s32 $0x60, s1  }
0x2fb: {  	[hbm4b:s12+s3] =	stream.linear.scatter [tilespmem:s6], [sflag:$0x8], $0x80, $0x38;
	[tilespmem:$0x16C00] =	vst v63  }
0x2fc: {  	s12 =	sadd.s32 $0x14DB8, s7  }
0x2fd: {  	s7 =	sadd.s32 $0x70, s1;
	s1 =	sadd.s32 $0x4000, s1;
	s6 =	smov.u32 s8  }
0x2fe: {  	[hbm4b:s7+s3] =	stream.linear.scatter [tilespmem:s12], [sflag:$0x8], $0x80, $0x38;
	[tilespmem:$0x16C00] =	vst v63  }
0x2ff: {  	s6 =	sadd.s32 $0x14A00, s0  }
0x300: {  	[hbm4b:s1+s3] =	stream.linear.scatter [tilespmem:s6], [sflag:$0x8], $0x80, $0x38;
	[tilespmem:$0x16C00] =	vst v63  }
0x301: {  	s30 =	sadd.s32 $0x14A88, s0;
	s31 =	sadd.s32 $0x10, s1  }
0x302: {  	[hbm4b:s31+s3] =	stream.linear.scatter [tilespmem:s30], [sflag:$0x8], $0x80, $0x38;
	[tilespmem:$0x16C00] =	vst v63  }
0x303: {  	s8 =	sadd.s32 $0x14B10, s0;
	s12 =	sadd.s32 $0x20, s1  }
0x304: {  	[hbm4b:s12+s3] =	stream.linear.scatter [tilespmem:s8], [sflag:$0x8], $0x80, $0x38;
	[tilespmem:$0x16C00] =	vst v63  }
0x305: {  	s30 =	sadd.s32 $0x14B98, s0;
	s31 =	sadd.s32 $0x30, s1  }
0x306: {  	[hbm4b:s31+s3] =	stream.linear.scatter [tilespmem:s30], [sflag:$0x8], $0x80, $0x38;
	[tilespmem:$0x16C00] =	vst v63  }
0x307: {  	s29 =	sadd.s32 $0x1, s29;
	s8 =	sadd.s32 $0x14C20, s0;
	s12 =	sadd.s32 $0x40, s1  }
0x308: {  	[hbm4b:s12+s3] =	stream.linear.scatter [tilespmem:s8], [sflag:$0x8], $0x80, $0x38;
	[tilespmem:$0x16C00] =	vst v63  }
0x309: {  	p0 =	sne.s32 s29, $0x32;
	s30 =	sadd.s32 $0x14CA8, s0;
	s31 =	sadd.s32 $0x50, s1  }
0x30a: {  	[hbm4b:s31+s3] =	stream.linear.scatter [tilespmem:s30], [sflag:$0x8], $0x80, $0x38;
	[tilespmem:$0x16C00] =	vst v63  }
.Ltmp17:
0x30b: {  	_ = 	snop;
	(pc) =	sbr.rel @p0 .LBB2_2-.Ltmp17, $4  }
0x30c: {  	s8 =	sadd.s32 $0x14D30, s0;
	s12 =	sadd.s32 $0x60, s1  }
0x30d: {  	[hbm4b:s12+s3] =	stream.linear.scatter [tilespmem:s8], [sflag:$0x8], $0x80, $0x38;
	[tilespmem:$0x16C00] =	vst v63  }
0x30e: {  	s30 =	sadd.s32 $0x14DB8, s0;
	s31 =	sadd.s32 $0x70, s1  }
0x30f: {  	[hbm4b:s31+s3] =	stream.linear.scatter [tilespmem:s30], [sflag:$0x8], $0x80, $0x38;
	[tilespmem:$0x16C00] =	vst v63  }
0x310: {  	_ =	swait.ge [sflag:s26], $0x2000  }
0x311: {  	[sflag:s26] =	ssyncset.done $0x0  }
0x312: {  	[sflag:s26] =	ssyncadd.s32 $0xFFFFE000  }
0x313: {  	_ =	swait.ge [sflag:s18], $0x2000  }
0x314: {  	[sflag:s18] =	ssyncset.done $0x0  }
0x315: {  	[sflag:s18] =	ssyncadd.s32 $0xFFFFE000  }
0x316: {  	_ =	swait.ge [sflag:s21], $0x2000  }
0x317: {  	[sflag:s21] =	ssyncset.done $0x0  }
0x318: {  	[sflag:s21] =	ssyncadd.s32 $0xFFFFE000  }
0x319: {  	_ =	swait.ge [sflag:s24], $0x2000  }
0x31a: {  	s28 =	sadd.s32 $0x1, s28;
	s0 =	rddreg [dreg:$0x4]  }
0x31b: {  	p0 =	sne.s32 s28, s0  }
.Ltmp18:
0x31c: {  	_ = 	snop;
	(pc) =	sbr.rel @p0 .LBB2_1-.Ltmp18, $3  }
0x31d: {  	_ =	sdelay $0x1  }
0x31e: {  	[sflag:s24] =	ssyncset.done $0x0  }
0x31f: {  	[sflag:s24] =	ssyncadd.s32 $0xFFFFE000  }
0x320: {  	_ =	sfence.sel $0x180000  }
0x321: {  	[bflag:$0x0] =	sbarrier.arrive $0xFFFF  }
0x322: {  	_ =	strace $0x90000047  }
0x323: {  	s0 =	stileid.u32;
	[bflag:$0x2] =	sbarrier.arrive $0xFFFF  }
0x324: {  	p0 =	sne.s32 s0, $0x0;
	s0 =	rddreg [dreg:$0x2]  }
0x325: {  	s0 =	sadd.s32 @!p0 $0x100000, s0  }
0x326: {  	[sflag:s0] =	ssyncadd.tile.s32 @!p0 $0x1;
	_ =	shalt  }
.Lfunc_end2:
_tile_overlayer_lowered:
.L_overlay_start_2:
0x327: {  	(tag) =	ssettag $0x2  }
0x328: {  	s0 =	rddreg [dreg:$0x0];
	s2 =	stileid.u32  }
0x329: {  	s1 =	rddreg [dreg:$0x1];
	p0 =	sne.s32 s2, $0x0  }
0x32a: {  	s3 =	rddreg [dreg:$0x2];
	[bflag:$0x3] =	sbarrier.arrive $0xFFFF;
	s2 =	simm.s32 @!p0 $0x1C09  }
0x32b: {  	[timem:s3], [sflag:s2] =	dma.local @!p0 [hbm:s0], s1  }
0x32c: {  	s0 =	simm.s32 @!p0 $0x9  }
0x32d: {  	_ =	swait.ge @!p0 [sflag:s0], s1  }
0x32e: {  	s1 =	ssub.s32 @!p0 $0x0, s1;
	[sflag:s0] =	ssyncset.done @!p0 $0x0  }
0x32f: {  	[sflag:s0] =	ssyncadd.s32 @!p0 s1  }
0x330: {  	[bflag:$0x3] =	sbarrier.arrive $0xFFFF  }
0x331: {  	_ =	shalt  }

</sc_bundles>
